<compile_context>
chip_gen: v7x
topology: tpu7x:2x2x1
jax: 0.10.2.dev20260603
libtpu: 0.0.44.dev20260713+nightly
codegen_flags: <defaults>
</compile_context>

<pallas_src>
import functools

import jax
import jax.numpy as jnp
from jax import lax
from jax.experimental import pallas as pl
from jax.experimental.pallas import tpu as pltpu
from jax.experimental.pallas import tpu_sc as plsc

N = 10000
D = 256
E = 160000
NC = 2
NS = 16
HALF = D // 2
CHUNK = 125
CHUNKS_PER_TILE = E // (NS * CHUNK)
HALF_CHUNKS = CHUNKS_PER_TILE // 2
DEPTH = 2
ZROWS = 40
WROWS = 80
BIG_TILE_ROWS = 640
LAST_TILE_ROWS = N - 15 * BIG_TILE_ROWS


def _sc_segment_sums(x_cat_a, x_cat_b, sab, dab, sbb, dbb, sba, dba):
    mesh = plsc.VectorSubcoreMesh(
        core_axis_name="c", subcore_axis_name="s",
        num_cores=NC, num_subcores=NS)
    agg_t = jax.ShapeDtypeStruct((NC, N, 1, HALF), jnp.float32)

    @functools.partial(
        pl.kernel,
        out_type=(agg_t, agg_t, agg_t),
        mesh=mesh,
        scratch_types=[
            pltpu.VMEM_SHARED((N, 1, HALF), jnp.float32),
            pltpu.VMEM((HALF_CHUNKS, CHUNK), jnp.int32),
            pltpu.VMEM((HALF_CHUNKS, CHUNK), jnp.int32),
        ] + [pltpu.VMEM((CHUNK, 1, HALF), jnp.float32)] * DEPTH
          + [pltpu.VMEM((ZROWS, 1, HALF), jnp.float32)]
          + [pltpu.SemaphoreType.DMA] * (2 * DEPTH)
          + [pltpu.SemaphoreType.DMA],
    )
    def seg_kernel(xa_hbm, xb_hbm, sab_h, dab_h, sbb_h, dbb_h, sba_h, dba_h,
                   out_ab, out_bb, out_ba, acc, idx_s, idx_d, *rest):
        rows = rest[:DEPTH]
        zbuf = rest[DEPTH]
        gsems = rest[DEPTH + 1:2 * DEPTH + 1]
        ssems = rest[2 * DEPTH + 1:3 * DEPTH + 1]
        zwsem = rest[3 * DEPTH + 1]
        c = lax.axis_index("c")
        s = lax.axis_index("s")
        row_base = s * BIG_TILE_ROWS
        n_zdma = jnp.where(s < NS - 1, BIG_TILE_ROWS // ZROWS,
                           LAST_TILE_ROWS // ZROWS)
        n_wdma = jnp.where(s < NS - 1, BIG_TILE_ROWS // WROWS,
                           LAST_TILE_ROWS // WROWS)

        @pl.loop(0, ZROWS)
        def _(i):
            @pl.loop(0, HALF // 16)
            def _(j):
                zbuf[i, 0, pl.ds(j * 16, 16)] = jnp.zeros((16,), jnp.float32)

        def one_type(x_hbm, src_hbm, dst_hbm, out_hbm):
            @pl.loop(0, n_zdma)
            def _(i):
                pltpu.async_copy(
                    zbuf, acc.at[pl.ds(row_base + i * ZROWS, ZROWS)], zwsem)

            @pl.loop(0, n_zdma)
            def _(i):
                pltpu.make_async_copy(
                    zbuf, acc.at[pl.ds(row_base, ZROWS)], zwsem).wait()
            plsc.subcore_barrier()

            def g_start(j, buf, sem):
                pltpu.async_copy(x_hbm.at[idx_s.at[j], pl.ds(c, 1)], buf, sem)

            def g_wait(buf, sem):
                pltpu.make_async_copy(x_hbm.at[idx_s.at[0], pl.ds(c, 1)], buf, sem).wait()

            def s_start(j, buf, sem):
                pltpu.async_copy(buf, acc.at[idx_d.at[j]], sem, add=True)

            def s_wait(j, buf, sem):
                pltpu.make_async_copy(buf, acc.at[idx_d.at[j]], sem).wait()

            rows0, rows1 = rows
            gsem0, gsem1 = gsems
            ssem0, ssem1 = ssems
            for h in range(2):
                ch0 = s * CHUNKS_PER_TILE + h * HALF_CHUNKS
                pltpu.sync_copy(src_hbm.at[pl.ds(ch0, HALF_CHUNKS)], idx_s)
                pltpu.sync_copy(dst_hbm.at[pl.ds(ch0, HALF_CHUNKS)], idx_d)
                npair = HALF_CHUNKS // 2
                g_start(0, rows0, gsem0)

                @pl.loop(0, npair)
                def _(p):
                    j0 = 2 * p
                    j1 = j0 + 1

                    @pl.when(p > 0)
                    def _():
                        s_wait(j1, rows1, ssem1)
                    g_start(j1, rows1, gsem1)
                    g_wait(rows0, gsem0)
                    s_start(j0, rows0, ssem0)
                    g_wait(rows1, gsem1)
                    s_wait(j0, rows0, ssem0)

                    @pl.when(p < npair - 1)
                    def _():
                        g_start(j0 + 2, rows0, gsem0)
                    s_start(j1, rows1, ssem1)

                s_wait(HALF_CHUNKS - 1, rows1, ssem1)
            plsc.subcore_barrier()

            @pl.loop(0, n_wdma)
            def _(i):
                r0 = row_base + i * WROWS
                pltpu.async_copy(acc.at[pl.ds(r0, WROWS)],
                                 out_hbm.at[c, pl.ds(r0, WROWS)], zwsem)

            @pl.loop(0, n_wdma)
            def _(i):
                pltpu.make_async_copy(
                    acc.at[pl.ds(row_base, WROWS)],
                    out_hbm.at[c, pl.ds(row_base, WROWS)], zwsem).wait()
            plsc.subcore_barrier()

        one_type(xa_hbm, sab_h, dab_h, out_ab)
        one_type(xb_hbm, sbb_h, dbb_h, out_bb)
        one_type(xb_hbm, sba_h, dba_h, out_ba)

    return seg_kernel(x_cat_a, x_cat_b, sab, dab, sbb, dbb, sba, dba)


def _tc_combine(agg_ab, agg_bb, agg_ba, x_a, x_b,
                W_rel_ab, W_root_ab, W_rel_bb, W_root_bb, W_rel_ba, W_root_ba):
    BM = 2000

    def mm_kernel(aab, abb, aba, xa, xb, wab, wrab, wbb, wrbb, wba, wrba,
                  oa, ob):
        dot = functools.partial(lax.dot, preferred_element_type=jnp.float32)
        wab_ = wab[...]
        wbb_ = wbb[...]
        wba_ = wba[...]
        ob[...] = (dot(aab[0], wab_[:HALF]) + dot(aab[1], wab_[HALF:])
                   + dot(abb[0], wbb_[:HALF]) + dot(abb[1], wbb_[HALF:])
                   + dot(xb[...], wrab[...] + wrbb[...]))
        oa[...] = (dot(aba[0], wba_[:HALF]) + dot(aba[1], wba_[HALF:])
                   + dot(xa[...], wrba[...]))

    agg_spec = pl.BlockSpec((NC, BM, HALF), lambda i: (0, i, 0))
    x_spec = pl.BlockSpec((BM, D), lambda i: (i, 0))
    w_spec = pl.BlockSpec((D, D), lambda i: (0, 0))
    return pl.pallas_call(
        mm_kernel,
        grid=(N // BM,),
        in_specs=[agg_spec, agg_spec, agg_spec, x_spec, x_spec,
                  w_spec, w_spec, w_spec, w_spec, w_spec, w_spec],
        out_specs=[x_spec, x_spec],
        out_shape=[jax.ShapeDtypeStruct((N, D), jnp.float32)] * 2,
    )(agg_ab, agg_bb, agg_ba, x_a, x_b,
      W_rel_ab, W_root_ab, W_rel_bb, W_root_bb, W_rel_ba, W_root_ba)


def kernel(x_a, x_b, edge_index_ab, edge_index_bb, edge_index_ba,
           W_rel_ab, W_root_ab, W_rel_bb, W_root_bb, W_rel_ba, W_root_ba):
    def prep(ei):
        ei = ei.astype(jnp.int32)
        src2 = ei[0].reshape(E // CHUNK, CHUNK)
        dst2 = ei[1].reshape(E // CHUNK, CHUNK)
        return src2, dst2

    sab, dab = prep(edge_index_ab)
    sbb, dbb = prep(edge_index_bb)
    sba, dba = prep(edge_index_ba)
    x_cat_a = x_a.reshape(N, NC, HALF)
    x_cat_b = x_b.reshape(N, NC, HALF)

    agg_ab, agg_bb, agg_ba = _sc_segment_sums(
        x_cat_a, x_cat_b, sab, dab, sbb, dbb, sba, dba)
    agg_ab = agg_ab.reshape(NC, N, HALF)
    agg_bb = agg_bb.reshape(NC, N, HALF)
    agg_ba = agg_ba.reshape(NC, N, HALF)
    out_a, out_b = _tc_combine(
        agg_ab, agg_bb, agg_ba, x_a, x_b,
        W_rel_ab, W_root_ab, W_rel_bb, W_root_bb, W_rel_ba, W_root_ba)
    return (out_a, out_b)

# --- scband reference (transcript-rebuilt; emitter-appended) ---
"""Pipeline reference for scband-hete-conv-5634997092419 (READ-ONLY COPY).

The authoritative reference and input builder live on the scoring server;
editing this copy changes nothing except your own understanding.
"""

import jax, jax.numpy as jnp
import numpy as np

N_A = 10000
N_B = 10000
D = 256
E = 160000


def setup_inputs(seed: int = 0) -> dict:
    key = jax.random.key(seed)
    ks = jax.random.split(key, 11)
    x_a = jax.random.normal(ks[0], (N_A, D), dtype=jnp.float32)
    x_b = jax.random.normal(ks[1], (N_B, D), dtype=jnp.float32)
    edge_index_ab = jax.random.randint(ks[2], (2, E), 0, N_A, dtype=jnp.int64)
    edge_index_bb = jax.random.randint(ks[3], (2, E), 0, N_B, dtype=jnp.int64)
    edge_index_ba = jax.random.randint(ks[4], (2, E), 0, N_B, dtype=jnp.int64)
    s = 1.0 / np.sqrt(D)
    W_rel_ab = jax.random.normal(ks[5], (D, D), dtype=jnp.float32) * s
    W_root_ab = jax.random.normal(ks[6], (D, D), dtype=jnp.float32) * s
    W_rel_bb = jax.random.normal(ks[7], (D, D), dtype=jnp.float32) * s
    W_root_bb = jax.random.normal(ks[8], (D, D), dtype=jnp.float32) * s
    W_rel_ba = jax.random.normal(ks[9], (D, D), dtype=jnp.float32) * s
    W_root_ba = jax.random.normal(ks[10], (D, D), dtype=jnp.float32) * s
    return {
        "x_a": x_a, "x_b": x_b,
        "edge_index_ab": edge_index_ab,
        "edge_index_bb": edge_index_bb,
        "edge_index_ba": edge_index_ba,
        "W_rel_ab": W_rel_ab, "W_root_ab": W_root_ab,
        "W_rel_bb": W_rel_bb, "W_root_bb": W_root_bb,
        "W_rel_ba": W_rel_ba, "W_root_ba": W_root_ba,
    }


def _graph_conv(x_src, x_dst, edge_index, W_rel, W_root):
    # GraphConv-style bipartite message passing:
    # out[dst] = (sum_{src->dst} x_src[src]) @ W_rel + x_dst @ W_root
    src = edge_index[0]
    dst = edge_index[1]
    msgs = jnp.take(x_src, src, axis=0)
    agg = jax.ops.segment_sum(msgs, dst, num_segments=x_dst.shape[0])
    return agg @ W_rel + x_dst @ W_root


def reference(x_a, x_b, edge_index_ab, edge_index_bb, edge_index_ba,
              W_rel_ab, W_root_ab, W_rel_bb, W_root_bb, W_rel_ba, W_root_ba):
    # HeteConv forward: run one conv per edge type, then aggregate
    # per-tail-node-type outputs with aggr='add' (stack + sum).
    out_ab = _graph_conv(x_a, x_b, edge_index_ab, W_rel_ab, W_root_ab)  # tail 'b'
    out_bb = _graph_conv(x_b, x_b, edge_index_bb, W_rel_bb, W_root_bb)  # tail 'b'
    out_ba = _graph_conv(x_b, x_a, edge_index_ba, W_rel_ba, W_root_ba)  # tail 'a'
    # aggregate(key='b', [out_ab, out_bb]) with 'add'
    out_b = jnp.stack([out_ab, out_bb], axis=-1).sum(axis=-1)
    # aggregate(key='a', [out_ba]) with 'add' (single-element stack-sum == identity)
    out_a = jnp.stack([out_ba], axis=-1).sum(axis=-1)
    return (out_a, out_b)

if __name__ == "__main__":
    import jax
    _d = setup_inputs()
    print(jax.jit(kernel)(*tuple(_d.values())))

</pallas_src>

<mosaic_0001>
#map = affine_map<(d0, d1) -> (0, 0, 0)>
#map1 = affine_map<(d0, d1) -> (0, 0)>
#map2 = affine_map<(d0, d1) -> (0, 0, 0, 0)>
module attributes {stable_mosaic.version = 14 : i64} {
  func.func @seg_kernel(%arg0: i32, %arg1: i32, %arg2: memref<10000x2x128xf32, #tpu.memory_space<hbm>>, %arg3: memref<10000x2x128xf32, #tpu.memory_space<hbm>>, %arg4: memref<1280x125xi32, #tpu.memory_space<hbm>>, %arg5: memref<1280x125xi32, #tpu.memory_space<hbm>>, %arg6: memref<1280x125xi32, #tpu.memory_space<hbm>>, %arg7: memref<1280x125xi32, #tpu.memory_space<hbm>>, %arg8: memref<1280x125xi32, #tpu.memory_space<hbm>>, %arg9: memref<1280x125xi32, #tpu.memory_space<hbm>>, %arg10: memref<2x10000x1x128xf32, #tpu.memory_space<hbm>>, %arg11: memref<2x10000x1x128xf32, #tpu.memory_space<hbm>>, %arg12: memref<2x10000x1x128xf32, #tpu.memory_space<hbm>>, %arg13: memref<10000x1x128xf32, #tpu.memory_space<vmem_shared>>, %arg14: memref<40x125xi32, #tpu.memory_space<vmem>>, %arg15: memref<40x125xi32, #tpu.memory_space<vmem>>, %arg16: memref<125x1x128xf32, #tpu.memory_space<vmem>>, %arg17: memref<125x1x128xf32, #tpu.memory_space<vmem>>, %arg18: memref<40x1x128xf32, #tpu.memory_space<vmem>>, %arg19: memref<!tpu.dma_semaphore, #tpu.memory_space<semaphore_mem>>, %arg20: memref<!tpu.dma_semaphore, #tpu.memory_space<semaphore_mem>>, %arg21: memref<!tpu.dma_semaphore, #tpu.memory_space<semaphore_mem>>, %arg22: memref<!tpu.dma_semaphore, #tpu.memory_space<semaphore_mem>>, %arg23: memref<!tpu.dma_semaphore, #tpu.memory_space<semaphore_mem>>) attributes {dimension_semantics = [#tpu.dimension_semantics<core_parallel>, #tpu.dimension_semantics<subcore_parallel>], iteration_bounds = array<i64: 2, 16>, scalar_prefetch = 0 : i64, scratch_operands = 11 : i64, tpu.core_type = #tpu.core_type<sc_vector_subcore>, window_params = [{transform_indices = #map}, {transform_indices = #map}, {transform_indices = #map1}, {transform_indices = #map1}, {transform_indices = #map1}, {transform_indices = #map1}, {transform_indices = #map1}, {transform_indices = #map1}, {transform_indices = #map2}, {transform_indices = #map2}, {transform_indices = #map2}]} {
    %mul3A = arith.constant 640 : i32
    %mul3A_0 = arith.muli %arg1, %mul3A : i32
    %lt3A = arith.constant 15 : i32
    %lt3A_1 = arith.cmpi slt, %arg1, %lt3A : i32
    %jit3A = arith.constant 16 : i32
    %jit3A_2 = arith.constant 10 : i32
    %select_n3A = arith.select %lt3A_1, %jit3A, %jit3A_2 : i32
    %lt3A_3 = arith.constant 15 : i32
    %lt3A_4 = arith.cmpi slt, %arg1, %lt3A_3 : i32
    %jit3A_5 = arith.constant 8 : i32
    %jit3A_6 = arith.constant 5 : i32
    %select_n3A_7 = arith.select %lt3A_4, %jit3A_5, %jit3A_6 : i32
    %scan3A = arith.constant 0 : i32
    %scan3A_8 = arith.constant 40 : i32
    %scan3A_9 = arith.addi %scan3A, %scan3A_8 : i32
    %scan3A_10 = arith.constant 1 : i32
    scf.for %scan3A_386 = %scan3A to %scan3A_9 step %scan3A_10  : i32 {
      %mul3A_387 = arith.constant 1 : i32
      %mul3A_388 = arith.muli %scan3A_386, %mul3A_387 : i32
      %add3A_389 = arith.constant 0 : i32
      %add3A_390 = arith.addi %add3A_389, %mul3A_388 : i32
      %scan3A_391 = arith.constant 0 : i32
      %scan3A_392 = arith.constant 8 : i32
      %scan3A_393 = arith.addi %scan3A_391, %scan3A_392 : i32
      %scan3A_394 = arith.constant 1 : i32
      scf.for %scan3A_396 = %scan3A_391 to %scan3A_393 step %scan3A_394  : i32 {
        %mul3A_397 = arith.constant 1 : i32
        %mul3A_398 = arith.muli %scan3A_396, %mul3A_397 : i32
        %add3A_399 = arith.constant 0 : i32
        %add3A_400 = arith.addi %add3A_399, %mul3A_398 : i32
        %broadcast_in_dim3A = arith.constant 0.000000e+00 : f32
        %broadcast_in_dim3A_401 = vector.broadcast %broadcast_in_dim3A : f32 to vector<16xf32>
        %mul3A_402 = arith.constant 16 : i32
        %mul3A_403 = arith.muli %add3A_400, %mul3A_402 : i32
        %swap3A = arith.constant 0 : i32
        %swap3A_404 = arith.index_cast %add3A_390 : i32 to index
        %swap3A_405 = arith.index_cast %swap3A : i32 to index
        %swap3A_406 = arith.index_cast %mul3A_403 : i32 to index
        %swap3A_407 = tpu.vector_load %arg18[%swap3A_404, %swap3A_405, %swap3A_406] {strides = array<i32>} : memref<40x1x128xf32, #tpu.memory_space<vmem>>, vector<1x1x16xf32>,
        %swap3A_408 = vector.shape_cast %swap3A_407 : vector<1x1x16xf32> to vector<16xf32>
        %swap3A_409 = vector.shape_cast %broadcast_in_dim3A_401 : vector<16xf32> to vector<1x1x16xf32>
        tpu.vector_store %arg18[%swap3A_404, %swap3A_405, %swap3A_406], %swap3A_409 {strides = array<i32>} : memref<40x1x128xf32, #tpu.memory_space<vmem>>, vector<1x1x16xf32>,
      }
      %scan3A_395 = arith.constant 8 : i32
    }
    %scan3A_11 = arith.constant 40 : i32
    %sub3A = arith.constant 0 : i32
    %sub3A_12 = arith.subi %select_n3A, %sub3A : i32
    %sub3A_13 = arith.constant 1 : i32
    %sub3A_14 = arith.constant 1 : i32
    %sub3A_15 = arith.subi %sub3A_13, %sub3A_14 : i32
    %add3A = arith.addi %sub3A_12, %sub3A_15 : i32
    %div3A = arith.constant 1 : i32
    %div3A_16 = arith.divsi %add3A, %div3A : i32
    %while3A = arith.constant 1 : i32
    %while3A_17 = arith.constant 0 : i32
    %while3A_18 = arith.constant 0 : i32
    %while3A_19 = arith.subi %div3A_16, %while3A_18 : i32
    %while3A_20 = arith.addi %while3A_18, %while3A_19 : i32
    %while3A_21 = arith.constant 1 : i32
    %while3A_22 = arith.divsi %while3A_19, %while3A_21 : i32
    %while3A_23 = arith.muli %while3A_22, %while3A_21 : i32
    %while3A_24 = arith.addi %while3A_18, %while3A_23 : i32
    %while3A_25 = arith.constant 1 : i32
    scf.for %while3A_386 = %while3A_18 to %while3A_24 step %while3A_25  : i32 {
      %mul3A_387 = arith.muli %while3A_386, %while3A : i32
      %add3A_388 = arith.addi %while3A_17, %mul3A_387 : i32
      %mul3A_389 = arith.constant 40 : i32
      %mul3A_390 = arith.muli %add3A_388, %mul3A_389 : i32
      %add3A_391 = arith.addi %mul3A_0, %mul3A_390 : i32
      %dma_start3A_392 = arith.constant 0 : i32
      %dma_start3A_393 = arith.constant 0 : i32
      %dma_start3A_394 = tpu.memref_slice %arg13[%add3A_391, %dma_start3A_392, %dma_start3A_393] : memref<10000x1x128xf32, #tpu.memory_space<vmem_shared>> -> memref<40x1x128xf32, #tpu.memory_space<vmem_shared>>
      %dma_start3A_395 = arith.constant 0 : i32
      %dma_start3A_396 = arith.constant 0 : i32
      %dma_start3A_397 = tpu.memref_slice %arg13[%add3A_391, %dma_start3A_395, %dma_start3A_396] : memref<10000x1x128xf32, #tpu.memory_space<vmem_shared>> -> memref<40x1x128xf32, #tpu.memory_space<vmem_shared>>
      tpu.enqueue_dma source(%arg18 : memref<40x1x128xf32, #tpu.memory_space<vmem>>) target(%dma_start3A_397 : memref<40x1x128xf32, #tpu.memory_space<vmem_shared>>) target_semaphore(%arg23 : memref<!tpu.dma_semaphore, #tpu.memory_space<semaphore_mem>>)
    }
    %while3A_26 = arith.constant 1 : i32
    scf.for %while3A_386 = %while3A_24 to %while3A_20 step %while3A_26  : i32 {
      %mul3A_387 = arith.muli %while3A_386, %while3A : i32
      %add3A_388 = arith.addi %while3A_17, %mul3A_387 : i32
      %mul3A_389 = arith.constant 40 : i32
      %mul3A_390 = arith.muli %add3A_388, %mul3A_389 : i32
      %add3A_391 = arith.addi %mul3A_0, %mul3A_390 : i32
      %dma_start3A_392 = arith.constant 0 : i32
      %dma_start3A_393 = arith.constant 0 : i32
      %dma_start3A_394 = tpu.memref_slice %arg13[%add3A_391, %dma_start3A_392, %dma_start3A_393] : memref<10000x1x128xf32, #tpu.memory_space<vmem_shared>> -> memref<40x1x128xf32, #tpu.memory_space<vmem_shared>>
      %dma_start3A_395 = arith.constant 0 : i32
      %dma_start3A_396 = arith.constant 0 : i32
      %dma_start3A_397 = tpu.memref_slice %arg13[%add3A_391, %dma_start3A_395, %dma_start3A_396] : memref<10000x1x128xf32, #tpu.memory_space<vmem_shared>> -> memref<40x1x128xf32, #tpu.memory_space<vmem_shared>>
      tpu.enqueue_dma source(%arg18 : memref<40x1x128xf32, #tpu.memory_space<vmem>>) target(%dma_start3A_397 : memref<40x1x128xf32, #tpu.memory_space<vmem_shared>>) target_semaphore(%arg23 : memref<!tpu.dma_semaphore, #tpu.memory_space<semaphore_mem>>)
    }
    %sub3A_27 = arith.constant 0 : i32
    %sub3A_28 = arith.subi %select_n3A, %sub3A_27 : i32
    %sub3A_29 = arith.constant 1 : i32
    %sub3A_30 = arith.constant 1 : i32
    %sub3A_31 = arith.subi %sub3A_29, %sub3A_30 : i32
    %add3A_32 = arith.addi %sub3A_28, %sub3A_31 : i32
    %div3A_33 = arith.constant 1 : i32
    %div3A_34 = arith.divsi %add3A_32, %div3A_33 : i32
    %while3A_35 = arith.constant 1 : i32
    %while3A_36 = arith.constant 0 : i32
    %while3A_37 = arith.constant 0 : i32
    %while3A_38 = arith.subi %div3A_34, %while3A_37 : i32
    %while3A_39 = arith.addi %while3A_37, %while3A_38 : i32
    %while3A_40 = arith.constant 1 : i32
    %while3A_41 = arith.divsi %while3A_38, %while3A_40 : i32
    %while3A_42 = arith.muli %while3A_41, %while3A_40 : i32
    %while3A_43 = arith.addi %while3A_37, %while3A_42 : i32
    %while3A_44 = arith.constant 1 : i32
    scf.for %while3A_386 = %while3A_37 to %while3A_43 step %while3A_44  : i32 {
      %mul3A_387 = arith.muli %while3A_386, %while3A_35 : i32
      %add3A_388 = arith.addi %while3A_36, %mul3A_387 : i32
      %dma_wait3A_389 = arith.constant 0 : i32
      %dma_wait3A_390 = arith.constant 0 : i32
      %dma_wait3A_391 = tpu.memref_slice %arg13[%mul3A_0, %dma_wait3A_389, %dma_wait3A_390] : memref<10000x1x128xf32, #tpu.memory_space<vmem_shared>> -> memref<40x1x128xf32, #tpu.memory_space<vmem_shared>>
      %dma_wait3A_392 = arith.constant 0 : i32
      %dma_wait3A_393 = arith.constant 0 : i32
      %dma_wait3A_394 = tpu.memref_slice %arg13[%mul3A_0, %dma_wait3A_392, %dma_wait3A_393] : memref<10000x1x128xf32, #tpu.memory_space<vmem_shared>> -> memref<40x1x128xf32, #tpu.memory_space<vmem_shared>>
      tpu.wait_dma2 semaphore(%arg23 : memref<!tpu.dma_semaphore, #tpu.memory_space<semaphore_mem>>) src(%arg18 : memref<40x1x128xf32, #tpu.memory_space<vmem>>) dst(%dma_wait3A_394 : memref<40x1x128xf32, #tpu.memory_space<vmem_shared>>)
    }
    %while3A_45 = arith.constant 1 : i32
    scf.for %while3A_386 = %while3A_43 to %while3A_39 step %while3A_45  : i32 {
      %mul3A_387 = arith.muli %while3A_386, %while3A_35 : i32
      %add3A_388 = arith.addi %while3A_36, %mul3A_387 : i32
      %dma_wait3A_389 = arith.constant 0 : i32
      %dma_wait3A_390 = arith.constant 0 : i32
      %dma_wait3A_391 = tpu.memref_slice %arg13[%mul3A_0, %dma_wait3A_389, %dma_wait3A_390] : memref<10000x1x128xf32, #tpu.memory_space<vmem_shared>> -> memref<40x1x128xf32, #tpu.memory_space<vmem_shared>>
      %dma_wait3A_392 = arith.constant 0 : i32
      %dma_wait3A_393 = arith.constant 0 : i32
      %dma_wait3A_394 = tpu.memref_slice %arg13[%mul3A_0, %dma_wait3A_392, %dma_wait3A_393] : memref<10000x1x128xf32, #tpu.memory_space<vmem_shared>> -> memref<40x1x128xf32, #tpu.memory_space<vmem_shared>>
      tpu.wait_dma2 semaphore(%arg23 : memref<!tpu.dma_semaphore, #tpu.memory_space<semaphore_mem>>) src(%arg18 : memref<40x1x128xf32, #tpu.memory_space<vmem>>) dst(%dma_wait3A_394 : memref<40x1x128xf32, #tpu.memory_space<vmem_shared>>)
    }
    %barrier3A = arith.constant 0 : index
    tpu.barrier barrier_id(%barrier3A)
    %mul3A_46 = arith.constant 80 : i32
    %mul3A_47 = arith.muli %arg1, %mul3A_46 : i32
    %add3A_48 = arith.constant 0 : i32
    %add3A_49 = arith.addi %mul3A_47, %add3A_48 : i32
    "tpu.region"() ({
      %run_scoped3A = tpu.sem_alloc : memref<!tpu.dma_semaphore, #tpu.memory_space<semaphore_mem>>
      %dma_start3A_386 = arith.constant 0 : i32
      %dma_start3A_387 = tpu.memref_slice %arg4[%add3A_49, %dma_start3A_386] : memref<1280x125xi32, #tpu.memory_space<hbm>> -> memref<40x125xi32, #tpu.memory_space<hbm>>
      %dma_start3A_388 = arith.constant 0 : i32
      %dma_start3A_389 = tpu.memref_slice %arg4[%add3A_49, %dma_start3A_388] : memref<1280x125xi32, #tpu.memory_space<hbm>> -> memref<40x125xi32, #tpu.memory_space<hbm>>
      tpu.enqueue_dma source(%dma_start3A_389 : memref<40x125xi32, #tpu.memory_space<hbm>>) target(%arg14 : memref<40x125xi32, #tpu.memory_space<vmem>>) target_semaphore(%run_scoped3A : memref<!tpu.dma_semaphore, #tpu.memory_space<semaphore_mem>>)
      %dma_wait3A_390 = arith.constant 0 : i32
      %dma_wait3A_391 = tpu.memref_slice %arg4[%add3A_49, %dma_wait3A_390] : memref<1280x125xi32, #tpu.memory_space<hbm>> -> memref<40x125xi32, #tpu.memory_space<hbm>>
      %dma_wait3A_392 = arith.constant 0 : i32
      %dma_wait3A_393 = tpu.memref_slice %arg4[%add3A_49, %dma_wait3A_392] : memref<1280x125xi32, #tpu.memory_space<hbm>> -> memref<40x125xi32, #tpu.memory_space<hbm>>
      tpu.wait_dma2 semaphore(%run_scoped3A : memref<!tpu.dma_semaphore, #tpu.memory_space<semaphore_mem>>) src(%dma_wait3A_393 : memref<40x125xi32, #tpu.memory_space<hbm>>) dst(%arg14 : memref<40x125xi32, #tpu.memory_space<vmem>>)
      tpu.yield
    }) : () -> ()
    "tpu.region"() ({
      %run_scoped3A = tpu.sem_alloc : memref<!tpu.dma_semaphore, #tpu.memory_space<semaphore_mem>>
      %dma_start3A_386 = arith.constant 0 : i32
      %dma_start3A_387 = tpu.memref_slice %arg5[%add3A_49, %dma_start3A_386] : memref<1280x125xi32, #tpu.memory_space<hbm>> -> memref<40x125xi32, #tpu.memory_space<hbm>>
      %dma_start3A_388 = arith.constant 0 : i32
      %dma_start3A_389 = tpu.memref_slice %arg5[%add3A_49, %dma_start3A_388] : memref<1280x125xi32, #tpu.memory_space<hbm>> -> memref<40x125xi32, #tpu.memory_space<hbm>>
      tpu.enqueue_dma source(%dma_start3A_389 : memref<40x125xi32, #tpu.memory_space<hbm>>) target(%arg15 : memref<40x125xi32, #tpu.memory_space<vmem>>) target_semaphore(%run_scoped3A : memref<!tpu.dma_semaphore, #tpu.memory_space<semaphore_mem>>)
      %dma_wait3A_390 = arith.constant 0 : i32
      %dma_wait3A_391 = tpu.memref_slice %arg5[%add3A_49, %dma_wait3A_390] : memref<1280x125xi32, #tpu.memory_space<hbm>> -> memref<40x125xi32, #tpu.memory_space<hbm>>
      %dma_wait3A_392 = arith.constant 0 : i32
      %dma_wait3A_393 = tpu.memref_slice %arg5[%add3A_49, %dma_wait3A_392] : memref<1280x125xi32, #tpu.memory_space<hbm>> -> memref<40x125xi32, #tpu.memory_space<hbm>>
      tpu.wait_dma2 semaphore(%run_scoped3A : memref<!tpu.dma_semaphore, #tpu.memory_space<semaphore_mem>>) src(%dma_wait3A_393 : memref<40x125xi32, #tpu.memory_space<hbm>>) dst(%arg15 : memref<40x125xi32, #tpu.memory_space<vmem>>)
      tpu.yield
    }) : () -> ()
    %dma_start3A = arith.constant 0 : i32
    %dma_start3A_50 = arith.constant 0 : i32
    %dma_start3A_51 = tpu.memref_slice %arg14[%dma_start3A, %dma_start3A_50] : memref<40x125xi32, #tpu.memory_space<vmem>> -> memref<1x125xi32, #tpu.memory_space<vmem>>
    %dma_start3A_52 = tpu.memref_squeeze %dma_start3A_51 : memref<1x125xi32, #tpu.memory_space<vmem>> -> memref<125xi32, #tpu.memory_space<vmem>>
    %dma_start3A_53 = arith.constant 0 : i32
    %dma_start3A_54 = arith.constant 0 : i32
    %dma_start3A_55 = tpu.memref_slice %arg2[%dma_start3A_53, %arg0, %dma_start3A_54] : memref<10000x2x128xf32, #tpu.memory_space<hbm>> -> memref<10000x1x128xf32, #tpu.memory_space<hbm>>
    tpu.enqueue_indirect_dma source(%dma_start3A_55 : memref<10000x1x128xf32, #tpu.memory_space<hbm>>) target(%arg16 : memref<125x1x128xf32, #tpu.memory_space<vmem>>) offsets(%dma_start3A_52 : memref<125xi32, #tpu.memory_space<vmem>>) semaphore(%arg19 : memref<!tpu.dma_semaphore, #tpu.memory_space<semaphore_mem>>)
    %scan3A_56 = arith.constant 0 : i32
    %scan3A_57 = arith.constant 20 : i32
    %scan3A_58 = arith.addi %scan3A_56, %scan3A_57 : i32
    %scan3A_59 = arith.constant 1 : i32
    scf.for %scan3A_386 = %scan3A_56 to %scan3A_58 step %scan3A_59  : i32 {
      %mul3A_387 = arith.constant 1 : i32
      %mul3A_388 = arith.muli %scan3A_386, %mul3A_387 : i32
      %add3A_389 = arith.constant 0 : i32
      %add3A_390 = arith.addi %add3A_389, %mul3A_388 : i32
      %mul3A_391 = arith.constant 2 : i32
      %mul3A_392 = arith.muli %mul3A_391, %add3A_390 : i32
      %add3A_393 = arith.constant 1 : i32
      %add3A_394 = arith.addi %mul3A_392, %add3A_393 : i32
      %gt3A = arith.constant 0 : i32
      %gt3A_395 = arith.cmpi sgt, %add3A_390, %gt3A : i32
      %convert_element_type3A = arith.extui %gt3A_395 : i1 to i32
      %cond3A = arith.constant 0 : i32
      %cond3A_396 = arith.cmpi ne, %convert_element_type3A, %cond3A : i32
      scf.if %cond3A_396 {
        %dma_wait3A_443 = arith.constant 0 : i32
        %dma_wait3A_444 = tpu.memref_slice %arg15[%add3A_394, %dma_wait3A_443] : memref<40x125xi32, #tpu.memory_space<vmem>> -> memref<1x125xi32, #tpu.memory_space<vmem>>
        %dma_wait3A_445 = tpu.memref_squeeze %dma_wait3A_444 : memref<1x125xi32, #tpu.memory_space<vmem>> -> memref<125xi32, #tpu.memory_space<vmem>>
        %dma_wait3A_446 = arith.constant 0 : i32
        %dma_wait3A_447 = arith.constant 0 : i32
        %dma_wait3A_448 = arith.constant 0 : i32
        %dma_wait3A_449 = tpu.memref_slice %arg13[%dma_wait3A_446, %dma_wait3A_447, %dma_wait3A_448] : memref<10000x1x128xf32, #tpu.memory_space<vmem_shared>> -> memref<10000x1x128xf32, #tpu.memory_space<vmem_shared>>
        tpu.wait_indirect_dma semaphore(%arg22 : memref<!tpu.dma_semaphore, #tpu.memory_space<semaphore_mem>>) src(%arg17 : memref<125x1x128xf32, #tpu.memory_space<vmem>>) dst(%dma_wait3A_449 : memref<10000x1x128xf32, #tpu.memory_space<vmem_shared>>)
      } else {
      }
      %dma_start3A_397 = arith.constant 0 : i32
      %dma_start3A_398 = tpu.memref_slice %arg14[%add3A_394, %dma_start3A_397] : memref<40x125xi32, #tpu.memory_space<vmem>> -> memref<1x125xi32, #tpu.memory_space<vmem>>
      %dma_start3A_399 = tpu.memref_squeeze %dma_start3A_398 : memref<1x125xi32, #tpu.memory_space<vmem>> -> memref<125xi32, #tpu.memory_space<vmem>>
      %dma_start3A_400 = arith.constant 0 : i32
      %dma_start3A_401 = arith.constant 0 : i32
      %dma_start3A_402 = tpu.memref_slice %arg2[%dma_start3A_400, %arg0, %dma_start3A_401] : memref<10000x2x128xf32, #tpu.memory_space<hbm>> -> memref<10000x1x128xf32, #tpu.memory_space<hbm>>
      tpu.enqueue_indirect_dma source(%dma_start3A_402 : memref<10000x1x128xf32, #tpu.memory_space<hbm>>) target(%arg17 : memref<125x1x128xf32, #tpu.memory_space<vmem>>) offsets(%dma_start3A_399 : memref<125xi32, #tpu.memory_space<vmem>>) semaphore(%arg20 : memref<!tpu.dma_semaphore, #tpu.memory_space<semaphore_mem>>)
      %dma_wait3A_403 = arith.constant 0 : i32
      %dma_wait3A_404 = arith.constant 0 : i32
      %dma_wait3A_405 = tpu.memref_slice %arg14[%dma_wait3A_403, %dma_wait3A_404] : memref<40x125xi32, #tpu.memory_space<vmem>> -> memref<1x125xi32, #tpu.memory_space<vmem>>
      %dma_wait3A_406 = tpu.memref_squeeze %dma_wait3A_405 : memref<1x125xi32, #tpu.memory_space<vmem>> -> memref<125xi32, #tpu.memory_space<vmem>>
      %dma_wait3A_407 = arith.constant 0 : i32
      %dma_wait3A_408 = arith.constant 0 : i32
      %dma_wait3A_409 = tpu.memref_slice %arg2[%dma_wait3A_407, %arg0, %dma_wait3A_408] : memref<10000x2x128xf32, #tpu.memory_space<hbm>> -> memref<10000x1x128xf32, #tpu.memory_space<hbm>>
      tpu.wait_indirect_dma semaphore(%arg19 : memref<!tpu.dma_semaphore, #tpu.memory_space<semaphore_mem>>) src(%dma_wait3A_409 : memref<10000x1x128xf32, #tpu.memory_space<hbm>>) dst(%arg16 : memref<125x1x128xf32, #tpu.memory_space<vmem>>)
      %dma_start3A_410 = arith.constant 0 : i32
      %dma_start3A_411 = tpu.memref_slice %arg15[%mul3A_392, %dma_start3A_410] : memref<40x125xi32, #tpu.memory_space<vmem>> -> memref<1x125xi32, #tpu.memory_space<vmem>>
      %dma_start3A_412 = tpu.memref_squeeze %dma_start3A_411 : memref<1x125xi32, #tpu.memory_space<vmem>> -> memref<125xi32, #tpu.memory_space<vmem>>
      %dma_start3A_413 = arith.constant 0 : i32
      %dma_start3A_414 = arith.constant 0 : i32
      %dma_start3A_415 = arith.constant 0 : i32
      %dma_start3A_416 = tpu.memref_slice %arg13[%dma_start3A_413, %dma_start3A_414, %dma_start3A_415] : memref<10000x1x128xf32, #tpu.memory_space<vmem_shared>> -> memref<10000x1x128xf32, #tpu.memory_space<vmem_shared>>
      tpu.enqueue_indirect_dma source(%arg16 : memref<125x1x128xf32, #tpu.memory_space<vmem>>) target(%dma_start3A_416 : memref<10000x1x128xf32, #tpu.memory_space<vmem_shared>>) offsets(%dma_start3A_412 : memref<125xi32, #tpu.memory_space<vmem>>) semaphore(%arg21 : memref<!tpu.dma_semaphore, #tpu.memory_space<semaphore_mem>>) {add = true}
      %dma_wait3A_417 = arith.constant 0 : i32
      %dma_wait3A_418 = arith.constant 0 : i32
      %dma_wait3A_419 = tpu.memref_slice %arg14[%dma_wait3A_417, %dma_wait3A_418] : memref<40x125xi32, #tpu.memory_space<vmem>> -> memref<1x125xi32, #tpu.memory_space<vmem>>
      %dma_wait3A_420 = tpu.memref_squeeze %dma_wait3A_419 : memref<1x125xi32, #tpu.memory_space<vmem>> -> memref<125xi32, #tpu.memory_space<vmem>>
      %dma_wait3A_421 = arith.constant 0 : i32
      %dma_wait3A_422 = arith.constant 0 : i32
      %dma_wait3A_423 = tpu.memref_slice %arg2[%dma_wait3A_421, %arg0, %dma_wait3A_422] : memref<10000x2x128xf32, #tpu.memory_space<hbm>> -> memref<10000x1x128xf32, #tpu.memory_space<hbm>>
      tpu.wait_indirect_dma semaphore(%arg20 : memref<!tpu.dma_semaphore, #tpu.memory_space<semaphore_mem>>) src(%dma_wait3A_423 : memref<10000x1x128xf32, #tpu.memory_space<hbm>>) dst(%arg17 : memref<125x1x128xf32, #tpu.memory_space<vmem>>)
      %dma_wait3A_424 = arith.constant 0 : i32
      %dma_wait3A_425 = tpu.memref_slice %arg15[%mul3A_392, %dma_wait3A_424] : memref<40x125xi32, #tpu.memory_space<vmem>> -> memref<1x125xi32, #tpu.memory_space<vmem>>
      %dma_wait3A_426 = tpu.memref_squeeze %dma_wait3A_425 : memref<1x125xi32, #tpu.memory_space<vmem>> -> memref<125xi32, #tpu.memory_space<vmem>>
      %dma_wait3A_427 = arith.constant 0 : i32
      %dma_wait3A_428 = arith.constant 0 : i32
      %dma_wait3A_429 = arith.constant 0 : i32
      %dma_wait3A_430 = tpu.memref_slice %arg13[%dma_wait3A_427, %dma_wait3A_428, %dma_wait3A_429] : memref<10000x1x128xf32, #tpu.memory_space<vmem_shared>> -> memref<10000x1x128xf32, #tpu.memory_space<vmem_shared>>
      tpu.wait_indirect_dma semaphore(%arg21 : memref<!tpu.dma_semaphore, #tpu.memory_space<semaphore_mem>>) src(%arg16 : memref<125x1x128xf32, #tpu.memory_space<vmem>>) dst(%dma_wait3A_430 : memref<10000x1x128xf32, #tpu.memory_space<vmem_shared>>)
      %lt3A_431 = arith.constant 19 : i32
      %lt3A_432 = arith.cmpi slt, %add3A_390, %lt3A_431 : i32
      %convert_element_type3A_433 = arith.extui %lt3A_432 : i1 to i32
      %cond3A_434 = arith.constant 0 : i32
      %cond3A_435 = arith.cmpi ne, %convert_element_type3A_433, %cond3A_434 : i32
      scf.if %cond3A_435 {
        %add3A_443 = arith.constant 2 : i32
        %add3A_444 = arith.addi %mul3A_392, %add3A_443 : i32
        %dma_start3A_445 = arith.constant 0 : i32
        %dma_start3A_446 = tpu.memref_slice %arg14[%add3A_444, %dma_start3A_445] : memref<40x125xi32, #tpu.memory_space<vmem>> -> memref<1x125xi32, #tpu.memory_space<vmem>>
        %dma_start3A_447 = tpu.memref_squeeze %dma_start3A_446 : memref<1x125xi32, #tpu.memory_space<vmem>> -> memref<125xi32, #tpu.memory_space<vmem>>
        %dma_start3A_448 = arith.constant 0 : i32
        %dma_start3A_449 = arith.constant 0 : i32
        %dma_start3A_450 = tpu.memref_slice %arg2[%dma_start3A_448, %arg0, %dma_start3A_449] : memref<10000x2x128xf32, #tpu.memory_space<hbm>> -> memref<10000x1x128xf32, #tpu.memory_space<hbm>>
        tpu.enqueue_indirect_dma source(%dma_start3A_450 : memref<10000x1x128xf32, #tpu.memory_space<hbm>>) target(%arg16 : memref<125x1x128xf32, #tpu.memory_space<vmem>>) offsets(%dma_start3A_447 : memref<125xi32, #tpu.memory_space<vmem>>) semaphore(%arg19 : memref<!tpu.dma_semaphore, #tpu.memory_space<semaphore_mem>>)
      } else {
      }
      %dma_start3A_436 = arith.constant 0 : i32
      %dma_start3A_437 = tpu.memref_slice %arg15[%add3A_394, %dma_start3A_436] : memref<40x125xi32, #tpu.memory_space<vmem>> -> memref<1x125xi32, #tpu.memory_space<vmem>>
      %dma_start3A_438 = tpu.memref_squeeze %dma_start3A_437 : memref<1x125xi32, #tpu.memory_space<vmem>> -> memref<125xi32, #tpu.memory_space<vmem>>
      %dma_start3A_439 = arith.constant 0 : i32
      %dma_start3A_440 = arith.constant 0 : i32
      %dma_start3A_441 = arith.constant 0 : i32
      %dma_start3A_442 = tpu.memref_slice %arg13[%dma_start3A_439, %dma_start3A_440, %dma_start3A_441] : memref<10000x1x128xf32, #tpu.memory_space<vmem_shared>> -> memref<10000x1x128xf32, #tpu.memory_space<vmem_shared>>
      tpu.enqueue_indirect_dma source(%arg17 : memref<125x1x128xf32, #tpu.memory_space<vmem>>) target(%dma_start3A_442 : memref<10000x1x128xf32, #tpu.memory_space<vmem_shared>>) offsets(%dma_start3A_438 : memref<125xi32, #tpu.memory_space<vmem>>) semaphore(%arg22 : memref<!tpu.dma_semaphore, #tpu.memory_space<semaphore_mem>>) {add = true}
    }
    %scan3A_60 = arith.constant 20 : i32
    %dma_wait3A = arith.constant 39 : i32
    %dma_wait3A_61 = arith.constant 0 : i32
    %dma_wait3A_62 = tpu.memref_slice %arg15[%dma_wait3A, %dma_wait3A_61] : memref<40x125xi32, #tpu.memory_space<vmem>> -> memref<1x125xi32, #tpu.memory_space<vmem>>
    %dma_wait3A_63 = tpu.memref_squeeze %dma_wait3A_62 : memref<1x125xi32, #tpu.memory_space<vmem>> -> memref<125xi32, #tpu.memory_space<vmem>>
    %dma_wait3A_64 = arith.constant 0 : i32
    %dma_wait3A_65 = arith.constant 0 : i32
    %dma_wait3A_66 = arith.constant 0 : i32
    %dma_wait3A_67 = tpu.memref_slice %arg13[%dma_wait3A_64, %dma_wait3A_65, %dma_wait3A_66] : memref<10000x1x128xf32, #tpu.memory_space<vmem_shared>> -> memref<10000x1x128xf32, #tpu.memory_space<vmem_shared>>
    tpu.wait_indirect_dma semaphore(%arg22 : memref<!tpu.dma_semaphore, #tpu.memory_space<semaphore_mem>>) src(%arg17 : memref<125x1x128xf32, #tpu.memory_space<vmem>>) dst(%dma_wait3A_67 : memref<10000x1x128xf32, #tpu.memory_space<vmem_shared>>)
    %mul3A_68 = arith.constant 80 : i32
    %mul3A_69 = arith.muli %arg1, %mul3A_68 : i32
    %add3A_70 = arith.constant 40 : i32
    %add3A_71 = arith.addi %mul3A_69, %add3A_70 : i32
    "tpu.region"() ({
      %run_scoped3A = tpu.sem_alloc : memref<!tpu.dma_semaphore, #tpu.memory_space<semaphore_mem>>
      %dma_start3A_386 = arith.constant 0 : i32
      %dma_start3A_387 = tpu.memref_slice %arg4[%add3A_71, %dma_start3A_386] : memref<1280x125xi32, #tpu.memory_space<hbm>> -> memref<40x125xi32, #tpu.memory_space<hbm>>
      %dma_start3A_388 = arith.constant 0 : i32
      %dma_start3A_389 = tpu.memref_slice %arg4[%add3A_71, %dma_start3A_388] : memref<1280x125xi32, #tpu.memory_space<hbm>> -> memref<40x125xi32, #tpu.memory_space<hbm>>
      tpu.enqueue_dma source(%dma_start3A_389 : memref<40x125xi32, #tpu.memory_space<hbm>>) target(%arg14 : memref<40x125xi32, #tpu.memory_space<vmem>>) target_semaphore(%run_scoped3A : memref<!tpu.dma_semaphore, #tpu.memory_space<semaphore_mem>>)
      %dma_wait3A_390 = arith.constant 0 : i32
      %dma_wait3A_391 = tpu.memref_slice %arg4[%add3A_71, %dma_wait3A_390] : memref<1280x125xi32, #tpu.memory_space<hbm>> -> memref<40x125xi32, #tpu.memory_space<hbm>>
      %dma_wait3A_392 = arith.constant 0 : i32
      %dma_wait3A_393 = tpu.memref_slice %arg4[%add3A_71, %dma_wait3A_392] : memref<1280x125xi32, #tpu.memory_space<hbm>> -> memref<40x125xi32, #tpu.memory_space<hbm>>
      tpu.wait_dma2 semaphore(%run_scoped3A : memref<!tpu.dma_semaphore, #tpu.memory_space<semaphore_mem>>) src(%dma_wait3A_393 : memref<40x125xi32, #tpu.memory_space<hbm>>) dst(%arg14 : memref<40x125xi32, #tpu.memory_space<vmem>>)
      tpu.yield
    }) : () -> ()
    "tpu.region"() ({
      %run_scoped3A = tpu.sem_alloc : memref<!tpu.dma_semaphore, #tpu.memory_space<semaphore_mem>>
      %dma_start3A_386 = arith.constant 0 : i32
      %dma_start3A_387 = tpu.memref_slice %arg5[%add3A_71, %dma_start3A_386] : memref<1280x125xi32, #tpu.memory_space<hbm>> -> memref<40x125xi32, #tpu.memory_space<hbm>>
      %dma_start3A_388 = arith.constant 0 : i32
      %dma_start3A_389 = tpu.memref_slice %arg5[%add3A_71, %dma_start3A_388] : memref<1280x125xi32, #tpu.memory_space<hbm>> -> memref<40x125xi32, #tpu.memory_space<hbm>>
      tpu.enqueue_dma source(%dma_start3A_389 : memref<40x125xi32, #tpu.memory_space<hbm>>) target(%arg15 : memref<40x125xi32, #tpu.memory_space<vmem>>) target_semaphore(%run_scoped3A : memref<!tpu.dma_semaphore, #tpu.memory_space<semaphore_mem>>)
      %dma_wait3A_390 = arith.constant 0 : i32
      %dma_wait3A_391 = tpu.memref_slice %arg5[%add3A_71, %dma_wait3A_390] : memref<1280x125xi32, #tpu.memory_space<hbm>> -> memref<40x125xi32, #tpu.memory_space<hbm>>
      %dma_wait3A_392 = arith.constant 0 : i32
      %dma_wait3A_393 = tpu.memref_slice %arg5[%add3A_71, %dma_wait3A_392] : memref<1280x125xi32, #tpu.memory_space<hbm>> -> memref<40x125xi32, #tpu.memory_space<hbm>>
      tpu.wait_dma2 semaphore(%run_scoped3A : memref<!tpu.dma_semaphore, #tpu.memory_space<semaphore_mem>>) src(%dma_wait3A_393 : memref<40x125xi32, #tpu.memory_space<hbm>>) dst(%arg15 : memref<40x125xi32, #tpu.memory_space<vmem>>)
      tpu.yield
    }) : () -> ()
    %dma_start3A_72 = arith.constant 0 : i32
    %dma_start3A_73 = arith.constant 0 : i32
    %dma_start3A_74 = tpu.memref_slice %arg14[%dma_start3A_72, %dma_start3A_73] : memref<40x125xi32, #tpu.memory_space<vmem>> -> memref<1x125xi32, #tpu.memory_space<vmem>>
    %dma_start3A_75 = tpu.memref_squeeze %dma_start3A_74 : memref<1x125xi32, #tpu.memory_space<vmem>> -> memref<125xi32, #tpu.memory_space<vmem>>
    %dma_start3A_76 = arith.constant 0 : i32
    %dma_start3A_77 = arith.constant 0 : i32
    %dma_start3A_78 = tpu.memref_slice %arg2[%dma_start3A_76, %arg0, %dma_start3A_77] : memref<10000x2x128xf32, #tpu.memory_space<hbm>> -> memref<10000x1x128xf32, #tpu.memory_space<hbm>>
    tpu.enqueue_indirect_dma source(%dma_start3A_78 : memref<10000x1x128xf32, #tpu.memory_space<hbm>>) target(%arg16 : memref<125x1x128xf32, #tpu.memory_space<vmem>>) offsets(%dma_start3A_75 : memref<125xi32, #tpu.memory_space<vmem>>) semaphore(%arg19 : memref<!tpu.dma_semaphore, #tpu.memory_space<semaphore_mem>>)
    %scan3A_79 = arith.constant 0 : i32
    %scan3A_80 = arith.constant 20 : i32
    %scan3A_81 = arith.addi %scan3A_79, %scan3A_80 : i32
    %scan3A_82 = arith.constant 1 : i32
    scf.for %scan3A_386 = %scan3A_79 to %scan3A_81 step %scan3A_82  : i32 {
      %mul3A_387 = arith.constant 1 : i32
      %mul3A_388 = arith.muli %scan3A_386, %mul3A_387 : i32
      %add3A_389 = arith.constant 0 : i32
      %add3A_390 = arith.addi %add3A_389, %mul3A_388 : i32
      %mul3A_391 = arith.constant 2 : i32
      %mul3A_392 = arith.muli %mul3A_391, %add3A_390 : i32
      %add3A_393 = arith.constant 1 : i32
      %add3A_394 = arith.addi %mul3A_392, %add3A_393 : i32
      %gt3A = arith.constant 0 : i32
      %gt3A_395 = arith.cmpi sgt, %add3A_390, %gt3A : i32
      %convert_element_type3A = arith.extui %gt3A_395 : i1 to i32
      %cond3A = arith.constant 0 : i32
      %cond3A_396 = arith.cmpi ne, %convert_element_type3A, %cond3A : i32
      scf.if %cond3A_396 {
        %dma_wait3A_443 = arith.constant 0 : i32
        %dma_wait3A_444 = tpu.memref_slice %arg15[%add3A_394, %dma_wait3A_443] : memref<40x125xi32, #tpu.memory_space<vmem>> -> memref<1x125xi32, #tpu.memory_space<vmem>>
        %dma_wait3A_445 = tpu.memref_squeeze %dma_wait3A_444 : memref<1x125xi32, #tpu.memory_space<vmem>> -> memref<125xi32, #tpu.memory_space<vmem>>
        %dma_wait3A_446 = arith.constant 0 : i32
        %dma_wait3A_447 = arith.constant 0 : i32
        %dma_wait3A_448 = arith.constant 0 : i32
        %dma_wait3A_449 = tpu.memref_slice %arg13[%dma_wait3A_446, %dma_wait3A_447, %dma_wait3A_448] : memref<10000x1x128xf32, #tpu.memory_space<vmem_shared>> -> memref<10000x1x128xf32, #tpu.memory_space<vmem_shared>>
        tpu.wait_indirect_dma semaphore(%arg22 : memref<!tpu.dma_semaphore, #tpu.memory_space<semaphore_mem>>) src(%arg17 : memref<125x1x128xf32, #tpu.memory_space<vmem>>) dst(%dma_wait3A_449 : memref<10000x1x128xf32, #tpu.memory_space<vmem_shared>>)
      } else {
      }
      %dma_start3A_397 = arith.constant 0 : i32
      %dma_start3A_398 = tpu.memref_slice %arg14[%add3A_394, %dma_start3A_397] : memref<40x125xi32, #tpu.memory_space<vmem>> -> memref<1x125xi32, #tpu.memory_space<vmem>>
      %dma_start3A_399 = tpu.memref_squeeze %dma_start3A_398 : memref<1x125xi32, #tpu.memory_space<vmem>> -> memref<125xi32, #tpu.memory_space<vmem>>
      %dma_start3A_400 = arith.constant 0 : i32
      %dma_start3A_401 = arith.constant 0 : i32
      %dma_start3A_402 = tpu.memref_slice %arg2[%dma_start3A_400, %arg0, %dma_start3A_401] : memref<10000x2x128xf32, #tpu.memory_space<hbm>> -> memref<10000x1x128xf32, #tpu.memory_space<hbm>>
      tpu.enqueue_indirect_dma source(%dma_start3A_402 : memref<10000x1x128xf32, #tpu.memory_space<hbm>>) target(%arg17 : memref<125x1x128xf32, #tpu.memory_space<vmem>>) offsets(%dma_start3A_399 : memref<125xi32, #tpu.memory_space<vmem>>) semaphore(%arg20 : memref<!tpu.dma_semaphore, #tpu.memory_space<semaphore_mem>>)
      %dma_wait3A_403 = arith.constant 0 : i32
      %dma_wait3A_404 = arith.constant 0 : i32
      %dma_wait3A_405 = tpu.memref_slice %arg14[%dma_wait3A_403, %dma_wait3A_404] : memref<40x125xi32, #tpu.memory_space<vmem>> -> memref<1x125xi32, #tpu.memory_space<vmem>>
      %dma_wait3A_406 = tpu.memref_squeeze %dma_wait3A_405 : memref<1x125xi32, #tpu.memory_space<vmem>> -> memref<125xi32, #tpu.memory_space<vmem>>
      %dma_wait3A_407 = arith.constant 0 : i32
      %dma_wait3A_408 = arith.constant 0 : i32
      %dma_wait3A_409 = tpu.memref_slice %arg2[%dma_wait3A_407, %arg0, %dma_wait3A_408] : memref<10000x2x128xf32, #tpu.memory_space<hbm>> -> memref<10000x1x128xf32, #tpu.memory_space<hbm>>
      tpu.wait_indirect_dma semaphore(%arg19 : memref<!tpu.dma_semaphore, #tpu.memory_space<semaphore_mem>>) src(%dma_wait3A_409 : memref<10000x1x128xf32, #tpu.memory_space<hbm>>) dst(%arg16 : memref<125x1x128xf32, #tpu.memory_space<vmem>>)
      %dma_start3A_410 = arith.constant 0 : i32
      %dma_start3A_411 = tpu.memref_slice %arg15[%mul3A_392, %dma_start3A_410] : memref<40x125xi32, #tpu.memory_space<vmem>> -> memref<1x125xi32, #tpu.memory_space<vmem>>
      %dma_start3A_412 = tpu.memref_squeeze %dma_start3A_411 : memref<1x125xi32, #tpu.memory_space<vmem>> -> memref<125xi32, #tpu.memory_space<vmem>>
      %dma_start3A_413 = arith.constant 0 : i32
      %dma_start3A_414 = arith.constant 0 : i32
      %dma_start3A_415 = arith.constant 0 : i32
      %dma_start3A_416 = tpu.memref_slice %arg13[%dma_start3A_413, %dma_start3A_414, %dma_start3A_415] : memref<10000x1x128xf32, #tpu.memory_space<vmem_shared>> -> memref<10000x1x128xf32, #tpu.memory_space<vmem_shared>>
      tpu.enqueue_indirect_dma source(%arg16 : memref<125x1x128xf32, #tpu.memory_space<vmem>>) target(%dma_start3A_416 : memref<10000x1x128xf32, #tpu.memory_space<vmem_shared>>) offsets(%dma_start3A_412 : memref<125xi32, #tpu.memory_space<vmem>>) semaphore(%arg21 : memref<!tpu.dma_semaphore, #tpu.memory_space<semaphore_mem>>) {add = true}
      %dma_wait3A_417 = arith.constant 0 : i32
      %dma_wait3A_418 = arith.constant 0 : i32
      %dma_wait3A_419 = tpu.memref_slice %arg14[%dma_wait3A_417, %dma_wait3A_418] : memref<40x125xi32, #tpu.memory_space<vmem>> -> memref<1x125xi32, #tpu.memory_space<vmem>>
      %dma_wait3A_420 = tpu.memref_squeeze %dma_wait3A_419 : memref<1x125xi32, #tpu.memory_space<vmem>> -> memref<125xi32, #tpu.memory_space<vmem>>
      %dma_wait3A_421 = arith.constant 0 : i32
      %dma_wait3A_422 = arith.constant 0 : i32
      %dma_wait3A_423 = tpu.memref_slice %arg2[%dma_wait3A_421, %arg0, %dma_wait3A_422] : memref<10000x2x128xf32, #tpu.memory_space<hbm>> -> memref<10000x1x128xf32, #tpu.memory_space<hbm>>
      tpu.wait_indirect_dma semaphore(%arg20 : memref<!tpu.dma_semaphore, #tpu.memory_space<semaphore_mem>>) src(%dma_wait3A_423 : memref<10000x1x128xf32, #tpu.memory_space<hbm>>) dst(%arg17 : memref<125x1x128xf32, #tpu.memory_space<vmem>>)
      %dma_wait3A_424 = arith.constant 0 : i32
      %dma_wait3A_425 = tpu.memref_slice %arg15[%mul3A_392, %dma_wait3A_424] : memref<40x125xi32, #tpu.memory_space<vmem>> -> memref<1x125xi32, #tpu.memory_space<vmem>>
      %dma_wait3A_426 = tpu.memref_squeeze %dma_wait3A_425 : memref<1x125xi32, #tpu.memory_space<vmem>> -> memref<125xi32, #tpu.memory_space<vmem>>
      %dma_wait3A_427 = arith.constant 0 : i32
      %dma_wait3A_428 = arith.constant 0 : i32
      %dma_wait3A_429 = arith.constant 0 : i32
      %dma_wait3A_430 = tpu.memref_slice %arg13[%dma_wait3A_427, %dma_wait3A_428, %dma_wait3A_429] : memref<10000x1x128xf32, #tpu.memory_space<vmem_shared>> -> memref<10000x1x128xf32, #tpu.memory_space<vmem_shared>>
      tpu.wait_indirect_dma semaphore(%arg21 : memref<!tpu.dma_semaphore, #tpu.memory_space<semaphore_mem>>) src(%arg16 : memref<125x1x128xf32, #tpu.memory_space<vmem>>) dst(%dma_wait3A_430 : memref<10000x1x128xf32, #tpu.memory_space<vmem_shared>>)
      %lt3A_431 = arith.constant 19 : i32
      %lt3A_432 = arith.cmpi slt, %add3A_390, %lt3A_431 : i32
      %convert_element_type3A_433 = arith.extui %lt3A_432 : i1 to i32
      %cond3A_434 = arith.constant 0 : i32
      %cond3A_435 = arith.cmpi ne, %convert_element_type3A_433, %cond3A_434 : i32
      scf.if %cond3A_435 {
        %add3A_443 = arith.constant 2 : i32
        %add3A_444 = arith.addi %mul3A_392, %add3A_443 : i32
        %dma_start3A_445 = arith.constant 0 : i32
        %dma_start3A_446 = tpu.memref_slice %arg14[%add3A_444, %dma_start3A_445] : memref<40x125xi32, #tpu.memory_space<vmem>> -> memref<1x125xi32, #tpu.memory_space<vmem>>
        %dma_start3A_447 = tpu.memref_squeeze %dma_start3A_446 : memref<1x125xi32, #tpu.memory_space<vmem>> -> memref<125xi32, #tpu.memory_space<vmem>>
        %dma_start3A_448 = arith.constant 0 : i32
        %dma_start3A_449 = arith.constant 0 : i32
        %dma_start3A_450 = tpu.memref_slice %arg2[%dma_start3A_448, %arg0, %dma_start3A_449] : memref<10000x2x128xf32, #tpu.memory_space<hbm>> -> memref<10000x1x128xf32, #tpu.memory_space<hbm>>
        tpu.enqueue_indirect_dma source(%dma_start3A_450 : memref<10000x1x128xf32, #tpu.memory_space<hbm>>) target(%arg16 : memref<125x1x128xf32, #tpu.memory_space<vmem>>) offsets(%dma_start3A_447 : memref<125xi32, #tpu.memory_space<vmem>>) semaphore(%arg19 : memref<!tpu.dma_semaphore, #tpu.memory_space<semaphore_mem>>)
      } else {
      }
      %dma_start3A_436 = arith.constant 0 : i32
      %dma_start3A_437 = tpu.memref_slice %arg15[%add3A_394, %dma_start3A_436] : memref<40x125xi32, #tpu.memory_space<vmem>> -> memref<1x125xi32, #tpu.memory_space<vmem>>
      %dma_start3A_438 = tpu.memref_squeeze %dma_start3A_437 : memref<1x125xi32, #tpu.memory_space<vmem>> -> memref<125xi32, #tpu.memory_space<vmem>>
      %dma_start3A_439 = arith.constant 0 : i32
      %dma_start3A_440 = arith.constant 0 : i32
      %dma_start3A_441 = arith.constant 0 : i32
      %dma_start3A_442 = tpu.memref_slice %arg13[%dma_start3A_439, %dma_start3A_440, %dma_start3A_441] : memref<10000x1x128xf32, #tpu.memory_space<vmem_shared>> -> memref<10000x1x128xf32, #tpu.memory_space<vmem_shared>>
      tpu.enqueue_indirect_dma source(%arg17 : memref<125x1x128xf32, #tpu.memory_space<vmem>>) target(%dma_start3A_442 : memref<10000x1x128xf32, #tpu.memory_space<vmem_shared>>) offsets(%dma_start3A_438 : memref<125xi32, #tpu.memory_space<vmem>>) semaphore(%arg22 : memref<!tpu.dma_semaphore, #tpu.memory_space<semaphore_mem>>) {add = true}
    }
    %scan3A_83 = arith.constant 20 : i32
    %dma_wait3A_84 = arith.constant 39 : i32
    %dma_wait3A_85 = arith.constant 0 : i32
    %dma_wait3A_86 = tpu.memref_slice %arg15[%dma_wait3A_84, %dma_wait3A_85] : memref<40x125xi32, #tpu.memory_space<vmem>> -> memref<1x125xi32, #tpu.memory_space<vmem>>
    %dma_wait3A_87 = tpu.memref_squeeze %dma_wait3A_86 : memref<1x125xi32, #tpu.memory_space<vmem>> -> memref<125xi32, #tpu.memory_space<vmem>>
    %dma_wait3A_88 = arith.constant 0 : i32
    %dma_wait3A_89 = arith.constant 0 : i32
    %dma_wait3A_90 = arith.constant 0 : i32
    %dma_wait3A_91 = tpu.memref_slice %arg13[%dma_wait3A_88, %dma_wait3A_89, %dma_wait3A_90] : memref<10000x1x128xf32, #tpu.memory_space<vmem_shared>> -> memref<10000x1x128xf32, #tpu.memory_space<vmem_shared>>
    tpu.wait_indirect_dma semaphore(%arg22 : memref<!tpu.dma_semaphore, #tpu.memory_space<semaphore_mem>>) src(%arg17 : memref<125x1x128xf32, #tpu.memory_space<vmem>>) dst(%dma_wait3A_91 : memref<10000x1x128xf32, #tpu.memory_space<vmem_shared>>)
    %barrier3A_92 = arith.constant 0 : index
    tpu.barrier barrier_id(%barrier3A_92)
    %sub3A_93 = arith.constant 0 : i32
    %sub3A_94 = arith.subi %select_n3A_7, %sub3A_93 : i32
    %sub3A_95 = arith.constant 1 : i32
    %sub3A_96 = arith.constant 1 : i32
    %sub3A_97 = arith.subi %sub3A_95, %sub3A_96 : i32
    %add3A_98 = arith.addi %sub3A_94, %sub3A_97 : i32
    %div3A_99 = arith.constant 1 : i32
    %div3A_100 = arith.divsi %add3A_98, %div3A_99 : i32
    %while3A_101 = arith.constant 1 : i32
    %while3A_102 = arith.constant 0 : i32
    %while3A_103 = arith.constant 0 : i32
    %while3A_104 = arith.subi %div3A_100, %while3A_103 : i32
    %while3A_105 = arith.addi %while3A_103, %while3A_104 : i32
    %while3A_106 = arith.constant 1 : i32
    %while3A_107 = arith.divsi %while3A_104, %while3A_106 : i32
    %while3A_108 = arith.muli %while3A_107, %while3A_106 : i32
    %while3A_109 = arith.addi %while3A_103, %while3A_108 : i32
    %while3A_110 = arith.constant 1 : i32
    scf.for %while3A_386 = %while3A_103 to %while3A_109 step %while3A_110  : i32 {
      %mul3A_387 = arith.muli %while3A_386, %while3A_101 : i32
      %add3A_388 = arith.addi %while3A_102, %mul3A_387 : i32
      %mul3A_389 = arith.constant 80 : i32
      %mul3A_390 = arith.muli %add3A_388, %mul3A_389 : i32
      %add3A_391 = arith.addi %mul3A_0, %mul3A_390 : i32
      %dma_start3A_392 = arith.constant 0 : i32
      %dma_start3A_393 = arith.constant 0 : i32
      %dma_start3A_394 = tpu.memref_slice %arg10[%arg0, %add3A_391, %dma_start3A_392, %dma_start3A_393] : memref<2x10000x1x128xf32, #tpu.memory_space<hbm>> -> memref<1x80x1x128xf32, #tpu.memory_space<hbm>>
      %dma_start3A_395 = tpu.memref_squeeze %dma_start3A_394 : memref<1x80x1x128xf32, #tpu.memory_space<hbm>> -> memref<80x1x128xf32, #tpu.memory_space<hbm>>
      %dma_start3A_396 = arith.constant 0 : i32
      %dma_start3A_397 = arith.constant 0 : i32
      %dma_start3A_398 = tpu.memref_slice %arg13[%add3A_391, %dma_start3A_396, %dma_start3A_397] : memref<10000x1x128xf32, #tpu.memory_space<vmem_shared>> -> memref<80x1x128xf32, #tpu.memory_space<vmem_shared>>
      tpu.enqueue_dma source(%dma_start3A_398 : memref<80x1x128xf32, #tpu.memory_space<vmem_shared>>) target(%dma_start3A_395 : memref<80x1x128xf32, #tpu.memory_space<hbm>>) target_semaphore(%arg23 : memref<!tpu.dma_semaphore, #tpu.memory_space<semaphore_mem>>)
    }
    %while3A_111 = arith.constant 1 : i32
    scf.for %while3A_386 = %while3A_109 to %while3A_105 step %while3A_111  : i32 {
      %mul3A_387 = arith.muli %while3A_386, %while3A_101 : i32
      %add3A_388 = arith.addi %while3A_102, %mul3A_387 : i32
      %mul3A_389 = arith.constant 80 : i32
      %mul3A_390 = arith.muli %add3A_388, %mul3A_389 : i32
      %add3A_391 = arith.addi %mul3A_0, %mul3A_390 : i32
      %dma_start3A_392 = arith.constant 0 : i32
      %dma_start3A_393 = arith.constant 0 : i32
      %dma_start3A_394 = tpu.memref_slice %arg10[%arg0, %add3A_391, %dma_start3A_392, %dma_start3A_393] : memref<2x10000x1x128xf32, #tpu.memory_space<hbm>> -> memref<1x80x1x128xf32, #tpu.memory_space<hbm>>
      %dma_start3A_395 = tpu.memref_squeeze %dma_start3A_394 : memref<1x80x1x128xf32, #tpu.memory_space<hbm>> -> memref<80x1x128xf32, #tpu.memory_space<hbm>>
      %dma_start3A_396 = arith.constant 0 : i32
      %dma_start3A_397 = arith.constant 0 : i32
      %dma_start3A_398 = tpu.memref_slice %arg13[%add3A_391, %dma_start3A_396, %dma_start3A_397] : memref<10000x1x128xf32, #tpu.memory_space<vmem_shared>> -> memref<80x1x128xf32, #tpu.memory_space<vmem_shared>>
      tpu.enqueue_dma source(%dma_start3A_398 : memref<80x1x128xf32, #tpu.memory_space<vmem_shared>>) target(%dma_start3A_395 : memref<80x1x128xf32, #tpu.memory_space<hbm>>) target_semaphore(%arg23 : memref<!tpu.dma_semaphore, #tpu.memory_space<semaphore_mem>>)
    }
    %sub3A_112 = arith.constant 0 : i32
    %sub3A_113 = arith.subi %select_n3A_7, %sub3A_112 : i32
    %sub3A_114 = arith.constant 1 : i32
    %sub3A_115 = arith.constant 1 : i32
    %sub3A_116 = arith.subi %sub3A_114, %sub3A_115 : i32
    %add3A_117 = arith.addi %sub3A_113, %sub3A_116 : i32
    %div3A_118 = arith.constant 1 : i32
    %div3A_119 = arith.divsi %add3A_117, %div3A_118 : i32
    %while3A_120 = arith.constant 1 : i32
    %while3A_121 = arith.constant 0 : i32
    %while3A_122 = arith.constant 0 : i32
    %while3A_123 = arith.subi %div3A_119, %while3A_122 : i32
    %while3A_124 = arith.addi %while3A_122, %while3A_123 : i32
    %while3A_125 = arith.constant 1 : i32
    %while3A_126 = arith.divsi %while3A_123, %while3A_125 : i32
    %while3A_127 = arith.muli %while3A_126, %while3A_125 : i32
    %while3A_128 = arith.addi %while3A_122, %while3A_127 : i32
    %while3A_129 = arith.constant 1 : i32
    scf.for %while3A_386 = %while3A_122 to %while3A_128 step %while3A_129  : i32 {
      %mul3A_387 = arith.muli %while3A_386, %while3A_120 : i32
      %add3A_388 = arith.addi %while3A_121, %mul3A_387 : i32
      %dma_wait3A_389 = arith.constant 0 : i32
      %dma_wait3A_390 = arith.constant 0 : i32
      %dma_wait3A_391 = tpu.memref_slice %arg10[%arg0, %mul3A_0, %dma_wait3A_389, %dma_wait3A_390] : memref<2x10000x1x128xf32, #tpu.memory_space<hbm>> -> memref<1x80x1x128xf32, #tpu.memory_space<hbm>>
      %dma_wait3A_392 = tpu.memref_squeeze %dma_wait3A_391 : memref<1x80x1x128xf32, #tpu.memory_space<hbm>> -> memref<80x1x128xf32, #tpu.memory_space<hbm>>
      %dma_wait3A_393 = arith.constant 0 : i32
      %dma_wait3A_394 = arith.constant 0 : i32
      %dma_wait3A_395 = tpu.memref_slice %arg13[%mul3A_0, %dma_wait3A_393, %dma_wait3A_394] : memref<10000x1x128xf32, #tpu.memory_space<vmem_shared>> -> memref<80x1x128xf32, #tpu.memory_space<vmem_shared>>
      tpu.wait_dma2 semaphore(%arg23 : memref<!tpu.dma_semaphore, #tpu.memory_space<semaphore_mem>>) src(%dma_wait3A_395 : memref<80x1x128xf32, #tpu.memory_space<vmem_shared>>) dst(%dma_wait3A_392 : memref<80x1x128xf32, #tpu.memory_space<hbm>>)
    }
    %while3A_130 = arith.constant 1 : i32
    scf.for %while3A_386 = %while3A_128 to %while3A_124 step %while3A_130  : i32 {
      %mul3A_387 = arith.muli %while3A_386, %while3A_120 : i32
      %add3A_388 = arith.addi %while3A_121, %mul3A_387 : i32
      %dma_wait3A_389 = arith.constant 0 : i32
      %dma_wait3A_390 = arith.constant 0 : i32
      %dma_wait3A_391 = tpu.memref_slice %arg10[%arg0, %mul3A_0, %dma_wait3A_389, %dma_wait3A_390] : memref<2x10000x1x128xf32, #tpu.memory_space<hbm>> -> memref<1x80x1x128xf32, #tpu.memory_space<hbm>>
      %dma_wait3A_392 = tpu.memref_squeeze %dma_wait3A_391 : memref<1x80x1x128xf32, #tpu.memory_space<hbm>> -> memref<80x1x128xf32, #tpu.memory_space<hbm>>
      %dma_wait3A_393 = arith.constant 0 : i32
      %dma_wait3A_394 = arith.constant 0 : i32
      %dma_wait3A_395 = tpu.memref_slice %arg13[%mul3A_0, %dma_wait3A_393, %dma_wait3A_394] : memref<10000x1x128xf32, #tpu.memory_space<vmem_shared>> -> memref<80x1x128xf32, #tpu.memory_space<vmem_shared>>
      tpu.wait_dma2 semaphore(%arg23 : memref<!tpu.dma_semaphore, #tpu.memory_space<semaphore_mem>>) src(%dma_wait3A_395 : memref<80x1x128xf32, #tpu.memory_space<vmem_shared>>) dst(%dma_wait3A_392 : memref<80x1x128xf32, #tpu.memory_space<hbm>>)
    }
    %barrier3A_131 = arith.constant 0 : index
    tpu.barrier barrier_id(%barrier3A_131)
    %sub3A_132 = arith.constant 0 : i32
    %sub3A_133 = arith.subi %select_n3A, %sub3A_132 : i32
    %sub3A_134 = arith.constant 1 : i32
    %sub3A_135 = arith.constant 1 : i32
    %sub3A_136 = arith.subi %sub3A_134, %sub3A_135 : i32
    %add3A_137 = arith.addi %sub3A_133, %sub3A_136 : i32
    %div3A_138 = arith.constant 1 : i32
    %div3A_139 = arith.divsi %add3A_137, %div3A_138 : i32
    %while3A_140 = arith.constant 1 : i32
    %while3A_141 = arith.constant 0 : i32
    %while3A_142 = arith.constant 0 : i32
    %while3A_143 = arith.subi %div3A_139, %while3A_142 : i32
    %while3A_144 = arith.addi %while3A_142, %while3A_143 : i32
    %while3A_145 = arith.constant 1 : i32
    %while3A_146 = arith.divsi %while3A_143, %while3A_145 : i32
    %while3A_147 = arith.muli %while3A_146, %while3A_145 : i32
    %while3A_148 = arith.addi %while3A_142, %while3A_147 : i32
    %while3A_149 = arith.constant 1 : i32
    scf.for %while3A_386 = %while3A_142 to %while3A_148 step %while3A_149  : i32 {
      %mul3A_387 = arith.muli %while3A_386, %while3A_140 : i32
      %add3A_388 = arith.addi %while3A_141, %mul3A_387 : i32
      %mul3A_389 = arith.constant 40 : i32
      %mul3A_390 = arith.muli %add3A_388, %mul3A_389 : i32
      %add3A_391 = arith.addi %mul3A_0, %mul3A_390 : i32
      %dma_start3A_392 = arith.constant 0 : i32
      %dma_start3A_393 = arith.constant 0 : i32
      %dma_start3A_394 = tpu.memref_slice %arg13[%add3A_391, %dma_start3A_392, %dma_start3A_393] : memref<10000x1x128xf32, #tpu.memory_space<vmem_shared>> -> memref<40x1x128xf32, #tpu.memory_space<vmem_shared>>
      %dma_start3A_395 = arith.constant 0 : i32
      %dma_start3A_396 = arith.constant 0 : i32
      %dma_start3A_397 = tpu.memref_slice %arg13[%add3A_391, %dma_start3A_395, %dma_start3A_396] : memref<10000x1x128xf32, #tpu.memory_space<vmem_shared>> -> memref<40x1x128xf32, #tpu.memory_space<vmem_shared>>
      tpu.enqueue_dma source(%arg18 : memref<40x1x128xf32, #tpu.memory_space<vmem>>) target(%dma_start3A_397 : memref<40x1x128xf32, #tpu.memory_space<vmem_shared>>) target_semaphore(%arg23 : memref<!tpu.dma_semaphore, #tpu.memory_space<semaphore_mem>>)
    }
    %while3A_150 = arith.constant 1 : i32
    scf.for %while3A_386 = %while3A_148 to %while3A_144 step %while3A_150  : i32 {
      %mul3A_387 = arith.muli %while3A_386, %while3A_140 : i32
      %add3A_388 = arith.addi %while3A_141, %mul3A_387 : i32
      %mul3A_389 = arith.constant 40 : i32
      %mul3A_390 = arith.muli %add3A_388, %mul3A_389 : i32
      %add3A_391 = arith.addi %mul3A_0, %mul3A_390 : i32
      %dma_start3A_392 = arith.constant 0 : i32
      %dma_start3A_393 = arith.constant 0 : i32
      %dma_start3A_394 = tpu.memref_slice %arg13[%add3A_391, %dma_start3A_392, %dma_start3A_393] : memref<10000x1x128xf32, #tpu.memory_space<vmem_shared>> -> memref<40x1x128xf32, #tpu.memory_space<vmem_shared>>
      %dma_start3A_395 = arith.constant 0 : i32
      %dma_start3A_396 = arith.constant 0 : i32
      %dma_start3A_397 = tpu.memref_slice %arg13[%add3A_391, %dma_start3A_395, %dma_start3A_396] : memref<10000x1x128xf32, #tpu.memory_space<vmem_shared>> -> memref<40x1x128xf32, #tpu.memory_space<vmem_shared>>
      tpu.enqueue_dma source(%arg18 : memref<40x1x128xf32, #tpu.memory_space<vmem>>) target(%dma_start3A_397 : memref<40x1x128xf32, #tpu.memory_space<vmem_shared>>) target_semaphore(%arg23 : memref<!tpu.dma_semaphore, #tpu.memory_space<semaphore_mem>>)
    }
    %sub3A_151 = arith.constant 0 : i32
    %sub3A_152 = arith.subi %select_n3A, %sub3A_151 : i32
    %sub3A_153 = arith.constant 1 : i32
    %sub3A_154 = arith.constant 1 : i32
    %sub3A_155 = arith.subi %sub3A_153, %sub3A_154 : i32
    %add3A_156 = arith.addi %sub3A_152, %sub3A_155 : i32
    %div3A_157 = arith.constant 1 : i32
    %div3A_158 = arith.divsi %add3A_156, %div3A_157 : i32
    %while3A_159 = arith.constant 1 : i32
    %while3A_160 = arith.constant 0 : i32
    %while3A_161 = arith.constant 0 : i32
    %while3A_162 = arith.subi %div3A_158, %while3A_161 : i32
    %while3A_163 = arith.addi %while3A_161, %while3A_162 : i32
    %while3A_164 = arith.constant 1 : i32
    %while3A_165 = arith.divsi %while3A_162, %while3A_164 : i32
    %while3A_166 = arith.muli %while3A_165, %while3A_164 : i32
    %while3A_167 = arith.addi %while3A_161, %while3A_166 : i32
    %while3A_168 = arith.constant 1 : i32
    scf.for %while3A_386 = %while3A_161 to %while3A_167 step %while3A_168  : i32 {
      %mul3A_387 = arith.muli %while3A_386, %while3A_159 : i32
      %add3A_388 = arith.addi %while3A_160, %mul3A_387 : i32
      %dma_wait3A_389 = arith.constant 0 : i32
      %dma_wait3A_390 = arith.constant 0 : i32
      %dma_wait3A_391 = tpu.memref_slice %arg13[%mul3A_0, %dma_wait3A_389, %dma_wait3A_390] : memref<10000x1x128xf32, #tpu.memory_space<vmem_shared>> -> memref<40x1x128xf32, #tpu.memory_space<vmem_shared>>
      %dma_wait3A_392 = arith.constant 0 : i32
      %dma_wait3A_393 = arith.constant 0 : i32
      %dma_wait3A_394 = tpu.memref_slice %arg13[%mul3A_0, %dma_wait3A_392, %dma_wait3A_393] : memref<10000x1x128xf32, #tpu.memory_space<vmem_shared>> -> memref<40x1x128xf32, #tpu.memory_space<vmem_shared>>
      tpu.wait_dma2 semaphore(%arg23 : memref<!tpu.dma_semaphore, #tpu.memory_space<semaphore_mem>>) src(%arg18 : memref<40x1x128xf32, #tpu.memory_space<vmem>>) dst(%dma_wait3A_394 : memref<40x1x128xf32, #tpu.memory_space<vmem_shared>>)
    }
    %while3A_169 = arith.constant 1 : i32
    scf.for %while3A_386 = %while3A_167 to %while3A_163 step %while3A_169  : i32 {
      %mul3A_387 = arith.muli %while3A_386, %while3A_159 : i32
      %add3A_388 = arith.addi %while3A_160, %mul3A_387 : i32
      %dma_wait3A_389 = arith.constant 0 : i32
      %dma_wait3A_390 = arith.constant 0 : i32
      %dma_wait3A_391 = tpu.memref_slice %arg13[%mul3A_0, %dma_wait3A_389, %dma_wait3A_390] : memref<10000x1x128xf32, #tpu.memory_space<vmem_shared>> -> memref<40x1x128xf32, #tpu.memory_space<vmem_shared>>
      %dma_wait3A_392 = arith.constant 0 : i32
      %dma_wait3A_393 = arith.constant 0 : i32
      %dma_wait3A_394 = tpu.memref_slice %arg13[%mul3A_0, %dma_wait3A_392, %dma_wait3A_393] : memref<10000x1x128xf32, #tpu.memory_space<vmem_shared>> -> memref<40x1x128xf32, #tpu.memory_space<vmem_shared>>
      tpu.wait_dma2 semaphore(%arg23 : memref<!tpu.dma_semaphore, #tpu.memory_space<semaphore_mem>>) src(%arg18 : memref<40x1x128xf32, #tpu.memory_space<vmem>>) dst(%dma_wait3A_394 : memref<40x1x128xf32, #tpu.memory_space<vmem_shared>>)
    }
    %barrier3A_170 = arith.constant 0 : index
    tpu.barrier barrier_id(%barrier3A_170)
    %mul3A_171 = arith.constant 80 : i32
    %mul3A_172 = arith.muli %arg1, %mul3A_171 : i32
    %add3A_173 = arith.constant 0 : i32
    %add3A_174 = arith.addi %mul3A_172, %add3A_173 : i32
    "tpu.region"() ({
      %run_scoped3A = tpu.sem_alloc : memref<!tpu.dma_semaphore, #tpu.memory_space<semaphore_mem>>
      %dma_start3A_386 = arith.constant 0 : i32
      %dma_start3A_387 = tpu.memref_slice %arg6[%add3A_174, %dma_start3A_386] : memref<1280x125xi32, #tpu.memory_space<hbm>> -> memref<40x125xi32, #tpu.memory_space<hbm>>
      %dma_start3A_388 = arith.constant 0 : i32
      %dma_start3A_389 = tpu.memref_slice %arg6[%add3A_174, %dma_start3A_388] : memref<1280x125xi32, #tpu.memory_space<hbm>> -> memref<40x125xi32, #tpu.memory_space<hbm>>
      tpu.enqueue_dma source(%dma_start3A_389 : memref<40x125xi32, #tpu.memory_space<hbm>>) target(%arg14 : memref<40x125xi32, #tpu.memory_space<vmem>>) target_semaphore(%run_scoped3A : memref<!tpu.dma_semaphore, #tpu.memory_space<semaphore_mem>>)
      %dma_wait3A_390 = arith.constant 0 : i32
      %dma_wait3A_391 = tpu.memref_slice %arg6[%add3A_174, %dma_wait3A_390] : memref<1280x125xi32, #tpu.memory_space<hbm>> -> memref<40x125xi32, #tpu.memory_space<hbm>>
      %dma_wait3A_392 = arith.constant 0 : i32
      %dma_wait3A_393 = tpu.memref_slice %arg6[%add3A_174, %dma_wait3A_392] : memref<1280x125xi32, #tpu.memory_space<hbm>> -> memref<40x125xi32, #tpu.memory_space<hbm>>
      tpu.wait_dma2 semaphore(%run_scoped3A : memref<!tpu.dma_semaphore, #tpu.memory_space<semaphore_mem>>) src(%dma_wait3A_393 : memref<40x125xi32, #tpu.memory_space<hbm>>) dst(%arg14 : memref<40x125xi32, #tpu.memory_space<vmem>>)
      tpu.yield
    }) : () -> ()
    "tpu.region"() ({
      %run_scoped3A = tpu.sem_alloc : memref<!tpu.dma_semaphore, #tpu.memory_space<semaphore_mem>>
      %dma_start3A_386 = arith.constant 0 : i32
      %dma_start3A_387 = tpu.memref_slice %arg7[%add3A_174, %dma_start3A_386] : memref<1280x125xi32, #tpu.memory_space<hbm>> -> memref<40x125xi32, #tpu.memory_space<hbm>>
      %dma_start3A_388 = arith.constant 0 : i32
      %dma_start3A_389 = tpu.memref_slice %arg7[%add3A_174, %dma_start3A_388] : memref<1280x125xi32, #tpu.memory_space<hbm>> -> memref<40x125xi32, #tpu.memory_space<hbm>>
      tpu.enqueue_dma source(%dma_start3A_389 : memref<40x125xi32, #tpu.memory_space<hbm>>) target(%arg15 : memref<40x125xi32, #tpu.memory_space<vmem>>) target_semaphore(%run_scoped3A : memref<!tpu.dma_semaphore, #tpu.memory_space<semaphore_mem>>)
      %dma_wait3A_390 = arith.constant 0 : i32
      %dma_wait3A_391 = tpu.memref_slice %arg7[%add3A_174, %dma_wait3A_390] : memref<1280x125xi32, #tpu.memory_space<hbm>> -> memref<40x125xi32, #tpu.memory_space<hbm>>
      %dma_wait3A_392 = arith.constant 0 : i32
      %dma_wait3A_393 = tpu.memref_slice %arg7[%add3A_174, %dma_wait3A_392] : memref<1280x125xi32, #tpu.memory_space<hbm>> -> memref<40x125xi32, #tpu.memory_space<hbm>>
      tpu.wait_dma2 semaphore(%run_scoped3A : memref<!tpu.dma_semaphore, #tpu.memory_space<semaphore_mem>>) src(%dma_wait3A_393 : memref<40x125xi32, #tpu.memory_space<hbm>>) dst(%arg15 : memref<40x125xi32, #tpu.memory_space<vmem>>)
      tpu.yield
    }) : () -> ()
    %dma_start3A_175 = arith.constant 0 : i32
    %dma_start3A_176 = arith.constant 0 : i32
    %dma_start3A_177 = tpu.memref_slice %arg14[%dma_start3A_175, %dma_start3A_176] : memref<40x125xi32, #tpu.memory_space<vmem>> -> memref<1x125xi32, #tpu.memory_space<vmem>>
    %dma_start3A_178 = tpu.memref_squeeze %dma_start3A_177 : memref<1x125xi32, #tpu.memory_space<vmem>> -> memref<125xi32, #tpu.memory_space<vmem>>
    %dma_start3A_179 = arith.constant 0 : i32
    %dma_start3A_180 = arith.constant 0 : i32
    %dma_start3A_181 = tpu.memref_slice %arg3[%dma_start3A_179, %arg0, %dma_start3A_180] : memref<10000x2x128xf32, #tpu.memory_space<hbm>> -> memref<10000x1x128xf32, #tpu.memory_space<hbm>>
    tpu.enqueue_indirect_dma source(%dma_start3A_181 : memref<10000x1x128xf32, #tpu.memory_space<hbm>>) target(%arg16 : memref<125x1x128xf32, #tpu.memory_space<vmem>>) offsets(%dma_start3A_178 : memref<125xi32, #tpu.memory_space<vmem>>) semaphore(%arg19 : memref<!tpu.dma_semaphore, #tpu.memory_space<semaphore_mem>>)
    %scan3A_182 = arith.constant 0 : i32
    %scan3A_183 = arith.constant 20 : i32
    %scan3A_184 = arith.addi %scan3A_182, %scan3A_183 : i32
    %scan3A_185 = arith.constant 1 : i32
    scf.for %scan3A_386 = %scan3A_182 to %scan3A_184 step %scan3A_185  : i32 {
      %mul3A_387 = arith.constant 1 : i32
      %mul3A_388 = arith.muli %scan3A_386, %mul3A_387 : i32
      %add3A_389 = arith.constant 0 : i32
      %add3A_390 = arith.addi %add3A_389, %mul3A_388 : i32
      %mul3A_391 = arith.constant 2 : i32
      %mul3A_392 = arith.muli %mul3A_391, %add3A_390 : i32
      %add3A_393 = arith.constant 1 : i32
      %add3A_394 = arith.addi %mul3A_392, %add3A_393 : i32
      %gt3A = arith.constant 0 : i32
      %gt3A_395 = arith.cmpi sgt, %add3A_390, %gt3A : i32
      %convert_element_type3A = arith.extui %gt3A_395 : i1 to i32
      %cond3A = arith.constant 0 : i32
      %cond3A_396 = arith.cmpi ne, %convert_element_type3A, %cond3A : i32
      scf.if %cond3A_396 {
        %dma_wait3A_443 = arith.constant 0 : i32
        %dma_wait3A_444 = tpu.memref_slice %arg15[%add3A_394, %dma_wait3A_443] : memref<40x125xi32, #tpu.memory_space<vmem>> -> memref<1x125xi32, #tpu.memory_space<vmem>>
        %dma_wait3A_445 = tpu.memref_squeeze %dma_wait3A_444 : memref<1x125xi32, #tpu.memory_space<vmem>> -> memref<125xi32, #tpu.memory_space<vmem>>
        %dma_wait3A_446 = arith.constant 0 : i32
        %dma_wait3A_447 = arith.constant 0 : i32
        %dma_wait3A_448 = arith.constant 0 : i32
        %dma_wait3A_449 = tpu.memref_slice %arg13[%dma_wait3A_446, %dma_wait3A_447, %dma_wait3A_448] : memref<10000x1x128xf32, #tpu.memory_space<vmem_shared>> -> memref<10000x1x128xf32, #tpu.memory_space<vmem_shared>>
        tpu.wait_indirect_dma semaphore(%arg22 : memref<!tpu.dma_semaphore, #tpu.memory_space<semaphore_mem>>) src(%arg17 : memref<125x1x128xf32, #tpu.memory_space<vmem>>) dst(%dma_wait3A_449 : memref<10000x1x128xf32, #tpu.memory_space<vmem_shared>>)
      } else {
      }
      %dma_start3A_397 = arith.constant 0 : i32
      %dma_start3A_398 = tpu.memref_slice %arg14[%add3A_394, %dma_start3A_397] : memref<40x125xi32, #tpu.memory_space<vmem>> -> memref<1x125xi32, #tpu.memory_space<vmem>>
      %dma_start3A_399 = tpu.memref_squeeze %dma_start3A_398 : memref<1x125xi32, #tpu.memory_space<vmem>> -> memref<125xi32, #tpu.memory_space<vmem>>
      %dma_start3A_400 = arith.constant 0 : i32
      %dma_start3A_401 = arith.constant 0 : i32
      %dma_start3A_402 = tpu.memref_slice %arg3[%dma_start3A_400, %arg0, %dma_start3A_401] : memref<10000x2x128xf32, #tpu.memory_space<hbm>> -> memref<10000x1x128xf32, #tpu.memory_space<hbm>>
      tpu.enqueue_indirect_dma source(%dma_start3A_402 : memref<10000x1x128xf32, #tpu.memory_space<hbm>>) target(%arg17 : memref<125x1x128xf32, #tpu.memory_space<vmem>>) offsets(%dma_start3A_399 : memref<125xi32, #tpu.memory_space<vmem>>) semaphore(%arg20 : memref<!tpu.dma_semaphore, #tpu.memory_space<semaphore_mem>>)
      %dma_wait3A_403 = arith.constant 0 : i32
      %dma_wait3A_404 = arith.constant 0 : i32
      %dma_wait3A_405 = tpu.memref_slice %arg14[%dma_wait3A_403, %dma_wait3A_404] : memref<40x125xi32, #tpu.memory_space<vmem>> -> memref<1x125xi32, #tpu.memory_space<vmem>>
      %dma_wait3A_406 = tpu.memref_squeeze %dma_wait3A_405 : memref<1x125xi32, #tpu.memory_space<vmem>> -> memref<125xi32, #tpu.memory_space<vmem>>
      %dma_wait3A_407 = arith.constant 0 : i32
      %dma_wait3A_408 = arith.constant 0 : i32
      %dma_wait3A_409 = tpu.memref_slice %arg3[%dma_wait3A_407, %arg0, %dma_wait3A_408] : memref<10000x2x128xf32, #tpu.memory_space<hbm>> -> memref<10000x1x128xf32, #tpu.memory_space<hbm>>
      tpu.wait_indirect_dma semaphore(%arg19 : memref<!tpu.dma_semaphore, #tpu.memory_space<semaphore_mem>>) src(%dma_wait3A_409 : memref<10000x1x128xf32, #tpu.memory_space<hbm>>) dst(%arg16 : memref<125x1x128xf32, #tpu.memory_space<vmem>>)
      %dma_start3A_410 = arith.constant 0 : i32
      %dma_start3A_411 = tpu.memref_slice %arg15[%mul3A_392, %dma_start3A_410] : memref<40x125xi32, #tpu.memory_space<vmem>> -> memref<1x125xi32, #tpu.memory_space<vmem>>
      %dma_start3A_412 = tpu.memref_squeeze %dma_start3A_411 : memref<1x125xi32, #tpu.memory_space<vmem>> -> memref<125xi32, #tpu.memory_space<vmem>>
      %dma_start3A_413 = arith.constant 0 : i32
      %dma_start3A_414 = arith.constant 0 : i32
      %dma_start3A_415 = arith.constant 0 : i32
      %dma_start3A_416 = tpu.memref_slice %arg13[%dma_start3A_413, %dma_start3A_414, %dma_start3A_415] : memref<10000x1x128xf32, #tpu.memory_space<vmem_shared>> -> memref<10000x1x128xf32, #tpu.memory_space<vmem_shared>>
      tpu.enqueue_indirect_dma source(%arg16 : memref<125x1x128xf32, #tpu.memory_space<vmem>>) target(%dma_start3A_416 : memref<10000x1x128xf32, #tpu.memory_space<vmem_shared>>) offsets(%dma_start3A_412 : memref<125xi32, #tpu.memory_space<vmem>>) semaphore(%arg21 : memref<!tpu.dma_semaphore, #tpu.memory_space<semaphore_mem>>) {add = true}
      %dma_wait3A_417 = arith.constant 0 : i32
      %dma_wait3A_418 = arith.constant 0 : i32
      %dma_wait3A_419 = tpu.memref_slice %arg14[%dma_wait3A_417, %dma_wait3A_418] : memref<40x125xi32, #tpu.memory_space<vmem>> -> memref<1x125xi32, #tpu.memory_space<vmem>>
      %dma_wait3A_420 = tpu.memref_squeeze %dma_wait3A_419 : memref<1x125xi32, #tpu.memory_space<vmem>> -> memref<125xi32, #tpu.memory_space<vmem>>
      %dma_wait3A_421 = arith.constant 0 : i32
      %dma_wait3A_422 = arith.constant 0 : i32
      %dma_wait3A_423 = tpu.memref_slice %arg3[%dma_wait3A_421, %arg0, %dma_wait3A_422] : memref<10000x2x128xf32, #tpu.memory_space<hbm>> -> memref<10000x1x128xf32, #tpu.memory_space<hbm>>
      tpu.wait_indirect_dma semaphore(%arg20 : memref<!tpu.dma_semaphore, #tpu.memory_space<semaphore_mem>>) src(%dma_wait3A_423 : memref<10000x1x128xf32, #tpu.memory_space<hbm>>) dst(%arg17 : memref<125x1x128xf32, #tpu.memory_space<vmem>>)
      %dma_wait3A_424 = arith.constant 0 : i32
      %dma_wait3A_425 = tpu.memref_slice %arg15[%mul3A_392, %dma_wait3A_424] : memref<40x125xi32, #tpu.memory_space<vmem>> -> memref<1x125xi32, #tpu.memory_space<vmem>>
      %dma_wait3A_426 = tpu.memref_squeeze %dma_wait3A_425 : memref<1x125xi32, #tpu.memory_space<vmem>> -> memref<125xi32, #tpu.memory_space<vmem>>
      %dma_wait3A_427 = arith.constant 0 : i32
      %dma_wait3A_428 = arith.constant 0 : i32
      %dma_wait3A_429 = arith.constant 0 : i32
      %dma_wait3A_430 = tpu.memref_slice %arg13[%dma_wait3A_427, %dma_wait3A_428, %dma_wait3A_429] : memref<10000x1x128xf32, #tpu.memory_space<vmem_shared>> -> memref<10000x1x128xf32, #tpu.memory_space<vmem_shared>>
      tpu.wait_indirect_dma semaphore(%arg21 : memref<!tpu.dma_semaphore, #tpu.memory_space<semaphore_mem>>) src(%arg16 : memref<125x1x128xf32, #tpu.memory_space<vmem>>) dst(%dma_wait3A_430 : memref<10000x1x128xf32, #tpu.memory_space<vmem_shared>>)
      %lt3A_431 = arith.constant 19 : i32
      %lt3A_432 = arith.cmpi slt, %add3A_390, %lt3A_431 : i32
      %convert_element_type3A_433 = arith.extui %lt3A_432 : i1 to i32
      %cond3A_434 = arith.constant 0 : i32
      %cond3A_435 = arith.cmpi ne, %convert_element_type3A_433, %cond3A_434 : i32
      scf.if %cond3A_435 {
        %add3A_443 = arith.constant 2 : i32
        %add3A_444 = arith.addi %mul3A_392, %add3A_443 : i32
        %dma_start3A_445 = arith.constant 0 : i32
        %dma_start3A_446 = tpu.memref_slice %arg14[%add3A_444, %dma_start3A_445] : memref<40x125xi32, #tpu.memory_space<vmem>> -> memref<1x125xi32, #tpu.memory_space<vmem>>
        %dma_start3A_447 = tpu.memref_squeeze %dma_start3A_446 : memref<1x125xi32, #tpu.memory_space<vmem>> -> memref<125xi32, #tpu.memory_space<vmem>>
        %dma_start3A_448 = arith.constant 0 : i32
        %dma_start3A_449 = arith.constant 0 : i32
        %dma_start3A_450 = tpu.memref_slice %arg3[%dma_start3A_448, %arg0, %dma_start3A_449] : memref<10000x2x128xf32, #tpu.memory_space<hbm>> -> memref<10000x1x128xf32, #tpu.memory_space<hbm>>
        tpu.enqueue_indirect_dma source(%dma_start3A_450 : memref<10000x1x128xf32, #tpu.memory_space<hbm>>) target(%arg16 : memref<125x1x128xf32, #tpu.memory_space<vmem>>) offsets(%dma_start3A_447 : memref<125xi32, #tpu.memory_space<vmem>>) semaphore(%arg19 : memref<!tpu.dma_semaphore, #tpu.memory_space<semaphore_mem>>)
      } else {
      }
      %dma_start3A_436 = arith.constant 0 : i32
      %dma_start3A_437 = tpu.memref_slice %arg15[%add3A_394, %dma_start3A_436] : memref<40x125xi32, #tpu.memory_space<vmem>> -> memref<1x125xi32, #tpu.memory_space<vmem>>
      %dma_start3A_438 = tpu.memref_squeeze %dma_start3A_437 : memref<1x125xi32, #tpu.memory_space<vmem>> -> memref<125xi32, #tpu.memory_space<vmem>>
      %dma_start3A_439 = arith.constant 0 : i32
      %dma_start3A_440 = arith.constant 0 : i32
      %dma_start3A_441 = arith.constant 0 : i32
      %dma_start3A_442 = tpu.memref_slice %arg13[%dma_start3A_439, %dma_start3A_440, %dma_start3A_441] : memref<10000x1x128xf32, #tpu.memory_space<vmem_shared>> -> memref<10000x1x128xf32, #tpu.memory_space<vmem_shared>>
      tpu.enqueue_indirect_dma source(%arg17 : memref<125x1x128xf32, #tpu.memory_space<vmem>>) target(%dma_start3A_442 : memref<10000x1x128xf32, #tpu.memory_space<vmem_shared>>) offsets(%dma_start3A_438 : memref<125xi32, #tpu.memory_space<vmem>>) semaphore(%arg22 : memref<!tpu.dma_semaphore, #tpu.memory_space<semaphore_mem>>) {add = true}
    }
    %scan3A_186 = arith.constant 20 : i32
    %dma_wait3A_187 = arith.constant 39 : i32
    %dma_wait3A_188 = arith.constant 0 : i32
    %dma_wait3A_189 = tpu.memref_slice %arg15[%dma_wait3A_187, %dma_wait3A_188] : memref<40x125xi32, #tpu.memory_space<vmem>> -> memref<1x125xi32, #tpu.memory_space<vmem>>
    %dma_wait3A_190 = tpu.memref_squeeze %dma_wait3A_189 : memref<1x125xi32, #tpu.memory_space<vmem>> -> memref<125xi32, #tpu.memory_space<vmem>>
    %dma_wait3A_191 = arith.constant 0 : i32
    %dma_wait3A_192 = arith.constant 0 : i32
    %dma_wait3A_193 = arith.constant 0 : i32
    %dma_wait3A_194 = tpu.memref_slice %arg13[%dma_wait3A_191, %dma_wait3A_192, %dma_wait3A_193] : memref<10000x1x128xf32, #tpu.memory_space<vmem_shared>> -> memref<10000x1x128xf32, #tpu.memory_space<vmem_shared>>
    tpu.wait_indirect_dma semaphore(%arg22 : memref<!tpu.dma_semaphore, #tpu.memory_space<semaphore_mem>>) src(%arg17 : memref<125x1x128xf32, #tpu.memory_space<vmem>>) dst(%dma_wait3A_194 : memref<10000x1x128xf32, #tpu.memory_space<vmem_shared>>)
    %mul3A_195 = arith.constant 80 : i32
    %mul3A_196 = arith.muli %arg1, %mul3A_195 : i32
    %add3A_197 = arith.constant 40 : i32
    %add3A_198 = arith.addi %mul3A_196, %add3A_197 : i32
    "tpu.region"() ({
      %run_scoped3A = tpu.sem_alloc : memref<!tpu.dma_semaphore, #tpu.memory_space<semaphore_mem>>
      %dma_start3A_386 = arith.constant 0 : i32
      %dma_start3A_387 = tpu.memref_slice %arg6[%add3A_198, %dma_start3A_386] : memref<1280x125xi32, #tpu.memory_space<hbm>> -> memref<40x125xi32, #tpu.memory_space<hbm>>
      %dma_start3A_388 = arith.constant 0 : i32
      %dma_start3A_389 = tpu.memref_slice %arg6[%add3A_198, %dma_start3A_388] : memref<1280x125xi32, #tpu.memory_space<hbm>> -> memref<40x125xi32, #tpu.memory_space<hbm>>
      tpu.enqueue_dma source(%dma_start3A_389 : memref<40x125xi32, #tpu.memory_space<hbm>>) target(%arg14 : memref<40x125xi32, #tpu.memory_space<vmem>>) target_semaphore(%run_scoped3A : memref<!tpu.dma_semaphore, #tpu.memory_space<semaphore_mem>>)
      %dma_wait3A_390 = arith.constant 0 : i32
      %dma_wait3A_391 = tpu.memref_slice %arg6[%add3A_198, %dma_wait3A_390] : memref<1280x125xi32, #tpu.memory_space<hbm>> -> memref<40x125xi32, #tpu.memory_space<hbm>>
      %dma_wait3A_392 = arith.constant 0 : i32
      %dma_wait3A_393 = tpu.memref_slice %arg6[%add3A_198, %dma_wait3A_392] : memref<1280x125xi32, #tpu.memory_space<hbm>> -> memref<40x125xi32, #tpu.memory_space<hbm>>
      tpu.wait_dma2 semaphore(%run_scoped3A : memref<!tpu.dma_semaphore, #tpu.memory_space<semaphore_mem>>) src(%dma_wait3A_393 : memref<40x125xi32, #tpu.memory_space<hbm>>) dst(%arg14 : memref<40x125xi32, #tpu.memory_space<vmem>>)
      tpu.yield
    }) : () -> ()
    "tpu.region"() ({
      %run_scoped3A = tpu.sem_alloc : memref<!tpu.dma_semaphore, #tpu.memory_space<semaphore_mem>>
      %dma_start3A_386 = arith.constant 0 : i32
      %dma_start3A_387 = tpu.memref_slice %arg7[%add3A_198, %dma_start3A_386] : memref<1280x125xi32, #tpu.memory_space<hbm>> -> memref<40x125xi32, #tpu.memory_space<hbm>>
      %dma_start3A_388 = arith.constant 0 : i32
      %dma_start3A_389 = tpu.memref_slice %arg7[%add3A_198, %dma_start3A_388] : memref<1280x125xi32, #tpu.memory_space<hbm>> -> memref<40x125xi32, #tpu.memory_space<hbm>>
      tpu.enqueue_dma source(%dma_start3A_389 : memref<40x125xi32, #tpu.memory_space<hbm>>) target(%arg15 : memref<40x125xi32, #tpu.memory_space<vmem>>) target_semaphore(%run_scoped3A : memref<!tpu.dma_semaphore, #tpu.memory_space<semaphore_mem>>)
      %dma_wait3A_390 = arith.constant 0 : i32
      %dma_wait3A_391 = tpu.memref_slice %arg7[%add3A_198, %dma_wait3A_390] : memref<1280x125xi32, #tpu.memory_space<hbm>> -> memref<40x125xi32, #tpu.memory_space<hbm>>
      %dma_wait3A_392 = arith.constant 0 : i32
      %dma_wait3A_393 = tpu.memref_slice %arg7[%add3A_198, %dma_wait3A_392] : memref<1280x125xi32, #tpu.memory_space<hbm>> -> memref<40x125xi32, #tpu.memory_space<hbm>>
      tpu.wait_dma2 semaphore(%run_scoped3A : memref<!tpu.dma_semaphore, #tpu.memory_space<semaphore_mem>>) src(%dma_wait3A_393 : memref<40x125xi32, #tpu.memory_space<hbm>>) dst(%arg15 : memref<40x125xi32, #tpu.memory_space<vmem>>)
      tpu.yield
    }) : () -> ()
    %dma_start3A_199 = arith.constant 0 : i32
    %dma_start3A_200 = arith.constant 0 : i32
    %dma_start3A_201 = tpu.memref_slice %arg14[%dma_start3A_199, %dma_start3A_200] : memref<40x125xi32, #tpu.memory_space<vmem>> -> memref<1x125xi32, #tpu.memory_space<vmem>>
    %dma_start3A_202 = tpu.memref_squeeze %dma_start3A_201 : memref<1x125xi32, #tpu.memory_space<vmem>> -> memref<125xi32, #tpu.memory_space<vmem>>
    %dma_start3A_203 = arith.constant 0 : i32
    %dma_start3A_204 = arith.constant 0 : i32
    %dma_start3A_205 = tpu.memref_slice %arg3[%dma_start3A_203, %arg0, %dma_start3A_204] : memref<10000x2x128xf32, #tpu.memory_space<hbm>> -> memref<10000x1x128xf32, #tpu.memory_space<hbm>>
    tpu.enqueue_indirect_dma source(%dma_start3A_205 : memref<10000x1x128xf32, #tpu.memory_space<hbm>>) target(%arg16 : memref<125x1x128xf32, #tpu.memory_space<vmem>>) offsets(%dma_start3A_202 : memref<125xi32, #tpu.memory_space<vmem>>) semaphore(%arg19 : memref<!tpu.dma_semaphore, #tpu.memory_space<semaphore_mem>>)
    %scan3A_206 = arith.constant 0 : i32
    %scan3A_207 = arith.constant 20 : i32
    %scan3A_208 = arith.addi %scan3A_206, %scan3A_207 : i32
    %scan3A_209 = arith.constant 1 : i32
    scf.for %scan3A_386 = %scan3A_206 to %scan3A_208 step %scan3A_209  : i32 {
      %mul3A_387 = arith.constant 1 : i32
      %mul3A_388 = arith.muli %scan3A_386, %mul3A_387 : i32
      %add3A_389 = arith.constant 0 : i32
      %add3A_390 = arith.addi %add3A_389, %mul3A_388 : i32
      %mul3A_391 = arith.constant 2 : i32
      %mul3A_392 = arith.muli %mul3A_391, %add3A_390 : i32
      %add3A_393 = arith.constant 1 : i32
      %add3A_394 = arith.addi %mul3A_392, %add3A_393 : i32
      %gt3A = arith.constant 0 : i32
      %gt3A_395 = arith.cmpi sgt, %add3A_390, %gt3A : i32
      %convert_element_type3A = arith.extui %gt3A_395 : i1 to i32
      %cond3A = arith.constant 0 : i32
      %cond3A_396 = arith.cmpi ne, %convert_element_type3A, %cond3A : i32
      scf.if %cond3A_396 {
        %dma_wait3A_443 = arith.constant 0 : i32
        %dma_wait3A_444 = tpu.memref_slice %arg15[%add3A_394, %dma_wait3A_443] : memref<40x125xi32, #tpu.memory_space<vmem>> -> memref<1x125xi32, #tpu.memory_space<vmem>>
        %dma_wait3A_445 = tpu.memref_squeeze %dma_wait3A_444 : memref<1x125xi32, #tpu.memory_space<vmem>> -> memref<125xi32, #tpu.memory_space<vmem>>
        %dma_wait3A_446 = arith.constant 0 : i32
        %dma_wait3A_447 = arith.constant 0 : i32
        %dma_wait3A_448 = arith.constant 0 : i32
        %dma_wait3A_449 = tpu.memref_slice %arg13[%dma_wait3A_446, %dma_wait3A_447, %dma_wait3A_448] : memref<10000x1x128xf32, #tpu.memory_space<vmem_shared>> -> memref<10000x1x128xf32, #tpu.memory_space<vmem_shared>>
        tpu.wait_indirect_dma semaphore(%arg22 : memref<!tpu.dma_semaphore, #tpu.memory_space<semaphore_mem>>) src(%arg17 : memref<125x1x128xf32, #tpu.memory_space<vmem>>) dst(%dma_wait3A_449 : memref<10000x1x128xf32, #tpu.memory_space<vmem_shared>>)
      } else {
      }
      %dma_start3A_397 = arith.constant 0 : i32
      %dma_start3A_398 = tpu.memref_slice %arg14[%add3A_394, %dma_start3A_397] : memref<40x125xi32, #tpu.memory_space<vmem>> -> memref<1x125xi32, #tpu.memory_space<vmem>>
      %dma_start3A_399 = tpu.memref_squeeze %dma_start3A_398 : memref<1x125xi32, #tpu.memory_space<vmem>> -> memref<125xi32, #tpu.memory_space<vmem>>
      %dma_start3A_400 = arith.constant 0 : i32
      %dma_start3A_401 = arith.constant 0 : i32
      %dma_start3A_402 = tpu.memref_slice %arg3[%dma_start3A_400, %arg0, %dma_start3A_401] : memref<10000x2x128xf32, #tpu.memory_space<hbm>> -> memref<10000x1x128xf32, #tpu.memory_space<hbm>>
      tpu.enqueue_indirect_dma source(%dma_start3A_402 : memref<10000x1x128xf32, #tpu.memory_space<hbm>>) target(%arg17 : memref<125x1x128xf32, #tpu.memory_space<vmem>>) offsets(%dma_start3A_399 : memref<125xi32, #tpu.memory_space<vmem>>) semaphore(%arg20 : memref<!tpu.dma_semaphore, #tpu.memory_space<semaphore_mem>>)
      %dma_wait3A_403 = arith.constant 0 : i32
      %dma_wait3A_404 = arith.constant 0 : i32
      %dma_wait3A_405 = tpu.memref_slice %arg14[%dma_wait3A_403, %dma_wait3A_404] : memref<40x125xi32, #tpu.memory_space<vmem>> -> memref<1x125xi32, #tpu.memory_space<vmem>>
      %dma_wait3A_406 = tpu.memref_squeeze %dma_wait3A_405 : memref<1x125xi32, #tpu.memory_space<vmem>> -> memref<125xi32, #tpu.memory_space<vmem>>
      %dma_wait3A_407 = arith.constant 0 : i32
      %dma_wait3A_408 = arith.constant 0 : i32
      %dma_wait3A_409 = tpu.memref_slice %arg3[%dma_wait3A_407, %arg0, %dma_wait3A_408] : memref<10000x2x128xf32, #tpu.memory_space<hbm>> -> memref<10000x1x128xf32, #tpu.memory_space<hbm>>
      tpu.wait_indirect_dma semaphore(%arg19 : memref<!tpu.dma_semaphore, #tpu.memory_space<semaphore_mem>>) src(%dma_wait3A_409 : memref<10000x1x128xf32, #tpu.memory_space<hbm>>) dst(%arg16 : memref<125x1x128xf32, #tpu.memory_space<vmem>>)
      %dma_start3A_410 = arith.constant 0 : i32
      %dma_start3A_411 = tpu.memref_slice %arg15[%mul3A_392, %dma_start3A_410] : memref<40x125xi32, #tpu.memory_space<vmem>> -> memref<1x125xi32, #tpu.memory_space<vmem>>
      %dma_start3A_412 = tpu.memref_squeeze %dma_start3A_411 : memref<1x125xi32, #tpu.memory_space<vmem>> -> memref<125xi32, #tpu.memory_space<vmem>>
      %dma_start3A_413 = arith.constant 0 : i32
      %dma_start3A_414 = arith.constant 0 : i32
      %dma_start3A_415 = arith.constant 0 : i32
      %dma_start3A_416 = tpu.memref_slice %arg13[%dma_start3A_413, %dma_start3A_414, %dma_start3A_415] : memref<10000x1x128xf32, #tpu.memory_space<vmem_shared>> -> memref<10000x1x128xf32, #tpu.memory_space<vmem_shared>>
      tpu.enqueue_indirect_dma source(%arg16 : memref<125x1x128xf32, #tpu.memory_space<vmem>>) target(%dma_start3A_416 : memref<10000x1x128xf32, #tpu.memory_space<vmem_shared>>) offsets(%dma_start3A_412 : memref<125xi32, #tpu.memory_space<vmem>>) semaphore(%arg21 : memref<!tpu.dma_semaphore, #tpu.memory_space<semaphore_mem>>) {add = true}
      %dma_wait3A_417 = arith.constant 0 : i32
      %dma_wait3A_418 = arith.constant 0 : i32
      %dma_wait3A_419 = tpu.memref_slice %arg14[%dma_wait3A_417, %dma_wait3A_418] : memref<40x125xi32, #tpu.memory_space<vmem>> -> memref<1x125xi32, #tpu.memory_space<vmem>>
      %dma_wait3A_420 = tpu.memref_squeeze %dma_wait3A_419 : memref<1x125xi32, #tpu.memory_space<vmem>> -> memref<125xi32, #tpu.memory_space<vmem>>
      %dma_wait3A_421 = arith.constant 0 : i32
      %dma_wait3A_422 = arith.constant 0 : i32
      %dma_wait3A_423 = tpu.memref_slice %arg3[%dma_wait3A_421, %arg0, %dma_wait3A_422] : memref<10000x2x128xf32, #tpu.memory_space<hbm>> -> memref<10000x1x128xf32, #tpu.memory_space<hbm>>
      tpu.wait_indirect_dma semaphore(%arg20 : memref<!tpu.dma_semaphore, #tpu.memory_space<semaphore_mem>>) src(%dma_wait3A_423 : memref<10000x1x128xf32, #tpu.memory_space<hbm>>) dst(%arg17 : memref<125x1x128xf32, #tpu.memory_space<vmem>>)
      %dma_wait3A_424 = arith.constant 0 : i32
      %dma_wait3A_425 = tpu.memref_slice %arg15[%mul3A_392, %dma_wait3A_424] : memref<40x125xi32, #tpu.memory_space<vmem>> -> memref<1x125xi32, #tpu.memory_space<vmem>>
      %dma_wait3A_426 = tpu.memref_squeeze %dma_wait3A_425 : memref<1x125xi32, #tpu.memory_space<vmem>> -> memref<125xi32, #tpu.memory_space<vmem>>
      %dma_wait3A_427 = arith.constant 0 : i32
      %dma_wait3A_428 = arith.constant 0 : i32
      %dma_wait3A_429 = arith.constant 0 : i32
      %dma_wait3A_430 = tpu.memref_slice %arg13[%dma_wait3A_427, %dma_wait3A_428, %dma_wait3A_429] : memref<10000x1x128xf32, #tpu.memory_space<vmem_shared>> -> memref<10000x1x128xf32, #tpu.memory_space<vmem_shared>>
      tpu.wait_indirect_dma semaphore(%arg21 : memref<!tpu.dma_semaphore, #tpu.memory_space<semaphore_mem>>) src(%arg16 : memref<125x1x128xf32, #tpu.memory_space<vmem>>) dst(%dma_wait3A_430 : memref<10000x1x128xf32, #tpu.memory_space<vmem_shared>>)
      %lt3A_431 = arith.constant 19 : i32
      %lt3A_432 = arith.cmpi slt, %add3A_390, %lt3A_431 : i32
      %convert_element_type3A_433 = arith.extui %lt3A_432 : i1 to i32
      %cond3A_434 = arith.constant 0 : i32
      %cond3A_435 = arith.cmpi ne, %convert_element_type3A_433, %cond3A_434 : i32
      scf.if %cond3A_435 {
        %add3A_443 = arith.constant 2 : i32
        %add3A_444 = arith.addi %mul3A_392, %add3A_443 : i32
        %dma_start3A_445 = arith.constant 0 : i32
        %dma_start3A_446 = tpu.memref_slice %arg14[%add3A_444, %dma_start3A_445] : memref<40x125xi32, #tpu.memory_space<vmem>> -> memref<1x125xi32, #tpu.memory_space<vmem>>
        %dma_start3A_447 = tpu.memref_squeeze %dma_start3A_446 : memref<1x125xi32, #tpu.memory_space<vmem>> -> memref<125xi32, #tpu.memory_space<vmem>>
        %dma_start3A_448 = arith.constant 0 : i32
        %dma_start3A_449 = arith.constant 0 : i32
        %dma_start3A_450 = tpu.memref_slice %arg3[%dma_start3A_448, %arg0, %dma_start3A_449] : memref<10000x2x128xf32, #tpu.memory_space<hbm>> -> memref<10000x1x128xf32, #tpu.memory_space<hbm>>
        tpu.enqueue_indirect_dma source(%dma_start3A_450 : memref<10000x1x128xf32, #tpu.memory_space<hbm>>) target(%arg16 : memref<125x1x128xf32, #tpu.memory_space<vmem>>) offsets(%dma_start3A_447 : memref<125xi32, #tpu.memory_space<vmem>>) semaphore(%arg19 : memref<!tpu.dma_semaphore, #tpu.memory_space<semaphore_mem>>)
      } else {
      }
      %dma_start3A_436 = arith.constant 0 : i32
      %dma_start3A_437 = tpu.memref_slice %arg15[%add3A_394, %dma_start3A_436] : memref<40x125xi32, #tpu.memory_space<vmem>> -> memref<1x125xi32, #tpu.memory_space<vmem>>
      %dma_start3A_438 = tpu.memref_squeeze %dma_start3A_437 : memref<1x125xi32, #tpu.memory_space<vmem>> -> memref<125xi32, #tpu.memory_space<vmem>>
      %dma_start3A_439 = arith.constant 0 : i32
      %dma_start3A_440 = arith.constant 0 : i32
      %dma_start3A_441 = arith.constant 0 : i32
      %dma_start3A_442 = tpu.memref_slice %arg13[%dma_start3A_439, %dma_start3A_440, %dma_start3A_441] : memref<10000x1x128xf32, #tpu.memory_space<vmem_shared>> -> memref<10000x1x128xf32, #tpu.memory_space<vmem_shared>>
      tpu.enqueue_indirect_dma source(%arg17 : memref<125x1x128xf32, #tpu.memory_space<vmem>>) target(%dma_start3A_442 : memref<10000x1x128xf32, #tpu.memory_space<vmem_shared>>) offsets(%dma_start3A_438 : memref<125xi32, #tpu.memory_space<vmem>>) semaphore(%arg22 : memref<!tpu.dma_semaphore, #tpu.memory_space<semaphore_mem>>) {add = true}
    }
    %scan3A_210 = arith.constant 20 : i32
    %dma_wait3A_211 = arith.constant 39 : i32
    %dma_wait3A_212 = arith.constant 0 : i32
    %dma_wait3A_213 = tpu.memref_slice %arg15[%dma_wait3A_211, %dma_wait3A_212] : memref<40x125xi32, #tpu.memory_space<vmem>> -> memref<1x125xi32, #tpu.memory_space<vmem>>
    %dma_wait3A_214 = tpu.memref_squeeze %dma_wait3A_213 : memref<1x125xi32, #tpu.memory_space<vmem>> -> memref<125xi32, #tpu.memory_space<vmem>>
    %dma_wait3A_215 = arith.constant 0 : i32
    %dma_wait3A_216 = arith.constant 0 : i32
    %dma_wait3A_217 = arith.constant 0 : i32
    %dma_wait3A_218 = tpu.memref_slice %arg13[%dma_wait3A_215, %dma_wait3A_216, %dma_wait3A_217] : memref<10000x1x128xf32, #tpu.memory_space<vmem_shared>> -> memref<10000x1x128xf32, #tpu.memory_space<vmem_shared>>
    tpu.wait_indirect_dma semaphore(%arg22 : memref<!tpu.dma_semaphore, #tpu.memory_space<semaphore_mem>>) src(%arg17 : memref<125x1x128xf32, #tpu.memory_space<vmem>>) dst(%dma_wait3A_218 : memref<10000x1x128xf32, #tpu.memory_space<vmem_shared>>)
    %barrier3A_219 = arith.constant 0 : index
    tpu.barrier barrier_id(%barrier3A_219)
    %sub3A_220 = arith.constant 0 : i32
    %sub3A_221 = arith.subi %select_n3A_7, %sub3A_220 : i32
    %sub3A_222 = arith.constant 1 : i32
    %sub3A_223 = arith.constant 1 : i32
    %sub3A_224 = arith.subi %sub3A_222, %sub3A_223 : i32
    %add3A_225 = arith.addi %sub3A_221, %sub3A_224 : i32
    %div3A_226 = arith.constant 1 : i32
    %div3A_227 = arith.divsi %add3A_225, %div3A_226 : i32
    %while3A_228 = arith.constant 1 : i32
    %while3A_229 = arith.constant 0 : i32
    %while3A_230 = arith.constant 0 : i32
    %while3A_231 = arith.subi %div3A_227, %while3A_230 : i32
    %while3A_232 = arith.addi %while3A_230, %while3A_231 : i32
    %while3A_233 = arith.constant 1 : i32
    %while3A_234 = arith.divsi %while3A_231, %while3A_233 : i32
    %while3A_235 = arith.muli %while3A_234, %while3A_233 : i32
    %while3A_236 = arith.addi %while3A_230, %while3A_235 : i32
    %while3A_237 = arith.constant 1 : i32
    scf.for %while3A_386 = %while3A_230 to %while3A_236 step %while3A_237  : i32 {
      %mul3A_387 = arith.muli %while3A_386, %while3A_228 : i32
      %add3A_388 = arith.addi %while3A_229, %mul3A_387 : i32
      %mul3A_389 = arith.constant 80 : i32
      %mul3A_390 = arith.muli %add3A_388, %mul3A_389 : i32
      %add3A_391 = arith.addi %mul3A_0, %mul3A_390 : i32
      %dma_start3A_392 = arith.constant 0 : i32
      %dma_start3A_393 = arith.constant 0 : i32
      %dma_start3A_394 = tpu.memref_slice %arg11[%arg0, %add3A_391, %dma_start3A_392, %dma_start3A_393] : memref<2x10000x1x128xf32, #tpu.memory_space<hbm>> -> memref<1x80x1x128xf32, #tpu.memory_space<hbm>>
      %dma_start3A_395 = tpu.memref_squeeze %dma_start3A_394 : memref<1x80x1x128xf32, #tpu.memory_space<hbm>> -> memref<80x1x128xf32, #tpu.memory_space<hbm>>
      %dma_start3A_396 = arith.constant 0 : i32
      %dma_start3A_397 = arith.constant 0 : i32
      %dma_start3A_398 = tpu.memref_slice %arg13[%add3A_391, %dma_start3A_396, %dma_start3A_397] : memref<10000x1x128xf32, #tpu.memory_space<vmem_shared>> -> memref<80x1x128xf32, #tpu.memory_space<vmem_shared>>
      tpu.enqueue_dma source(%dma_start3A_398 : memref<80x1x128xf32, #tpu.memory_space<vmem_shared>>) target(%dma_start3A_395 : memref<80x1x128xf32, #tpu.memory_space<hbm>>) target_semaphore(%arg23 : memref<!tpu.dma_semaphore, #tpu.memory_space<semaphore_mem>>)
    }
    %while3A_238 = arith.constant 1 : i32
    scf.for %while3A_386 = %while3A_236 to %while3A_232 step %while3A_238  : i32 {
      %mul3A_387 = arith.muli %while3A_386, %while3A_228 : i32
      %add3A_388 = arith.addi %while3A_229, %mul3A_387 : i32
      %mul3A_389 = arith.constant 80 : i32
      %mul3A_390 = arith.muli %add3A_388, %mul3A_389 : i32
      %add3A_391 = arith.addi %mul3A_0, %mul3A_390 : i32
      %dma_start3A_392 = arith.constant 0 : i32
      %dma_start3A_393 = arith.constant 0 : i32
      %dma_start3A_394 = tpu.memref_slice %arg11[%arg0, %add3A_391, %dma_start3A_392, %dma_start3A_393] : memref<2x10000x1x128xf32, #tpu.memory_space<hbm>> -> memref<1x80x1x128xf32, #tpu.memory_space<hbm>>
      %dma_start3A_395 = tpu.memref_squeeze %dma_start3A_394 : memref<1x80x1x128xf32, #tpu.memory_space<hbm>> -> memref<80x1x128xf32, #tpu.memory_space<hbm>>
      %dma_start3A_396 = arith.constant 0 : i32
      %dma_start3A_397 = arith.constant 0 : i32
      %dma_start3A_398 = tpu.memref_slice %arg13[%add3A_391, %dma_start3A_396, %dma_start3A_397] : memref<10000x1x128xf32, #tpu.memory_space<vmem_shared>> -> memref<80x1x128xf32, #tpu.memory_space<vmem_shared>>
      tpu.enqueue_dma source(%dma_start3A_398 : memref<80x1x128xf32, #tpu.memory_space<vmem_shared>>) target(%dma_start3A_395 : memref<80x1x128xf32, #tpu.memory_space<hbm>>) target_semaphore(%arg23 : memref<!tpu.dma_semaphore, #tpu.memory_space<semaphore_mem>>)
    }
    %sub3A_239 = arith.constant 0 : i32
    %sub3A_240 = arith.subi %select_n3A_7, %sub3A_239 : i32
    %sub3A_241 = arith.constant 1 : i32
    %sub3A_242 = arith.constant 1 : i32
    %sub3A_243 = arith.subi %sub3A_241, %sub3A_242 : i32
    %add3A_244 = arith.addi %sub3A_240, %sub3A_243 : i32
    %div3A_245 = arith.constant 1 : i32
    %div3A_246 = arith.divsi %add3A_244, %div3A_245 : i32
    %while3A_247 = arith.constant 1 : i32
    %while3A_248 = arith.constant 0 : i32
    %while3A_249 = arith.constant 0 : i32
    %while3A_250 = arith.subi %div3A_246, %while3A_249 : i32
    %while3A_251 = arith.addi %while3A_249, %while3A_250 : i32
    %while3A_252 = arith.constant 1 : i32
    %while3A_253 = arith.divsi %while3A_250, %while3A_252 : i32
    %while3A_254 = arith.muli %while3A_253, %while3A_252 : i32
    %while3A_255 = arith.addi %while3A_249, %while3A_254 : i32
    %while3A_256 = arith.constant 1 : i32
    scf.for %while3A_386 = %while3A_249 to %while3A_255 step %while3A_256  : i32 {
      %mul3A_387 = arith.muli %while3A_386, %while3A_247 : i32
      %add3A_388 = arith.addi %while3A_248, %mul3A_387 : i32
      %dma_wait3A_389 = arith.constant 0 : i32
      %dma_wait3A_390 = arith.constant 0 : i32
      %dma_wait3A_391 = tpu.memref_slice %arg11[%arg0, %mul3A_0, %dma_wait3A_389, %dma_wait3A_390] : memref<2x10000x1x128xf32, #tpu.memory_space<hbm>> -> memref<1x80x1x128xf32, #tpu.memory_space<hbm>>
      %dma_wait3A_392 = tpu.memref_squeeze %dma_wait3A_391 : memref<1x80x1x128xf32, #tpu.memory_space<hbm>> -> memref<80x1x128xf32, #tpu.memory_space<hbm>>
      %dma_wait3A_393 = arith.constant 0 : i32
      %dma_wait3A_394 = arith.constant 0 : i32
      %dma_wait3A_395 = tpu.memref_slice %arg13[%mul3A_0, %dma_wait3A_393, %dma_wait3A_394] : memref<10000x1x128xf32, #tpu.memory_space<vmem_shared>> -> memref<80x1x128xf32, #tpu.memory_space<vmem_shared>>
      tpu.wait_dma2 semaphore(%arg23 : memref<!tpu.dma_semaphore, #tpu.memory_space<semaphore_mem>>) src(%dma_wait3A_395 : memref<80x1x128xf32, #tpu.memory_space<vmem_shared>>) dst(%dma_wait3A_392 : memref<80x1x128xf32, #tpu.memory_space<hbm>>)
    }
    %while3A_257 = arith.constant 1 : i32
    scf.for %while3A_386 = %while3A_255 to %while3A_251 step %while3A_257  : i32 {
      %mul3A_387 = arith.muli %while3A_386, %while3A_247 : i32
      %add3A_388 = arith.addi %while3A_248, %mul3A_387 : i32
      %dma_wait3A_389 = arith.constant 0 : i32
      %dma_wait3A_390 = arith.constant 0 : i32
      %dma_wait3A_391 = tpu.memref_slice %arg11[%arg0, %mul3A_0, %dma_wait3A_389, %dma_wait3A_390] : memref<2x10000x1x128xf32, #tpu.memory_space<hbm>> -> memref<1x80x1x128xf32, #tpu.memory_space<hbm>>
      %dma_wait3A_392 = tpu.memref_squeeze %dma_wait3A_391 : memref<1x80x1x128xf32, #tpu.memory_space<hbm>> -> memref<80x1x128xf32, #tpu.memory_space<hbm>>
      %dma_wait3A_393 = arith.constant 0 : i32
      %dma_wait3A_394 = arith.constant 0 : i32
      %dma_wait3A_395 = tpu.memref_slice %arg13[%mul3A_0, %dma_wait3A_393, %dma_wait3A_394] : memref<10000x1x128xf32, #tpu.memory_space<vmem_shared>> -> memref<80x1x128xf32, #tpu.memory_space<vmem_shared>>
      tpu.wait_dma2 semaphore(%arg23 : memref<!tpu.dma_semaphore, #tpu.memory_space<semaphore_mem>>) src(%dma_wait3A_395 : memref<80x1x128xf32, #tpu.memory_space<vmem_shared>>) dst(%dma_wait3A_392 : memref<80x1x128xf32, #tpu.memory_space<hbm>>)
    }
    %barrier3A_258 = arith.constant 0 : index
    tpu.barrier barrier_id(%barrier3A_258)
    %sub3A_259 = arith.constant 0 : i32
    %sub3A_260 = arith.subi %select_n3A, %sub3A_259 : i32
    %sub3A_261 = arith.constant 1 : i32
    %sub3A_262 = arith.constant 1 : i32
    %sub3A_263 = arith.subi %sub3A_261, %sub3A_262 : i32
    %add3A_264 = arith.addi %sub3A_260, %sub3A_263 : i32
    %div3A_265 = arith.constant 1 : i32
    %div3A_266 = arith.divsi %add3A_264, %div3A_265 : i32
    %while3A_267 = arith.constant 1 : i32
    %while3A_268 = arith.constant 0 : i32
    %while3A_269 = arith.constant 0 : i32
    %while3A_270 = arith.subi %div3A_266, %while3A_269 : i32
    %while3A_271 = arith.addi %while3A_269, %while3A_270 : i32
    %while3A_272 = arith.constant 1 : i32
    %while3A_273 = arith.divsi %while3A_270, %while3A_272 : i32
    %while3A_274 = arith.muli %while3A_273, %while3A_272 : i32
    %while3A_275 = arith.addi %while3A_269, %while3A_274 : i32
    %while3A_276 = arith.constant 1 : i32
    scf.for %while3A_386 = %while3A_269 to %while3A_275 step %while3A_276  : i32 {
      %mul3A_387 = arith.muli %while3A_386, %while3A_267 : i32
      %add3A_388 = arith.addi %while3A_268, %mul3A_387 : i32
      %mul3A_389 = arith.constant 40 : i32
      %mul3A_390 = arith.muli %add3A_388, %mul3A_389 : i32
      %add3A_391 = arith.addi %mul3A_0, %mul3A_390 : i32
      %dma_start3A_392 = arith.constant 0 : i32
      %dma_start3A_393 = arith.constant 0 : i32
      %dma_start3A_394 = tpu.memref_slice %arg13[%add3A_391, %dma_start3A_392, %dma_start3A_393] : memref<10000x1x128xf32, #tpu.memory_space<vmem_shared>> -> memref<40x1x128xf32, #tpu.memory_space<vmem_shared>>
      %dma_start3A_395 = arith.constant 0 : i32
      %dma_start3A_396 = arith.constant 0 : i32
      %dma_start3A_397 = tpu.memref_slice %arg13[%add3A_391, %dma_start3A_395, %dma_start3A_396] : memref<10000x1x128xf32, #tpu.memory_space<vmem_shared>> -> memref<40x1x128xf32, #tpu.memory_space<vmem_shared>>
      tpu.enqueue_dma source(%arg18 : memref<40x1x128xf32, #tpu.memory_space<vmem>>) target(%dma_start3A_397 : memref<40x1x128xf32, #tpu.memory_space<vmem_shared>>) target_semaphore(%arg23 : memref<!tpu.dma_semaphore, #tpu.memory_space<semaphore_mem>>)
    }
    %while3A_277 = arith.constant 1 : i32
    scf.for %while3A_386 = %while3A_275 to %while3A_271 step %while3A_277  : i32 {
      %mul3A_387 = arith.muli %while3A_386, %while3A_267 : i32
      %add3A_388 = arith.addi %while3A_268, %mul3A_387 : i32
      %mul3A_389 = arith.constant 40 : i32
      %mul3A_390 = arith.muli %add3A_388, %mul3A_389 : i32
      %add3A_391 = arith.addi %mul3A_0, %mul3A_390 : i32
      %dma_start3A_392 = arith.constant 0 : i32
      %dma_start3A_393 = arith.constant 0 : i32
      %dma_start3A_394 = tpu.memref_slice %arg13[%add3A_391, %dma_start3A_392, %dma_start3A_393] : memref<10000x1x128xf32, #tpu.memory_space<vmem_shared>> -> memref<40x1x128xf32, #tpu.memory_space<vmem_shared>>
      %dma_start3A_395 = arith.constant 0 : i32
      %dma_start3A_396 = arith.constant 0 : i32
      %dma_start3A_397 = tpu.memref_slice %arg13[%add3A_391, %dma_start3A_395, %dma_start3A_396] : memref<10000x1x128xf32, #tpu.memory_space<vmem_shared>> -> memref<40x1x128xf32, #tpu.memory_space<vmem_shared>>
      tpu.enqueue_dma source(%arg18 : memref<40x1x128xf32, #tpu.memory_space<vmem>>) target(%dma_start3A_397 : memref<40x1x128xf32, #tpu.memory_space<vmem_shared>>) target_semaphore(%arg23 : memref<!tpu.dma_semaphore, #tpu.memory_space<semaphore_mem>>)
    }
    %sub3A_278 = arith.constant 0 : i32
    %sub3A_279 = arith.subi %select_n3A, %sub3A_278 : i32
    %sub3A_280 = arith.constant 1 : i32
    %sub3A_281 = arith.constant 1 : i32
    %sub3A_282 = arith.subi %sub3A_280, %sub3A_281 : i32
    %add3A_283 = arith.addi %sub3A_279, %sub3A_282 : i32
    %div3A_284 = arith.constant 1 : i32
    %div3A_285 = arith.divsi %add3A_283, %div3A_284 : i32
    %while3A_286 = arith.constant 1 : i32
    %while3A_287 = arith.constant 0 : i32
    %while3A_288 = arith.constant 0 : i32
    %while3A_289 = arith.subi %div3A_285, %while3A_288 : i32
    %while3A_290 = arith.addi %while3A_288, %while3A_289 : i32
    %while3A_291 = arith.constant 1 : i32
    %while3A_292 = arith.divsi %while3A_289, %while3A_291 : i32
    %while3A_293 = arith.muli %while3A_292, %while3A_291 : i32
    %while3A_294 = arith.addi %while3A_288, %while3A_293 : i32
    %while3A_295 = arith.constant 1 : i32
    scf.for %while3A_386 = %while3A_288 to %while3A_294 step %while3A_295  : i32 {
      %mul3A_387 = arith.muli %while3A_386, %while3A_286 : i32
      %add3A_388 = arith.addi %while3A_287, %mul3A_387 : i32
      %dma_wait3A_389 = arith.constant 0 : i32
      %dma_wait3A_390 = arith.constant 0 : i32
      %dma_wait3A_391 = tpu.memref_slice %arg13[%mul3A_0, %dma_wait3A_389, %dma_wait3A_390] : memref<10000x1x128xf32, #tpu.memory_space<vmem_shared>> -> memref<40x1x128xf32, #tpu.memory_space<vmem_shared>>
      %dma_wait3A_392 = arith.constant 0 : i32
      %dma_wait3A_393 = arith.constant 0 : i32
      %dma_wait3A_394 = tpu.memref_slice %arg13[%mul3A_0, %dma_wait3A_392, %dma_wait3A_393] : memref<10000x1x128xf32, #tpu.memory_space<vmem_shared>> -> memref<40x1x128xf32, #tpu.memory_space<vmem_shared>>
      tpu.wait_dma2 semaphore(%arg23 : memref<!tpu.dma_semaphore, #tpu.memory_space<semaphore_mem>>) src(%arg18 : memref<40x1x128xf32, #tpu.memory_space<vmem>>) dst(%dma_wait3A_394 : memref<40x1x128xf32, #tpu.memory_space<vmem_shared>>)
    }
    %while3A_296 = arith.constant 1 : i32
    scf.for %while3A_386 = %while3A_294 to %while3A_290 step %while3A_296  : i32 {
      %mul3A_387 = arith.muli %while3A_386, %while3A_286 : i32
      %add3A_388 = arith.addi %while3A_287, %mul3A_387 : i32
      %dma_wait3A_389 = arith.constant 0 : i32
      %dma_wait3A_390 = arith.constant 0 : i32
      %dma_wait3A_391 = tpu.memref_slice %arg13[%mul3A_0, %dma_wait3A_389, %dma_wait3A_390] : memref<10000x1x128xf32, #tpu.memory_space<vmem_shared>> -> memref<40x1x128xf32, #tpu.memory_space<vmem_shared>>
      %dma_wait3A_392 = arith.constant 0 : i32
      %dma_wait3A_393 = arith.constant 0 : i32
      %dma_wait3A_394 = tpu.memref_slice %arg13[%mul3A_0, %dma_wait3A_392, %dma_wait3A_393] : memref<10000x1x128xf32, #tpu.memory_space<vmem_shared>> -> memref<40x1x128xf32, #tpu.memory_space<vmem_shared>>
      tpu.wait_dma2 semaphore(%arg23 : memref<!tpu.dma_semaphore, #tpu.memory_space<semaphore_mem>>) src(%arg18 : memref<40x1x128xf32, #tpu.memory_space<vmem>>) dst(%dma_wait3A_394 : memref<40x1x128xf32, #tpu.memory_space<vmem_shared>>)
    }
    %barrier3A_297 = arith.constant 0 : index
    tpu.barrier barrier_id(%barrier3A_297)
    %mul3A_298 = arith.constant 80 : i32
    %mul3A_299 = arith.muli %arg1, %mul3A_298 : i32
    %add3A_300 = arith.constant 0 : i32
    %add3A_301 = arith.addi %mul3A_299, %add3A_300 : i32
    "tpu.region"() ({
      %run_scoped3A = tpu.sem_alloc : memref<!tpu.dma_semaphore, #tpu.memory_space<semaphore_mem>>
      %dma_start3A_386 = arith.constant 0 : i32
      %dma_start3A_387 = tpu.memref_slice %arg8[%add3A_301, %dma_start3A_386] : memref<1280x125xi32, #tpu.memory_space<hbm>> -> memref<40x125xi32, #tpu.memory_space<hbm>>
      %dma_start3A_388 = arith.constant 0 : i32
      %dma_start3A_389 = tpu.memref_slice %arg8[%add3A_301, %dma_start3A_388] : memref<1280x125xi32, #tpu.memory_space<hbm>> -> memref<40x125xi32, #tpu.memory_space<hbm>>
      tpu.enqueue_dma source(%dma_start3A_389 : memref<40x125xi32, #tpu.memory_space<hbm>>) target(%arg14 : memref<40x125xi32, #tpu.memory_space<vmem>>) target_semaphore(%run_scoped3A : memref<!tpu.dma_semaphore, #tpu.memory_space<semaphore_mem>>)
      %dma_wait3A_390 = arith.constant 0 : i32
      %dma_wait3A_391 = tpu.memref_slice %arg8[%add3A_301, %dma_wait3A_390] : memref<1280x125xi32, #tpu.memory_space<hbm>> -> memref<40x125xi32, #tpu.memory_space<hbm>>
      %dma_wait3A_392 = arith.constant 0 : i32
      %dma_wait3A_393 = tpu.memref_slice %arg8[%add3A_301, %dma_wait3A_392] : memref<1280x125xi32, #tpu.memory_space<hbm>> -> memref<40x125xi32, #tpu.memory_space<hbm>>
      tpu.wait_dma2 semaphore(%run_scoped3A : memref<!tpu.dma_semaphore, #tpu.memory_space<semaphore_mem>>) src(%dma_wait3A_393 : memref<40x125xi32, #tpu.memory_space<hbm>>) dst(%arg14 : memref<40x125xi32, #tpu.memory_space<vmem>>)
      tpu.yield
    }) : () -> ()
    "tpu.region"() ({
      %run_scoped3A = tpu.sem_alloc : memref<!tpu.dma_semaphore, #tpu.memory_space<semaphore_mem>>
      %dma_start3A_386 = arith.constant 0 : i32
      %dma_start3A_387 = tpu.memref_slice %arg9[%add3A_301, %dma_start3A_386] : memref<1280x125xi32, #tpu.memory_space<hbm>> -> memref<40x125xi32, #tpu.memory_space<hbm>>
      %dma_start3A_388 = arith.constant 0 : i32
      %dma_start3A_389 = tpu.memref_slice %arg9[%add3A_301, %dma_start3A_388] : memref<1280x125xi32, #tpu.memory_space<hbm>> -> memref<40x125xi32, #tpu.memory_space<hbm>>
      tpu.enqueue_dma source(%dma_start3A_389 : memref<40x125xi32, #tpu.memory_space<hbm>>) target(%arg15 : memref<40x125xi32, #tpu.memory_space<vmem>>) target_semaphore(%run_scoped3A : memref<!tpu.dma_semaphore, #tpu.memory_space<semaphore_mem>>)
      %dma_wait3A_390 = arith.constant 0 : i32
      %dma_wait3A_391 = tpu.memref_slice %arg9[%add3A_301, %dma_wait3A_390] : memref<1280x125xi32, #tpu.memory_space<hbm>> -> memref<40x125xi32, #tpu.memory_space<hbm>>
      %dma_wait3A_392 = arith.constant 0 : i32
      %dma_wait3A_393 = tpu.memref_slice %arg9[%add3A_301, %dma_wait3A_392] : memref<1280x125xi32, #tpu.memory_space<hbm>> -> memref<40x125xi32, #tpu.memory_space<hbm>>
      tpu.wait_dma2 semaphore(%run_scoped3A : memref<!tpu.dma_semaphore, #tpu.memory_space<semaphore_mem>>) src(%dma_wait3A_393 : memref<40x125xi32, #tpu.memory_space<hbm>>) dst(%arg15 : memref<40x125xi32, #tpu.memory_space<vmem>>)
      tpu.yield
    }) : () -> ()
    %dma_start3A_302 = arith.constant 0 : i32
    %dma_start3A_303 = arith.constant 0 : i32
    %dma_start3A_304 = tpu.memref_slice %arg14[%dma_start3A_302, %dma_start3A_303] : memref<40x125xi32, #tpu.memory_space<vmem>> -> memref<1x125xi32, #tpu.memory_space<vmem>>
    %dma_start3A_305 = tpu.memref_squeeze %dma_start3A_304 : memref<1x125xi32, #tpu.memory_space<vmem>> -> memref<125xi32, #tpu.memory_space<vmem>>
    %dma_start3A_306 = arith.constant 0 : i32
    %dma_start3A_307 = arith.constant 0 : i32
    %dma_start3A_308 = tpu.memref_slice %arg3[%dma_start3A_306, %arg0, %dma_start3A_307] : memref<10000x2x128xf32, #tpu.memory_space<hbm>> -> memref<10000x1x128xf32, #tpu.memory_space<hbm>>
    tpu.enqueue_indirect_dma source(%dma_start3A_308 : memref<10000x1x128xf32, #tpu.memory_space<hbm>>) target(%arg16 : memref<125x1x128xf32, #tpu.memory_space<vmem>>) offsets(%dma_start3A_305 : memref<125xi32, #tpu.memory_space<vmem>>) semaphore(%arg19 : memref<!tpu.dma_semaphore, #tpu.memory_space<semaphore_mem>>)
    %scan3A_309 = arith.constant 0 : i32
    %scan3A_310 = arith.constant 20 : i32
    %scan3A_311 = arith.addi %scan3A_309, %scan3A_310 : i32
    %scan3A_312 = arith.constant 1 : i32
    scf.for %scan3A_386 = %scan3A_309 to %scan3A_311 step %scan3A_312  : i32 {
      %mul3A_387 = arith.constant 1 : i32
      %mul3A_388 = arith.muli %scan3A_386, %mul3A_387 : i32
      %add3A_389 = arith.constant 0 : i32
      %add3A_390 = arith.addi %add3A_389, %mul3A_388 : i32
      %mul3A_391 = arith.constant 2 : i32
      %mul3A_392 = arith.muli %mul3A_391, %add3A_390 : i32
      %add3A_393 = arith.constant 1 : i32
      %add3A_394 = arith.addi %mul3A_392, %add3A_393 : i32
      %gt3A = arith.constant 0 : i32
      %gt3A_395 = arith.cmpi sgt, %add3A_390, %gt3A : i32
      %convert_element_type3A = arith.extui %gt3A_395 : i1 to i32
      %cond3A = arith.constant 0 : i32
      %cond3A_396 = arith.cmpi ne, %convert_element_type3A, %cond3A : i32
      scf.if %cond3A_396 {
        %dma_wait3A_443 = arith.constant 0 : i32
        %dma_wait3A_444 = tpu.memref_slice %arg15[%add3A_394, %dma_wait3A_443] : memref<40x125xi32, #tpu.memory_space<vmem>> -> memref<1x125xi32, #tpu.memory_space<vmem>>
        %dma_wait3A_445 = tpu.memref_squeeze %dma_wait3A_444 : memref<1x125xi32, #tpu.memory_space<vmem>> -> memref<125xi32, #tpu.memory_space<vmem>>
        %dma_wait3A_446 = arith.constant 0 : i32
        %dma_wait3A_447 = arith.constant 0 : i32
        %dma_wait3A_448 = arith.constant 0 : i32
        %dma_wait3A_449 = tpu.memref_slice %arg13[%dma_wait3A_446, %dma_wait3A_447, %dma_wait3A_448] : memref<10000x1x128xf32, #tpu.memory_space<vmem_shared>> -> memref<10000x1x128xf32, #tpu.memory_space<vmem_shared>>
        tpu.wait_indirect_dma semaphore(%arg22 : memref<!tpu.dma_semaphore, #tpu.memory_space<semaphore_mem>>) src(%arg17 : memref<125x1x128xf32, #tpu.memory_space<vmem>>) dst(%dma_wait3A_449 : memref<10000x1x128xf32, #tpu.memory_space<vmem_shared>>)
      } else {
      }
      %dma_start3A_397 = arith.constant 0 : i32
      %dma_start3A_398 = tpu.memref_slice %arg14[%add3A_394, %dma_start3A_397] : memref<40x125xi32, #tpu.memory_space<vmem>> -> memref<1x125xi32, #tpu.memory_space<vmem>>
      %dma_start3A_399 = tpu.memref_squeeze %dma_start3A_398 : memref<1x125xi32, #tpu.memory_space<vmem>> -> memref<125xi32, #tpu.memory_space<vmem>>
      %dma_start3A_400 = arith.constant 0 : i32
      %dma_start3A_401 = arith.constant 0 : i32
      %dma_start3A_402 = tpu.memref_slice %arg3[%dma_start3A_400, %arg0, %dma_start3A_401] : memref<10000x2x128xf32, #tpu.memory_space<hbm>> -> memref<10000x1x128xf32, #tpu.memory_space<hbm>>
      tpu.enqueue_indirect_dma source(%dma_start3A_402 : memref<10000x1x128xf32, #tpu.memory_space<hbm>>) target(%arg17 : memref<125x1x128xf32, #tpu.memory_space<vmem>>) offsets(%dma_start3A_399 : memref<125xi32, #tpu.memory_space<vmem>>) semaphore(%arg20 : memref<!tpu.dma_semaphore, #tpu.memory_space<semaphore_mem>>)
      %dma_wait3A_403 = arith.constant 0 : i32
      %dma_wait3A_404 = arith.constant 0 : i32
      %dma_wait3A_405 = tpu.memref_slice %arg14[%dma_wait3A_403, %dma_wait3A_404] : memref<40x125xi32, #tpu.memory_space<vmem>> -> memref<1x125xi32, #tpu.memory_space<vmem>>
      %dma_wait3A_406 = tpu.memref_squeeze %dma_wait3A_405 : memref<1x125xi32, #tpu.memory_space<vmem>> -> memref<125xi32, #tpu.memory_space<vmem>>
      %dma_wait3A_407 = arith.constant 0 : i32
      %dma_wait3A_408 = arith.constant 0 : i32
      %dma_wait3A_409 = tpu.memref_slice %arg3[%dma_wait3A_407, %arg0, %dma_wait3A_408] : memref<10000x2x128xf32, #tpu.memory_space<hbm>> -> memref<10000x1x128xf32, #tpu.memory_space<hbm>>
      tpu.wait_indirect_dma semaphore(%arg19 : memref<!tpu.dma_semaphore, #tpu.memory_space<semaphore_mem>>) src(%dma_wait3A_409 : memref<10000x1x128xf32, #tpu.memory_space<hbm>>) dst(%arg16 : memref<125x1x128xf32, #tpu.memory_space<vmem>>)
      %dma_start3A_410 = arith.constant 0 : i32
      %dma_start3A_411 = tpu.memref_slice %arg15[%mul3A_392, %dma_start3A_410] : memref<40x125xi32, #tpu.memory_space<vmem>> -> memref<1x125xi32, #tpu.memory_space<vmem>>
      %dma_start3A_412 = tpu.memref_squeeze %dma_start3A_411 : memref<1x125xi32, #tpu.memory_space<vmem>> -> memref<125xi32, #tpu.memory_space<vmem>>
      %dma_start3A_413 = arith.constant 0 : i32
      %dma_start3A_414 = arith.constant 0 : i32
      %dma_start3A_415 = arith.constant 0 : i32
      %dma_start3A_416 = tpu.memref_slice %arg13[%dma_start3A_413, %dma_start3A_414, %dma_start3A_415] : memref<10000x1x128xf32, #tpu.memory_space<vmem_shared>> -> memref<10000x1x128xf32, #tpu.memory_space<vmem_shared>>
      tpu.enqueue_indirect_dma source(%arg16 : memref<125x1x128xf32, #tpu.memory_space<vmem>>) target(%dma_start3A_416 : memref<10000x1x128xf32, #tpu.memory_space<vmem_shared>>) offsets(%dma_start3A_412 : memref<125xi32, #tpu.memory_space<vmem>>) semaphore(%arg21 : memref<!tpu.dma_semaphore, #tpu.memory_space<semaphore_mem>>) {add = true}
      %dma_wait3A_417 = arith.constant 0 : i32
      %dma_wait3A_418 = arith.constant 0 : i32
      %dma_wait3A_419 = tpu.memref_slice %arg14[%dma_wait3A_417, %dma_wait3A_418] : memref<40x125xi32, #tpu.memory_space<vmem>> -> memref<1x125xi32, #tpu.memory_space<vmem>>
      %dma_wait3A_420 = tpu.memref_squeeze %dma_wait3A_419 : memref<1x125xi32, #tpu.memory_space<vmem>> -> memref<125xi32, #tpu.memory_space<vmem>>
      %dma_wait3A_421 = arith.constant 0 : i32
      %dma_wait3A_422 = arith.constant 0 : i32
      %dma_wait3A_423 = tpu.memref_slice %arg3[%dma_wait3A_421, %arg0, %dma_wait3A_422] : memref<10000x2x128xf32, #tpu.memory_space<hbm>> -> memref<10000x1x128xf32, #tpu.memory_space<hbm>>
      tpu.wait_indirect_dma semaphore(%arg20 : memref<!tpu.dma_semaphore, #tpu.memory_space<semaphore_mem>>) src(%dma_wait3A_423 : memref<10000x1x128xf32, #tpu.memory_space<hbm>>) dst(%arg17 : memref<125x1x128xf32, #tpu.memory_space<vmem>>)
      %dma_wait3A_424 = arith.constant 0 : i32
      %dma_wait3A_425 = tpu.memref_slice %arg15[%mul3A_392, %dma_wait3A_424] : memref<40x125xi32, #tpu.memory_space<vmem>> -> memref<1x125xi32, #tpu.memory_space<vmem>>
      %dma_wait3A_426 = tpu.memref_squeeze %dma_wait3A_425 : memref<1x125xi32, #tpu.memory_space<vmem>> -> memref<125xi32, #tpu.memory_space<vmem>>
      %dma_wait3A_427 = arith.constant 0 : i32
      %dma_wait3A_428 = arith.constant 0 : i32
      %dma_wait3A_429 = arith.constant 0 : i32
      %dma_wait3A_430 = tpu.memref_slice %arg13[%dma_wait3A_427, %dma_wait3A_428, %dma_wait3A_429] : memref<10000x1x128xf32, #tpu.memory_space<vmem_shared>> -> memref<10000x1x128xf32, #tpu.memory_space<vmem_shared>>
      tpu.wait_indirect_dma semaphore(%arg21 : memref<!tpu.dma_semaphore, #tpu.memory_space<semaphore_mem>>) src(%arg16 : memref<125x1x128xf32, #tpu.memory_space<vmem>>) dst(%dma_wait3A_430 : memref<10000x1x128xf32, #tpu.memory_space<vmem_shared>>)
      %lt3A_431 = arith.constant 19 : i32
      %lt3A_432 = arith.cmpi slt, %add3A_390, %lt3A_431 : i32
      %convert_element_type3A_433 = arith.extui %lt3A_432 : i1 to i32
      %cond3A_434 = arith.constant 0 : i32
      %cond3A_435 = arith.cmpi ne, %convert_element_type3A_433, %cond3A_434 : i32
      scf.if %cond3A_435 {
        %add3A_443 = arith.constant 2 : i32
        %add3A_444 = arith.addi %mul3A_392, %add3A_443 : i32
        %dma_start3A_445 = arith.constant 0 : i32
        %dma_start3A_446 = tpu.memref_slice %arg14[%add3A_444, %dma_start3A_445] : memref<40x125xi32, #tpu.memory_space<vmem>> -> memref<1x125xi32, #tpu.memory_space<vmem>>
        %dma_start3A_447 = tpu.memref_squeeze %dma_start3A_446 : memref<1x125xi32, #tpu.memory_space<vmem>> -> memref<125xi32, #tpu.memory_space<vmem>>
        %dma_start3A_448 = arith.constant 0 : i32
        %dma_start3A_449 = arith.constant 0 : i32
        %dma_start3A_450 = tpu.memref_slice %arg3[%dma_start3A_448, %arg0, %dma_start3A_449] : memref<10000x2x128xf32, #tpu.memory_space<hbm>> -> memref<10000x1x128xf32, #tpu.memory_space<hbm>>
        tpu.enqueue_indirect_dma source(%dma_start3A_450 : memref<10000x1x128xf32, #tpu.memory_space<hbm>>) target(%arg16 : memref<125x1x128xf32, #tpu.memory_space<vmem>>) offsets(%dma_start3A_447 : memref<125xi32, #tpu.memory_space<vmem>>) semaphore(%arg19 : memref<!tpu.dma_semaphore, #tpu.memory_space<semaphore_mem>>)
      } else {
      }
      %dma_start3A_436 = arith.constant 0 : i32
      %dma_start3A_437 = tpu.memref_slice %arg15[%add3A_394, %dma_start3A_436] : memref<40x125xi32, #tpu.memory_space<vmem>> -> memref<1x125xi32, #tpu.memory_space<vmem>>
      %dma_start3A_438 = tpu.memref_squeeze %dma_start3A_437 : memref<1x125xi32, #tpu.memory_space<vmem>> -> memref<125xi32, #tpu.memory_space<vmem>>
      %dma_start3A_439 = arith.constant 0 : i32
      %dma_start3A_440 = arith.constant 0 : i32
      %dma_start3A_441 = arith.constant 0 : i32
      %dma_start3A_442 = tpu.memref_slice %arg13[%dma_start3A_439, %dma_start3A_440, %dma_start3A_441] : memref<10000x1x128xf32, #tpu.memory_space<vmem_shared>> -> memref<10000x1x128xf32, #tpu.memory_space<vmem_shared>>
      tpu.enqueue_indirect_dma source(%arg17 : memref<125x1x128xf32, #tpu.memory_space<vmem>>) target(%dma_start3A_442 : memref<10000x1x128xf32, #tpu.memory_space<vmem_shared>>) offsets(%dma_start3A_438 : memref<125xi32, #tpu.memory_space<vmem>>) semaphore(%arg22 : memref<!tpu.dma_semaphore, #tpu.memory_space<semaphore_mem>>) {add = true}
    }
    %scan3A_313 = arith.constant 20 : i32
    %dma_wait3A_314 = arith.constant 39 : i32
    %dma_wait3A_315 = arith.constant 0 : i32
    %dma_wait3A_316 = tpu.memref_slice %arg15[%dma_wait3A_314, %dma_wait3A_315] : memref<40x125xi32, #tpu.memory_space<vmem>> -> memref<1x125xi32, #tpu.memory_space<vmem>>
    %dma_wait3A_317 = tpu.memref_squeeze %dma_wait3A_316 : memref<1x125xi32, #tpu.memory_space<vmem>> -> memref<125xi32, #tpu.memory_space<vmem>>
    %dma_wait3A_318 = arith.constant 0 : i32
    %dma_wait3A_319 = arith.constant 0 : i32
    %dma_wait3A_320 = arith.constant 0 : i32
    %dma_wait3A_321 = tpu.memref_slice %arg13[%dma_wait3A_318, %dma_wait3A_319, %dma_wait3A_320] : memref<10000x1x128xf32, #tpu.memory_space<vmem_shared>> -> memref<10000x1x128xf32, #tpu.memory_space<vmem_shared>>
    tpu.wait_indirect_dma semaphore(%arg22 : memref<!tpu.dma_semaphore, #tpu.memory_space<semaphore_mem>>) src(%arg17 : memref<125x1x128xf32, #tpu.memory_space<vmem>>) dst(%dma_wait3A_321 : memref<10000x1x128xf32, #tpu.memory_space<vmem_shared>>)
    %mul3A_322 = arith.constant 80 : i32
    %mul3A_323 = arith.muli %arg1, %mul3A_322 : i32
    %add3A_324 = arith.constant 40 : i32
    %add3A_325 = arith.addi %mul3A_323, %add3A_324 : i32
    "tpu.region"() ({
      %run_scoped3A = tpu.sem_alloc : memref<!tpu.dma_semaphore, #tpu.memory_space<semaphore_mem>>
      %dma_start3A_386 = arith.constant 0 : i32
      %dma_start3A_387 = tpu.memref_slice %arg8[%add3A_325, %dma_start3A_386] : memref<1280x125xi32, #tpu.memory_space<hbm>> -> memref<40x125xi32, #tpu.memory_space<hbm>>
      %dma_start3A_388 = arith.constant 0 : i32
      %dma_start3A_389 = tpu.memref_slice %arg8[%add3A_325, %dma_start3A_388] : memref<1280x125xi32, #tpu.memory_space<hbm>> -> memref<40x125xi32, #tpu.memory_space<hbm>>
      tpu.enqueue_dma source(%dma_start3A_389 : memref<40x125xi32, #tpu.memory_space<hbm>>) target(%arg14 : memref<40x125xi32, #tpu.memory_space<vmem>>) target_semaphore(%run_scoped3A : memref<!tpu.dma_semaphore, #tpu.memory_space<semaphore_mem>>)
      %dma_wait3A_390 = arith.constant 0 : i32
      %dma_wait3A_391 = tpu.memref_slice %arg8[%add3A_325, %dma_wait3A_390] : memref<1280x125xi32, #tpu.memory_space<hbm>> -> memref<40x125xi32, #tpu.memory_space<hbm>>
      %dma_wait3A_392 = arith.constant 0 : i32
      %dma_wait3A_393 = tpu.memref_slice %arg8[%add3A_325, %dma_wait3A_392] : memref<1280x125xi32, #tpu.memory_space<hbm>> -> memref<40x125xi32, #tpu.memory_space<hbm>>
      tpu.wait_dma2 semaphore(%run_scoped3A : memref<!tpu.dma_semaphore, #tpu.memory_space<semaphore_mem>>) src(%dma_wait3A_393 : memref<40x125xi32, #tpu.memory_space<hbm>>) dst(%arg14 : memref<40x125xi32, #tpu.memory_space<vmem>>)
      tpu.yield
    }) : () -> ()
    "tpu.region"() ({
      %run_scoped3A = tpu.sem_alloc : memref<!tpu.dma_semaphore, #tpu.memory_space<semaphore_mem>>
      %dma_start3A_386 = arith.constant 0 : i32
      %dma_start3A_387 = tpu.memref_slice %arg9[%add3A_325, %dma_start3A_386] : memref<1280x125xi32, #tpu.memory_space<hbm>> -> memref<40x125xi32, #tpu.memory_space<hbm>>
      %dma_start3A_388 = arith.constant 0 : i32
      %dma_start3A_389 = tpu.memref_slice %arg9[%add3A_325, %dma_start3A_388] : memref<1280x125xi32, #tpu.memory_space<hbm>> -> memref<40x125xi32, #tpu.memory_space<hbm>>
      tpu.enqueue_dma source(%dma_start3A_389 : memref<40x125xi32, #tpu.memory_space<hbm>>) target(%arg15 : memref<40x125xi32, #tpu.memory_space<vmem>>) target_semaphore(%run_scoped3A : memref<!tpu.dma_semaphore, #tpu.memory_space<semaphore_mem>>)
      %dma_wait3A_390 = arith.constant 0 : i32
      %dma_wait3A_391 = tpu.memref_slice %arg9[%add3A_325, %dma_wait3A_390] : memref<1280x125xi32, #tpu.memory_space<hbm>> -> memref<40x125xi32, #tpu.memory_space<hbm>>
      %dma_wait3A_392 = arith.constant 0 : i32
      %dma_wait3A_393 = tpu.memref_slice %arg9[%add3A_325, %dma_wait3A_392] : memref<1280x125xi32, #tpu.memory_space<hbm>> -> memref<40x125xi32, #tpu.memory_space<hbm>>
      tpu.wait_dma2 semaphore(%run_scoped3A : memref<!tpu.dma_semaphore, #tpu.memory_space<semaphore_mem>>) src(%dma_wait3A_393 : memref<40x125xi32, #tpu.memory_space<hbm>>) dst(%arg15 : memref<40x125xi32, #tpu.memory_space<vmem>>)
      tpu.yield
    }) : () -> ()
    %dma_start3A_326 = arith.constant 0 : i32
    %dma_start3A_327 = arith.constant 0 : i32
    %dma_start3A_328 = tpu.memref_slice %arg14[%dma_start3A_326, %dma_start3A_327] : memref<40x125xi32, #tpu.memory_space<vmem>> -> memref<1x125xi32, #tpu.memory_space<vmem>>
    %dma_start3A_329 = tpu.memref_squeeze %dma_start3A_328 : memref<1x125xi32, #tpu.memory_space<vmem>> -> memref<125xi32, #tpu.memory_space<vmem>>
    %dma_start3A_330 = arith.constant 0 : i32
    %dma_start3A_331 = arith.constant 0 : i32
    %dma_start3A_332 = tpu.memref_slice %arg3[%dma_start3A_330, %arg0, %dma_start3A_331] : memref<10000x2x128xf32, #tpu.memory_space<hbm>> -> memref<10000x1x128xf32, #tpu.memory_space<hbm>>
    tpu.enqueue_indirect_dma source(%dma_start3A_332 : memref<10000x1x128xf32, #tpu.memory_space<hbm>>) target(%arg16 : memref<125x1x128xf32, #tpu.memory_space<vmem>>) offsets(%dma_start3A_329 : memref<125xi32, #tpu.memory_space<vmem>>) semaphore(%arg19 : memref<!tpu.dma_semaphore, #tpu.memory_space<semaphore_mem>>)
    %scan3A_333 = arith.constant 0 : i32
    %scan3A_334 = arith.constant 20 : i32
    %scan3A_335 = arith.addi %scan3A_333, %scan3A_334 : i32
    %scan3A_336 = arith.constant 1 : i32
    scf.for %scan3A_386 = %scan3A_333 to %scan3A_335 step %scan3A_336  : i32 {
      %mul3A_387 = arith.constant 1 : i32
      %mul3A_388 = arith.muli %scan3A_386, %mul3A_387 : i32
      %add3A_389 = arith.constant 0 : i32
      %add3A_390 = arith.addi %add3A_389, %mul3A_388 : i32
      %mul3A_391 = arith.constant 2 : i32
      %mul3A_392 = arith.muli %mul3A_391, %add3A_390 : i32
      %add3A_393 = arith.constant 1 : i32
      %add3A_394 = arith.addi %mul3A_392, %add3A_393 : i32
      %gt3A = arith.constant 0 : i32
      %gt3A_395 = arith.cmpi sgt, %add3A_390, %gt3A : i32
      %convert_element_type3A = arith.extui %gt3A_395 : i1 to i32
      %cond3A = arith.constant 0 : i32
      %cond3A_396 = arith.cmpi ne, %convert_element_type3A, %cond3A : i32
      scf.if %cond3A_396 {
        %dma_wait3A_443 = arith.constant 0 : i32
        %dma_wait3A_444 = tpu.memref_slice %arg15[%add3A_394, %dma_wait3A_443] : memref<40x125xi32, #tpu.memory_space<vmem>> -> memref<1x125xi32, #tpu.memory_space<vmem>>
        %dma_wait3A_445 = tpu.memref_squeeze %dma_wait3A_444 : memref<1x125xi32, #tpu.memory_space<vmem>> -> memref<125xi32, #tpu.memory_space<vmem>>
        %dma_wait3A_446 = arith.constant 0 : i32
        %dma_wait3A_447 = arith.constant 0 : i32
        %dma_wait3A_448 = arith.constant 0 : i32
        %dma_wait3A_449 = tpu.memref_slice %arg13[%dma_wait3A_446, %dma_wait3A_447, %dma_wait3A_448] : memref<10000x1x128xf32, #tpu.memory_space<vmem_shared>> -> memref<10000x1x128xf32, #tpu.memory_space<vmem_shared>>
        tpu.wait_indirect_dma semaphore(%arg22 : memref<!tpu.dma_semaphore, #tpu.memory_space<semaphore_mem>>) src(%arg17 : memref<125x1x128xf32, #tpu.memory_space<vmem>>) dst(%dma_wait3A_449 : memref<10000x1x128xf32, #tpu.memory_space<vmem_shared>>)
      } else {
      }
      %dma_start3A_397 = arith.constant 0 : i32
      %dma_start3A_398 = tpu.memref_slice %arg14[%add3A_394, %dma_start3A_397] : memref<40x125xi32, #tpu.memory_space<vmem>> -> memref<1x125xi32, #tpu.memory_space<vmem>>
      %dma_start3A_399 = tpu.memref_squeeze %dma_start3A_398 : memref<1x125xi32, #tpu.memory_space<vmem>> -> memref<125xi32, #tpu.memory_space<vmem>>
      %dma_start3A_400 = arith.constant 0 : i32
      %dma_start3A_401 = arith.constant 0 : i32
      %dma_start3A_402 = tpu.memref_slice %arg3[%dma_start3A_400, %arg0, %dma_start3A_401] : memref<10000x2x128xf32, #tpu.memory_space<hbm>> -> memref<10000x1x128xf32, #tpu.memory_space<hbm>>
      tpu.enqueue_indirect_dma source(%dma_start3A_402 : memref<10000x1x128xf32, #tpu.memory_space<hbm>>) target(%arg17 : memref<125x1x128xf32, #tpu.memory_space<vmem>>) offsets(%dma_start3A_399 : memref<125xi32, #tpu.memory_space<vmem>>) semaphore(%arg20 : memref<!tpu.dma_semaphore, #tpu.memory_space<semaphore_mem>>)
      %dma_wait3A_403 = arith.constant 0 : i32
      %dma_wait3A_404 = arith.constant 0 : i32
      %dma_wait3A_405 = tpu.memref_slice %arg14[%dma_wait3A_403, %dma_wait3A_404] : memref<40x125xi32, #tpu.memory_space<vmem>> -> memref<1x125xi32, #tpu.memory_space<vmem>>
      %dma_wait3A_406 = tpu.memref_squeeze %dma_wait3A_405 : memref<1x125xi32, #tpu.memory_space<vmem>> -> memref<125xi32, #tpu.memory_space<vmem>>
      %dma_wait3A_407 = arith.constant 0 : i32
      %dma_wait3A_408 = arith.constant 0 : i32
      %dma_wait3A_409 = tpu.memref_slice %arg3[%dma_wait3A_407, %arg0, %dma_wait3A_408] : memref<10000x2x128xf32, #tpu.memory_space<hbm>> -> memref<10000x1x128xf32, #tpu.memory_space<hbm>>
      tpu.wait_indirect_dma semaphore(%arg19 : memref<!tpu.dma_semaphore, #tpu.memory_space<semaphore_mem>>) src(%dma_wait3A_409 : memref<10000x1x128xf32, #tpu.memory_space<hbm>>) dst(%arg16 : memref<125x1x128xf32, #tpu.memory_space<vmem>>)
      %dma_start3A_410 = arith.constant 0 : i32
      %dma_start3A_411 = tpu.memref_slice %arg15[%mul3A_392, %dma_start3A_410] : memref<40x125xi32, #tpu.memory_space<vmem>> -> memref<1x125xi32, #tpu.memory_space<vmem>>
      %dma_start3A_412 = tpu.memref_squeeze %dma_start3A_411 : memref<1x125xi32, #tpu.memory_space<vmem>> -> memref<125xi32, #tpu.memory_space<vmem>>
      %dma_start3A_413 = arith.constant 0 : i32
      %dma_start3A_414 = arith.constant 0 : i32
      %dma_start3A_415 = arith.constant 0 : i32
      %dma_start3A_416 = tpu.memref_slice %arg13[%dma_start3A_413, %dma_start3A_414, %dma_start3A_415] : memref<10000x1x128xf32, #tpu.memory_space<vmem_shared>> -> memref<10000x1x128xf32, #tpu.memory_space<vmem_shared>>
      tpu.enqueue_indirect_dma source(%arg16 : memref<125x1x128xf32, #tpu.memory_space<vmem>>) target(%dma_start3A_416 : memref<10000x1x128xf32, #tpu.memory_space<vmem_shared>>) offsets(%dma_start3A_412 : memref<125xi32, #tpu.memory_space<vmem>>) semaphore(%arg21 : memref<!tpu.dma_semaphore, #tpu.memory_space<semaphore_mem>>) {add = true}
      %dma_wait3A_417 = arith.constant 0 : i32
      %dma_wait3A_418 = arith.constant 0 : i32
      %dma_wait3A_419 = tpu.memref_slice %arg14[%dma_wait3A_417, %dma_wait3A_418] : memref<40x125xi32, #tpu.memory_space<vmem>> -> memref<1x125xi32, #tpu.memory_space<vmem>>
      %dma_wait3A_420 = tpu.memref_squeeze %dma_wait3A_419 : memref<1x125xi32, #tpu.memory_space<vmem>> -> memref<125xi32, #tpu.memory_space<vmem>>
      %dma_wait3A_421 = arith.constant 0 : i32
      %dma_wait3A_422 = arith.constant 0 : i32
      %dma_wait3A_423 = tpu.memref_slice %arg3[%dma_wait3A_421, %arg0, %dma_wait3A_422] : memref<10000x2x128xf32, #tpu.memory_space<hbm>> -> memref<10000x1x128xf32, #tpu.memory_space<hbm>>
      tpu.wait_indirect_dma semaphore(%arg20 : memref<!tpu.dma_semaphore, #tpu.memory_space<semaphore_mem>>) src(%dma_wait3A_423 : memref<10000x1x128xf32, #tpu.memory_space<hbm>>) dst(%arg17 : memref<125x1x128xf32, #tpu.memory_space<vmem>>)
      %dma_wait3A_424 = arith.constant 0 : i32
      %dma_wait3A_425 = tpu.memref_slice %arg15[%mul3A_392, %dma_wait3A_424] : memref<40x125xi32, #tpu.memory_space<vmem>> -> memref<1x125xi32, #tpu.memory_space<vmem>>
      %dma_wait3A_426 = tpu.memref_squeeze %dma_wait3A_425 : memref<1x125xi32, #tpu.memory_space<vmem>> -> memref<125xi32, #tpu.memory_space<vmem>>
      %dma_wait3A_427 = arith.constant 0 : i32
      %dma_wait3A_428 = arith.constant 0 : i32
      %dma_wait3A_429 = arith.constant 0 : i32
      %dma_wait3A_430 = tpu.memref_slice %arg13[%dma_wait3A_427, %dma_wait3A_428, %dma_wait3A_429] : memref<10000x1x128xf32, #tpu.memory_space<vmem_shared>> -> memref<10000x1x128xf32, #tpu.memory_space<vmem_shared>>
      tpu.wait_indirect_dma semaphore(%arg21 : memref<!tpu.dma_semaphore, #tpu.memory_space<semaphore_mem>>) src(%arg16 : memref<125x1x128xf32, #tpu.memory_space<vmem>>) dst(%dma_wait3A_430 : memref<10000x1x128xf32, #tpu.memory_space<vmem_shared>>)
      %lt3A_431 = arith.constant 19 : i32
      %lt3A_432 = arith.cmpi slt, %add3A_390, %lt3A_431 : i32
      %convert_element_type3A_433 = arith.extui %lt3A_432 : i1 to i32
      %cond3A_434 = arith.constant 0 : i32
      %cond3A_435 = arith.cmpi ne, %convert_element_type3A_433, %cond3A_434 : i32
      scf.if %cond3A_435 {
        %add3A_443 = arith.constant 2 : i32
        %add3A_444 = arith.addi %mul3A_392, %add3A_443 : i32
        %dma_start3A_445 = arith.constant 0 : i32
        %dma_start3A_446 = tpu.memref_slice %arg14[%add3A_444, %dma_start3A_445] : memref<40x125xi32, #tpu.memory_space<vmem>> -> memref<1x125xi32, #tpu.memory_space<vmem>>
        %dma_start3A_447 = tpu.memref_squeeze %dma_start3A_446 : memref<1x125xi32, #tpu.memory_space<vmem>> -> memref<125xi32, #tpu.memory_space<vmem>>
        %dma_start3A_448 = arith.constant 0 : i32
        %dma_start3A_449 = arith.constant 0 : i32
        %dma_start3A_450 = tpu.memref_slice %arg3[%dma_start3A_448, %arg0, %dma_start3A_449] : memref<10000x2x128xf32, #tpu.memory_space<hbm>> -> memref<10000x1x128xf32, #tpu.memory_space<hbm>>
        tpu.enqueue_indirect_dma source(%dma_start3A_450 : memref<10000x1x128xf32, #tpu.memory_space<hbm>>) target(%arg16 : memref<125x1x128xf32, #tpu.memory_space<vmem>>) offsets(%dma_start3A_447 : memref<125xi32, #tpu.memory_space<vmem>>) semaphore(%arg19 : memref<!tpu.dma_semaphore, #tpu.memory_space<semaphore_mem>>)
      } else {
      }
      %dma_start3A_436 = arith.constant 0 : i32
      %dma_start3A_437 = tpu.memref_slice %arg15[%add3A_394, %dma_start3A_436] : memref<40x125xi32, #tpu.memory_space<vmem>> -> memref<1x125xi32, #tpu.memory_space<vmem>>
      %dma_start3A_438 = tpu.memref_squeeze %dma_start3A_437 : memref<1x125xi32, #tpu.memory_space<vmem>> -> memref<125xi32, #tpu.memory_space<vmem>>
      %dma_start3A_439 = arith.constant 0 : i32
      %dma_start3A_440 = arith.constant 0 : i32
      %dma_start3A_441 = arith.constant 0 : i32
      %dma_start3A_442 = tpu.memref_slice %arg13[%dma_start3A_439, %dma_start3A_440, %dma_start3A_441] : memref<10000x1x128xf32, #tpu.memory_space<vmem_shared>> -> memref<10000x1x128xf32, #tpu.memory_space<vmem_shared>>
      tpu.enqueue_indirect_dma source(%arg17 : memref<125x1x128xf32, #tpu.memory_space<vmem>>) target(%dma_start3A_442 : memref<10000x1x128xf32, #tpu.memory_space<vmem_shared>>) offsets(%dma_start3A_438 : memref<125xi32, #tpu.memory_space<vmem>>) semaphore(%arg22 : memref<!tpu.dma_semaphore, #tpu.memory_space<semaphore_mem>>) {add = true}
    }
    %scan3A_337 = arith.constant 20 : i32
    %dma_wait3A_338 = arith.constant 39 : i32
    %dma_wait3A_339 = arith.constant 0 : i32
    %dma_wait3A_340 = tpu.memref_slice %arg15[%dma_wait3A_338, %dma_wait3A_339] : memref<40x125xi32, #tpu.memory_space<vmem>> -> memref<1x125xi32, #tpu.memory_space<vmem>>
    %dma_wait3A_341 = tpu.memref_squeeze %dma_wait3A_340 : memref<1x125xi32, #tpu.memory_space<vmem>> -> memref<125xi32, #tpu.memory_space<vmem>>
    %dma_wait3A_342 = arith.constant 0 : i32
    %dma_wait3A_343 = arith.constant 0 : i32
    %dma_wait3A_344 = arith.constant 0 : i32
    %dma_wait3A_345 = tpu.memref_slice %arg13[%dma_wait3A_342, %dma_wait3A_343, %dma_wait3A_344] : memref<10000x1x128xf32, #tpu.memory_space<vmem_shared>> -> memref<10000x1x128xf32, #tpu.memory_space<vmem_shared>>
    tpu.wait_indirect_dma semaphore(%arg22 : memref<!tpu.dma_semaphore, #tpu.memory_space<semaphore_mem>>) src(%arg17 : memref<125x1x128xf32, #tpu.memory_space<vmem>>) dst(%dma_wait3A_345 : memref<10000x1x128xf32, #tpu.memory_space<vmem_shared>>)
    %barrier3A_346 = arith.constant 0 : index
    tpu.barrier barrier_id(%barrier3A_346)
    %sub3A_347 = arith.constant 0 : i32
    %sub3A_348 = arith.subi %select_n3A_7, %sub3A_347 : i32
    %sub3A_349 = arith.constant 1 : i32
    %sub3A_350 = arith.constant 1 : i32
    %sub3A_351 = arith.subi %sub3A_349, %sub3A_350 : i32
    %add3A_352 = arith.addi %sub3A_348, %sub3A_351 : i32
    %div3A_353 = arith.constant 1 : i32
    %div3A_354 = arith.divsi %add3A_352, %div3A_353 : i32
    %while3A_355 = arith.constant 1 : i32
    %while3A_356 = arith.constant 0 : i32
    %while3A_357 = arith.constant 0 : i32
    %while3A_358 = arith.subi %div3A_354, %while3A_357 : i32
    %while3A_359 = arith.addi %while3A_357, %while3A_358 : i32
    %while3A_360 = arith.constant 1 : i32
    %while3A_361 = arith.divsi %while3A_358, %while3A_360 : i32
    %while3A_362 = arith.muli %while3A_361, %while3A_360 : i32
    %while3A_363 = arith.addi %while3A_357, %while3A_362 : i32
    %while3A_364 = arith.constant 1 : i32
    scf.for %while3A_386 = %while3A_357 to %while3A_363 step %while3A_364  : i32 {
      %mul3A_387 = arith.muli %while3A_386, %while3A_355 : i32
      %add3A_388 = arith.addi %while3A_356, %mul3A_387 : i32
      %mul3A_389 = arith.constant 80 : i32
      %mul3A_390 = arith.muli %add3A_388, %mul3A_389 : i32
      %add3A_391 = arith.addi %mul3A_0, %mul3A_390 : i32
      %dma_start3A_392 = arith.constant 0 : i32
      %dma_start3A_393 = arith.constant 0 : i32
      %dma_start3A_394 = tpu.memref_slice %arg12[%arg0, %add3A_391, %dma_start3A_392, %dma_start3A_393] : memref<2x10000x1x128xf32, #tpu.memory_space<hbm>> -> memref<1x80x1x128xf32, #tpu.memory_space<hbm>>
      %dma_start3A_395 = tpu.memref_squeeze %dma_start3A_394 : memref<1x80x1x128xf32, #tpu.memory_space<hbm>> -> memref<80x1x128xf32, #tpu.memory_space<hbm>>
      %dma_start3A_396 = arith.constant 0 : i32
      %dma_start3A_397 = arith.constant 0 : i32
      %dma_start3A_398 = tpu.memref_slice %arg13[%add3A_391, %dma_start3A_396, %dma_start3A_397] : memref<10000x1x128xf32, #tpu.memory_space<vmem_shared>> -> memref<80x1x128xf32, #tpu.memory_space<vmem_shared>>
      tpu.enqueue_dma source(%dma_start3A_398 : memref<80x1x128xf32, #tpu.memory_space<vmem_shared>>) target(%dma_start3A_395 : memref<80x1x128xf32, #tpu.memory_space<hbm>>) target_semaphore(%arg23 : memref<!tpu.dma_semaphore, #tpu.memory_space<semaphore_mem>>)
    }
    %while3A_365 = arith.constant 1 : i32
    scf.for %while3A_386 = %while3A_363 to %while3A_359 step %while3A_365  : i32 {
      %mul3A_387 = arith.muli %while3A_386, %while3A_355 : i32
      %add3A_388 = arith.addi %while3A_356, %mul3A_387 : i32
      %mul3A_389 = arith.constant 80 : i32
      %mul3A_390 = arith.muli %add3A_388, %mul3A_389 : i32
      %add3A_391 = arith.addi %mul3A_0, %mul3A_390 : i32
      %dma_start3A_392 = arith.constant 0 : i32
      %dma_start3A_393 = arith.constant 0 : i32
      %dma_start3A_394 = tpu.memref_slice %arg12[%arg0, %add3A_391, %dma_start3A_392, %dma_start3A_393] : memref<2x10000x1x128xf32, #tpu.memory_space<hbm>> -> memref<1x80x1x128xf32, #tpu.memory_space<hbm>>
      %dma_start3A_395 = tpu.memref_squeeze %dma_start3A_394 : memref<1x80x1x128xf32, #tpu.memory_space<hbm>> -> memref<80x1x128xf32, #tpu.memory_space<hbm>>
      %dma_start3A_396 = arith.constant 0 : i32
      %dma_start3A_397 = arith.constant 0 : i32
      %dma_start3A_398 = tpu.memref_slice %arg13[%add3A_391, %dma_start3A_396, %dma_start3A_397] : memref<10000x1x128xf32, #tpu.memory_space<vmem_shared>> -> memref<80x1x128xf32, #tpu.memory_space<vmem_shared>>
      tpu.enqueue_dma source(%dma_start3A_398 : memref<80x1x128xf32, #tpu.memory_space<vmem_shared>>) target(%dma_start3A_395 : memref<80x1x128xf32, #tpu.memory_space<hbm>>) target_semaphore(%arg23 : memref<!tpu.dma_semaphore, #tpu.memory_space<semaphore_mem>>)
    }
    %sub3A_366 = arith.constant 0 : i32
    %sub3A_367 = arith.subi %select_n3A_7, %sub3A_366 : i32
    %sub3A_368 = arith.constant 1 : i32
    %sub3A_369 = arith.constant 1 : i32
    %sub3A_370 = arith.subi %sub3A_368, %sub3A_369 : i32
    %add3A_371 = arith.addi %sub3A_367, %sub3A_370 : i32
    %div3A_372 = arith.constant 1 : i32
    %div3A_373 = arith.divsi %add3A_371, %div3A_372 : i32
    %while3A_374 = arith.constant 1 : i32
    %while3A_375 = arith.constant 0 : i32
    %while3A_376 = arith.constant 0 : i32
    %while3A_377 = arith.subi %div3A_373, %while3A_376 : i32
    %while3A_378 = arith.addi %while3A_376, %while3A_377 : i32
    %while3A_379 = arith.constant 1 : i32
    %while3A_380 = arith.divsi %while3A_377, %while3A_379 : i32
    %while3A_381 = arith.muli %while3A_380, %while3A_379 : i32
    %while3A_382 = arith.addi %while3A_376, %while3A_381 : i32
    %while3A_383 = arith.constant 1 : i32
    scf.for %while3A_386 = %while3A_376 to %while3A_382 step %while3A_383  : i32 {
      %mul3A_387 = arith.muli %while3A_386, %while3A_374 : i32
      %add3A_388 = arith.addi %while3A_375, %mul3A_387 : i32
      %dma_wait3A_389 = arith.constant 0 : i32
      %dma_wait3A_390 = arith.constant 0 : i32
      %dma_wait3A_391 = tpu.memref_slice %arg12[%arg0, %mul3A_0, %dma_wait3A_389, %dma_wait3A_390] : memref<2x10000x1x128xf32, #tpu.memory_space<hbm>> -> memref<1x80x1x128xf32, #tpu.memory_space<hbm>>
      %dma_wait3A_392 = tpu.memref_squeeze %dma_wait3A_391 : memref<1x80x1x128xf32, #tpu.memory_space<hbm>> -> memref<80x1x128xf32, #tpu.memory_space<hbm>>
      %dma_wait3A_393 = arith.constant 0 : i32
      %dma_wait3A_394 = arith.constant 0 : i32
      %dma_wait3A_395 = tpu.memref_slice %arg13[%mul3A_0, %dma_wait3A_393, %dma_wait3A_394] : memref<10000x1x128xf32, #tpu.memory_space<vmem_shared>> -> memref<80x1x128xf32, #tpu.memory_space<vmem_shared>>
      tpu.wait_dma2 semaphore(%arg23 : memref<!tpu.dma_semaphore, #tpu.memory_space<semaphore_mem>>) src(%dma_wait3A_395 : memref<80x1x128xf32, #tpu.memory_space<vmem_shared>>) dst(%dma_wait3A_392 : memref<80x1x128xf32, #tpu.memory_space<hbm>>)
    }
    %while3A_384 = arith.constant 1 : i32
    scf.for %while3A_386 = %while3A_382 to %while3A_378 step %while3A_384  : i32 {
      %mul3A_387 = arith.muli %while3A_386, %while3A_374 : i32
      %add3A_388 = arith.addi %while3A_375, %mul3A_387 : i32
      %dma_wait3A_389 = arith.constant 0 : i32
      %dma_wait3A_390 = arith.constant 0 : i32
      %dma_wait3A_391 = tpu.memref_slice %arg12[%arg0, %mul3A_0, %dma_wait3A_389, %dma_wait3A_390] : memref<2x10000x1x128xf32, #tpu.memory_space<hbm>> -> memref<1x80x1x128xf32, #tpu.memory_space<hbm>>
      %dma_wait3A_392 = tpu.memref_squeeze %dma_wait3A_391 : memref<1x80x1x128xf32, #tpu.memory_space<hbm>> -> memref<80x1x128xf32, #tpu.memory_space<hbm>>
      %dma_wait3A_393 = arith.constant 0 : i32
      %dma_wait3A_394 = arith.constant 0 : i32
      %dma_wait3A_395 = tpu.memref_slice %arg13[%mul3A_0, %dma_wait3A_393, %dma_wait3A_394] : memref<10000x1x128xf32, #tpu.memory_space<vmem_shared>> -> memref<80x1x128xf32, #tpu.memory_space<vmem_shared>>
      tpu.wait_dma2 semaphore(%arg23 : memref<!tpu.dma_semaphore, #tpu.memory_space<semaphore_mem>>) src(%dma_wait3A_395 : memref<80x1x128xf32, #tpu.memory_space<vmem_shared>>) dst(%dma_wait3A_392 : memref<80x1x128xf32, #tpu.memory_space<hbm>>)
    }
    %barrier3A_385 = arith.constant 0 : index
    tpu.barrier barrier_id(%barrier3A_385)
    return
  }
}

module attributes {stable_mosaic.version = 14 : i64} {
  func.func @mm_kernel(%arg0: i32, %arg1: memref<2x2000x128xf32, #tpu.memory_space<vmem>>, %arg2: memref<2x2000x128xf32, #tpu.memory_space<vmem>>, %arg3: memref<2x2000x128xf32, #tpu.memory_space<vmem>>, %arg4: memref<2000x256xf32, #tpu.memory_space<vmem>>, %arg5: memref<2000x256xf32, #tpu.memory_space<vmem>>, %arg6: memref<256x256xf32, #tpu.memory_space<vmem>>, %arg7: memref<256x256xf32, #tpu.memory_space<vmem>>, %arg8: memref<256x256xf32, #tpu.memory_space<vmem>>, %arg9: memref<256x256xf32, #tpu.memory_space<vmem>>, %arg10: memref<256x256xf32, #tpu.memory_space<vmem>>, %arg11: memref<256x256xf32, #tpu.memory_space<vmem>>, %arg12: memref<2000x256xf32, #tpu.memory_space<vmem>>, %arg13: memref<2000x256xf32, #tpu.memory_space<vmem>>) attributes {dimension_semantics = [#tpu.dimension_semantics<arbitrary>], iteration_bounds = array<i64: 5>, scalar_prefetch = 0 : i64, scratch_operands = 0 : i64, tpu.core_type = #tpu.core_type<tc>, window_params = [{transform_indices = @transform_0, window_bounds = array<i64: 2, 2000, 128>}, {transform_indices = @transform_1, window_bounds = array<i64: 2, 2000, 128>}, {transform_indices = @transform_2, window_bounds = array<i64: 2, 2000, 128>}, {transform_indices = @transform_3, window_bounds = array<i64: 2000, 256>}, {transform_indices = @transform_4, window_bounds = array<i64: 2000, 256>}, {pipeline_mode = #tpu.pipeline_mode<synchronous>, transform_indices = @transform_5, window_bounds = array<i64: 256, 256>}, {pipeline_mode = #tpu.pipeline_mode<synchronous>, transform_indices = @transform_6, window_bounds = array<i64: 256, 256>}, {pipeline_mode = #tpu.pipeline_mode<synchronous>, transform_indices = @transform_7, window_bounds = array<i64: 256, 256>}, {pipeline_mode = #tpu.pipeline_mode<synchronous>, transform_indices = @transform_8, window_bounds = array<i64: 256, 256>}, {pipeline_mode = #tpu.pipeline_mode<synchronous>, transform_indices = @transform_9, window_bounds = array<i64: 256, 256>}, {pipeline_mode = #tpu.pipeline_mode<synchronous>, transform_indices = @transform_10, window_bounds = array<i64: 256, 256>}, {transform_indices = @transform_11, window_bounds = array<i64: 2000, 256>}, {transform_indices = @transform_12, window_bounds = array<i64: 2000, 256>}]} {
    %get3A = arith.constant 0 : index
    %get3A_0 = arith.constant 0 : index
    %get3A_1 = vector.load %arg6[%get3A, %get3A_0] : memref<256x256xf32, #tpu.memory_space<vmem>>, vector<256x256xf32>
    %get3A_2 = arith.constant 0 : index
    %get3A_3 = arith.constant 0 : index
    %get3A_4 = vector.load %arg8[%get3A_2, %get3A_3] : memref<256x256xf32, #tpu.memory_space<vmem>>, vector<256x256xf32>
    %get3A_5 = arith.constant 0 : index
    %get3A_6 = arith.constant 0 : index
    %get3A_7 = vector.load %arg10[%get3A_5, %get3A_6] : memref<256x256xf32, #tpu.memory_space<vmem>>, vector<256x256xf32>
    %get3A_8 = arith.constant 0 : index
    %get3A_9 = arith.constant 0 : index
    %get3A_10 = arith.constant 0 : index
    %get3A_11 = vector.load %arg1[%get3A_8, %get3A_9, %get3A_10] : memref<2x2000x128xf32, #tpu.memory_space<vmem>>, vector<1x2000x128xf32>
    %get3A_12 = vector.shape_cast %get3A_11 : vector<1x2000x128xf32> to vector<2000x128xf32>
    %slice3A = vector.extract_strided_slice %get3A_1 {offsets = [0, 0], sizes = [128, 256], strides = [1, 1]} : vector<256x256xf32> to vector<128x256xf32>
    %dot_general3A = arith.constant dense<0.000000e+00> : vector<2000x256xf32>
    %dot_general3A_13 = tpu.matmul %get3A_12, %slice3A, %dot_general3A {dimension_numbers = #tpu.dot_dimension_numbers<[1], [0], [0], [1], [0, 0, 1, 1], [], []>, transpose_lhs_hint = false} : vector<2000x128xf32>, vector<128x256xf32>, vector<2000x256xf32> -> vector<2000x256xf32>
    %get3A_14 = arith.constant 1 : index
    %get3A_15 = arith.constant 0 : index
    %get3A_16 = arith.constant 0 : index
    %get3A_17 = vector.load %arg1[%get3A_14, %get3A_15, %get3A_16] : memref<2x2000x128xf32, #tpu.memory_space<vmem>>, vector<1x2000x128xf32>
    %get3A_18 = vector.shape_cast %get3A_17 : vector<1x2000x128xf32> to vector<2000x128xf32>
    %slice3A_19 = vector.extract_strided_slice %get3A_1 {offsets = [128, 0], sizes = [128, 256], strides = [1, 1]} : vector<256x256xf32> to vector<128x256xf32>
    %dot_general3A_20 = arith.constant dense<0.000000e+00> : vector<2000x256xf32>
    %dot_general3A_21 = tpu.matmul %get3A_18, %slice3A_19, %dot_general3A_20 {dimension_numbers = #tpu.dot_dimension_numbers<[1], [0], [0], [1], [0, 0, 1, 1], [], []>, transpose_lhs_hint = false} : vector<2000x128xf32>, vector<128x256xf32>, vector<2000x256xf32> -> vector<2000x256xf32>
    %add3A = arith.addf %dot_general3A_13, %dot_general3A_21 : vector<2000x256xf32>
    %get3A_22 = arith.constant 0 : index
    %get3A_23 = arith.constant 0 : index
    %get3A_24 = arith.constant 0 : index
    %get3A_25 = vector.load %arg2[%get3A_22, %get3A_23, %get3A_24] : memref<2x2000x128xf32, #tpu.memory_space<vmem>>, vector<1x2000x128xf32>
    %get3A_26 = vector.shape_cast %get3A_25 : vector<1x2000x128xf32> to vector<2000x128xf32>
    %slice3A_27 = vector.extract_strided_slice %get3A_4 {offsets = [0, 0], sizes = [128, 256], strides = [1, 1]} : vector<256x256xf32> to vector<128x256xf32>
    %dot_general3A_28 = arith.constant dense<0.000000e+00> : vector<2000x256xf32>
    %dot_general3A_29 = tpu.matmul %get3A_26, %slice3A_27, %dot_general3A_28 {dimension_numbers = #tpu.dot_dimension_numbers<[1], [0], [0], [1], [0, 0, 1, 1], [], []>, transpose_lhs_hint = false} : vector<2000x128xf32>, vector<128x256xf32>, vector<2000x256xf32> -> vector<2000x256xf32>
    %add3A_30 = arith.addf %add3A, %dot_general3A_29 : vector<2000x256xf32>
    %get3A_31 = arith.constant 1 : index
    %get3A_32 = arith.constant 0 : index
    %get3A_33 = arith.constant 0 : index
    %get3A_34 = vector.load %arg2[%get3A_31, %get3A_32, %get3A_33] : memref<2x2000x128xf32, #tpu.memory_space<vmem>>, vector<1x2000x128xf32>
    %get3A_35 = vector.shape_cast %get3A_34 : vector<1x2000x128xf32> to vector<2000x128xf32>
    %slice3A_36 = vector.extract_strided_slice %get3A_4 {offsets = [128, 0], sizes = [128, 256], strides = [1, 1]} : vector<256x256xf32> to vector<128x256xf32>
    %dot_general3A_37 = arith.constant dense<0.000000e+00> : vector<2000x256xf32>
    %dot_general3A_38 = tpu.matmul %get3A_35, %slice3A_36, %dot_general3A_37 {dimension_numbers = #tpu.dot_dimension_numbers<[1], [0], [0], [1], [0, 0, 1, 1], [], []>, transpose_lhs_hint = false} : vector<2000x128xf32>, vector<128x256xf32>, vector<2000x256xf32> -> vector<2000x256xf32>
    %add3A_39 = arith.addf %add3A_30, %dot_general3A_38 : vector<2000x256xf32>
    %get3A_40 = arith.constant 0 : index
    %get3A_41 = arith.constant 0 : index
    %get3A_42 = vector.load %arg5[%get3A_40, %get3A_41] : memref<2000x256xf32, #tpu.memory_space<vmem>>, vector<2000x256xf32>
    %get3A_43 = arith.constant 0 : index
    %get3A_44 = arith.constant 0 : index
    %get3A_45 = vector.load %arg7[%get3A_43, %get3A_44] : memref<256x256xf32, #tpu.memory_space<vmem>>, vector<256x256xf32>
    %get3A_46 = arith.constant 0 : index
    %get3A_47 = arith.constant 0 : index
    %get3A_48 = vector.load %arg9[%get3A_46, %get3A_47] : memref<256x256xf32, #tpu.memory_space<vmem>>, vector<256x256xf32>
    %add3A_49 = arith.addf %get3A_45, %get3A_48 : vector<256x256xf32>
    %dot_general3A_50 = arith.constant dense<0.000000e+00> : vector<2000x256xf32>
    %dot_general3A_51 = tpu.matmul %get3A_42, %add3A_49, %dot_general3A_50 {dimension_numbers = #tpu.dot_dimension_numbers<[1], [0], [0], [1], [0, 0, 1, 1], [], []>, transpose_lhs_hint = false} : vector<2000x256xf32>, vector<256x256xf32>, vector<2000x256xf32> -> vector<2000x256xf32>
    %add3A_52 = arith.addf %add3A_39, %dot_general3A_51 : vector<2000x256xf32>
    %swap3A = arith.constant 0 : index
    %swap3A_53 = arith.constant 0 : index
    %swap3A_54 = vector.load %arg13[%swap3A, %swap3A_53] : memref<2000x256xf32, #tpu.memory_space<vmem>>, vector<2000x256xf32>
    tpu.vector_store %arg13[%swap3A, %swap3A_53], %add3A_52 {strides = array<i32>} : memref<2000x256xf32, #tpu.memory_space<vmem>>, vector<2000x256xf32>,
    %get3A_55 = arith.constant 0 : index
    %get3A_56 = arith.constant 0 : index
    %get3A_57 = arith.constant 0 : index
    %get3A_58 = vector.load %arg3[%get3A_55, %get3A_56, %get3A_57] : memref<2x2000x128xf32, #tpu.memory_space<vmem>>, vector<1x2000x128xf32>
    %get3A_59 = vector.shape_cast %get3A_58 : vector<1x2000x128xf32> to vector<2000x128xf32>
    %slice3A_60 = vector.extract_strided_slice %get3A_7 {offsets = [0, 0], sizes = [128, 256], strides = [1, 1]} : vector<256x256xf32> to vector<128x256xf32>
    %dot_general3A_61 = arith.constant dense<0.000000e+00> : vector<2000x256xf32>
    %dot_general3A_62 = tpu.matmul %get3A_59, %slice3A_60, %dot_general3A_61 {dimension_numbers = #tpu.dot_dimension_numbers<[1], [0], [0], [1], [0, 0, 1, 1], [], []>, transpose_lhs_hint = false} : vector<2000x128xf32>, vector<128x256xf32>, vector<2000x256xf32> -> vector<2000x256xf32>
    %get3A_63 = arith.constant 1 : index
    %get3A_64 = arith.constant 0 : index
    %get3A_65 = arith.constant 0 : index
    %get3A_66 = vector.load %arg3[%get3A_63, %get3A_64, %get3A_65] : memref<2x2000x128xf32, #tpu.memory_space<vmem>>, vector<1x2000x128xf32>
    %get3A_67 = vector.shape_cast %get3A_66 : vector<1x2000x128xf32> to vector<2000x128xf32>
    %slice3A_68 = vector.extract_strided_slice %get3A_7 {offsets = [128, 0], sizes = [128, 256], strides = [1, 1]} : vector<256x256xf32> to vector<128x256xf32>
    %dot_general3A_69 = arith.constant dense<0.000000e+00> : vector<2000x256xf32>
    %dot_general3A_70 = tpu.matmul %get3A_67, %slice3A_68, %dot_general3A_69 {dimension_numbers = #tpu.dot_dimension_numbers<[1], [0], [0], [1], [0, 0, 1, 1], [], []>, transpose_lhs_hint = false} : vector<2000x128xf32>, vector<128x256xf32>, vector<2000x256xf32> -> vector<2000x256xf32>
    %add3A_71 = arith.addf %dot_general3A_62, %dot_general3A_70 : vector<2000x256xf32>
    %get3A_72 = arith.constant 0 : index
    %get3A_73 = arith.constant 0 : index
    %get3A_74 = vector.load %arg4[%get3A_72, %get3A_73] : memref<2000x256xf32, #tpu.memory_space<vmem>>, vector<2000x256xf32>
    %get3A_75 = arith.constant 0 : index
    %get3A_76 = arith.constant 0 : index
    %get3A_77 = vector.load %arg11[%get3A_75, %get3A_76] : memref<256x256xf32, #tpu.memory_space<vmem>>, vector<256x256xf32>
    %dot_general3A_78 = arith.constant dense<0.000000e+00> : vector<2000x256xf32>
    %dot_general3A_79 = tpu.matmul %get3A_74, %get3A_77, %dot_general3A_78 {dimension_numbers = #tpu.dot_dimension_numbers<[1], [0], [0], [1], [0, 0, 1, 1], [], []>, transpose_lhs_hint = false} : vector<2000x256xf32>, vector<256x256xf32>, vector<2000x256xf32> -> vector<2000x256xf32>
    %add3A_80 = arith.addf %add3A_71, %dot_general3A_79 : vector<2000x256xf32>
    %swap3A_81 = arith.constant 0 : index
    %swap3A_82 = arith.constant 0 : index
    %swap3A_83 = vector.load %arg12[%swap3A_81, %swap3A_82] : memref<2000x256xf32, #tpu.memory_space<vmem>>, vector<2000x256xf32>
    tpu.vector_store %arg12[%swap3A_81, %swap3A_82], %add3A_80 {strides = array<i32>} : memref<2000x256xf32, #tpu.memory_space<vmem>>, vector<2000x256xf32>,
    return
  }
  func.func @transform_0(%arg0: i32) -> (i32, i32, i32) {
    %c0_i32 = arith.constant 0 : i32
    %c0_i32_0 = arith.constant 0 : i32
    %c0_i32_1 = arith.constant 0 : i32
    return %c0_i32, %arg0, %c0_i32_0 : i32, i32, i32
  }
  func.func @transform_1(%arg0: i32) -> (i32, i32, i32) {
    %c0_i32 = arith.constant 0 : i32
    %c0_i32_0 = arith.constant 0 : i32
    %c0_i32_1 = arith.constant 0 : i32
    return %c0_i32, %arg0, %c0_i32_0 : i32, i32, i32
  }
  func.func @transform_2(%arg0: i32) -> (i32, i32, i32) {
    %c0_i32 = arith.constant 0 : i32
    %c0_i32_0 = arith.constant 0 : i32
    %c0_i32_1 = arith.constant 0 : i32
    return %c0_i32, %arg0, %c0_i32_0 : i32, i32, i32
  }
  func.func @transform_3(%arg0: i32) -> (i32, i32) {
    %c0_i32 = arith.constant 0 : i32
    %c0_i32_0 = arith.constant 0 : i32
    return %arg0, %c0_i32 : i32, i32
  }
  func.func @transform_4(%arg0: i32) -> (i32, i32) {
    %c0_i32 = arith.constant 0 : i32
    %c0_i32_0 = arith.constant 0 : i32
    return %arg0, %c0_i32 : i32, i32
  }
  func.func @transform_5(%arg0: i32) -> (i32, i32) {
    %c0_i32 = arith.constant 0 : i32
    %c0_i32_0 = arith.constant 0 : i32
    %c0_i32_1 = arith.constant 0 : i32
    return %c0_i32, %c0_i32_0 : i32, i32
  }
  func.func @transform_6(%arg0: i32) -> (i32, i32) {
    %c0_i32 = arith.constant 0 : i32
    %c0_i32_0 = arith.constant 0 : i32
    %c0_i32_1 = arith.constant 0 : i32
    return %c0_i32, %c0_i32_0 : i32, i32
  }
  func.func @transform_7(%arg0: i32) -> (i32, i32) {
    %c0_i32 = arith.constant 0 : i32
    %c0_i32_0 = arith.constant 0 : i32
    %c0_i32_1 = arith.constant 0 : i32
    return %c0_i32, %c0_i32_0 : i32, i32
  }
  func.func @transform_8(%arg0: i32) -> (i32, i32) {
    %c0_i32 = arith.constant 0 : i32
    %c0_i32_0 = arith.constant 0 : i32
    %c0_i32_1 = arith.constant 0 : i32
    return %c0_i32, %c0_i32_0 : i32, i32
  }
  func.func @transform_9(%arg0: i32) -> (i32, i32) {
    %c0_i32 = arith.constant 0 : i32
    %c0_i32_0 = arith.constant 0 : i32
    %c0_i32_1 = arith.constant 0 : i32
    return %c0_i32, %c0_i32_0 : i32, i32
  }
  func.func @transform_10(%arg0: i32) -> (i32, i32) {
    %c0_i32 = arith.constant 0 : i32
    %c0_i32_0 = arith.constant 0 : i32
    %c0_i32_1 = arith.constant 0 : i32
    return %c0_i32, %c0_i32_0 : i32, i32
  }
  func.func @transform_11(%arg0: i32) -> (i32, i32) {
    %c0_i32 = arith.constant 0 : i32
    %c0_i32_0 = arith.constant 0 : i32
    return %arg0, %c0_i32 : i32, i32
  }
  func.func @transform_12(%arg0: i32) -> (i32, i32) {
    %c0_i32 = arith.constant 0 : i32
    %c0_i32_0 = arith.constant 0 : i32
    return %arg0, %c0_i32 : i32, i32
  }
}

</mosaic_0001>

<sc_bundles>
// kernel: kernel.4.cloned.1.call-start
scs
__scs_entry_jumppad:
0x0: {  	(pc) =	sbr.rel $0x88, $3  }
0x1: {  	(tag) =	ssettag $0x0;
	lr =	simm.s32 $0x1  }
0x2: {  	[smem:$0x3F96] =	sst lr;
	_ =	strace $0xD0000000  }
0x3: {  	_ = 	snop  }
0x4: {  	_ = 	snop  }
0x5: {  	_ = 	snop  }
0x6: {  	_ = 	snop  }
0x7: {  	_ = 	snop  }
__scs_overlays_trampoline_lowered:
0x8: {  	[smem:$0x3FA5] =	sst s0  }
0x9: {  	[smem:$0x3FA6] =	sst s1  }
0xa: {  	[smem:$0x3FA7] =	sst s2  }
0xb: {  	[smem:$0x3FA8] =	sst s3  }
0xc: {  	[smem:$0x3FA9] =	sst s4  }
0xd: {  	[smem:$0x3FAA] =	sst s5  }
0xe: {  	[smem:$0x3FAB] =	sst s6  }
0xf: {  	[smem:$0x3FAC] =	sst s7  }
0x10: {  	[smem:$0x3FAD] =	sst s8  }
0x11: {  	[smem:$0x3FAE] =	sst s9;
	s0 =	simm.s32 @!p0 $0x0  }
0x12: {  	s1 =	sld [smem:$0x3F94];
	s0 =	simm.s32 @p0 $0x1  }
0x13: {  	[smem:$0x3FAF] =	sst s0;
	s0 =	simm.s32 @!p1 $0x0  }
0x14: {  	s2 =	sld [smem:$0x3F93];
	s0 =	simm.s32 @p1 $0x1  }
0x15: {  	[smem:$0x3FB0] =	sst s0;
	s0 =	simm.s32 @!p2 $0x0  }
0x16: {  	s3 =	sld [smem:$0x3FDB];
	s0 =	simm.s32 @p2 $0x1  }
0x17: {  	s4 =	simm.s32 $0x1BF5;
	[smem:$0x3FB2] =	sst s0  }
0x18: {  	s0 =	sld [smem:$0x3F95];
	_ =	swait.ge [sflag:s4], $0x0  }
0x19: {  	s7 =	sld [smem:$0x3F96]  }
0x1a: {  	s8 =	sadd.s32 $0xFFFFE003, lr  }
0x1b: {  	s9 =	sadd.s32 $0xFFFFFEF7, lr;
	s5 =	simm.s32 $0xFFFFFFFF;
	p2 =	slt.u32 s8, $0xFFFFF086  }
0x1c: {  	p1 =	slt.u32 s9, $0xF7A;
	s5 =	simm.s32 @!p2 $0x0  }
0x1d: {  	s5 =	simm.s32 @p1 $0x1;
	p0 =	seq.s32 s7, s2  }
0x1e: {  	s7 =	smul.u32 @!p0 $0xF7A, s2;
	p2 =	seq.s32 @!p0 s5, $0x0  }
0x1f: {  	s9 =	smul.u32 $0xF7A, s1;
	s8 =	simm.s32 @!p0 $0x1BF5;
	p2 =	por !p2, p0  }
0x20: {  	[sflag:s8] =	ssyncset.s32 @!p0 $0xFFFFF086;
	s6 =	sadd.s32 @!p0 s3, s7;
	s7 =	simm.s32 @!p0 $0x108  }
0x21: {  	s3 =	sadd.s32 s3, s9;
	s6 =	sadd.s32 @!p0 $0x88, s6;
	s7 =	simm.s32 @p2 $0x1082  }
0x22: {  	[simem:s7], [sflag:s8] =	dma.local @!p0 [hbm:s6], $0xF7A  }
0x23: {  	s9 =	sor.u32 $0xD0000000, s2;
	s6 =	simm.s32 $0x108;
	_ =	swait.ge @!p0 [sflag:s8], $0x0  }
0x24: {  	s3 =	sadd.s32 $0x88, s3;
	s6 =	simm.s32 @!p1 $0x1082;
	[sflag:s4] =	ssyncset.s32 $0xFFFFF086  }
0x25: {  	[simem:s6], [sflag:s4] =	dma.local [hbm:s3], $0xF7A  }
0x26: {  	[smem:$0x3F96] =	sst s1;
	(tag) =	ssettag s2;
	_ =	strace s9  }
0x27: {  	s1 =	sld [smem:$0x3FA6]  }
0x28: {  	s2 =	sld [smem:$0x3FA7]  }
0x29: {  	s4 =	sld [smem:$0x3FA9]  }
0x2a: {  	p0 =	seq.s32 s5, $0x0;
	s5 =	sld [smem:$0x3FAA]  }
0x2b: {  	s6 =	sld [smem:$0x3FAB]  }
0x2c: {  	s7 =	sld [smem:$0x3FAC]  }
0x2d: {  	s3 =	simm.s32 $0x108;
	s8 =	sld [smem:$0x3FAD]  }
0x2e: {  	s3 =	simm.s32 @!p0 $0x1082;
	s9 =	sld [smem:$0x3FAE]  }
0x2f: {  	lr =	sadd.s32 s0, s3;
	s0 =	sld [smem:$0x3FA5]  }
0x30: {  	s3 =	sld [smem:$0x3FA8]  }
0x31: {  	[smem:$0x3FB1] =	sst s10  }
0x32: {  	s10 =	sld [smem:$0x3FAF];
	_ =	sdelay $0x3  }
0x33: {  	p0 =	seq.s32 s10, $0x1;
	s10 =	sld [smem:$0x3FB1];
	_ =	sdelay $0x3  }
0x34: {  	[smem:$0x3FB1] =	sst s10  }
0x35: {  	s10 =	sld [smem:$0x3FB0];
	_ =	sdelay $0x3  }
0x36: {  	p1 =	seq.s32 s10, $0x1;
	s10 =	sld [smem:$0x3FB1];
	_ =	sdelay $0x3  }
0x37: {  	[smem:$0x3FB1] =	sst s10  }
0x38: {  	s10 =	sld [smem:$0x3FB2]  }
0x39: {  	_ = 	snop;
	(pc) =	sbr.ind lr, $3  }
0x3a: {  	_ = 	snop  }
0x3b: {  	_ = 	snop  }
0x3c: {  	p2 =	seq.s32 s10, $0x1;
	s10 =	sld [smem:$0x3FB1]  }
0x3d: {  	_ =	shalt  }
0x3e: {  	_ =	shalt  }
0x3f: {  	_ =	shalt  }
0x40: {  	_ =	shalt  }
0x41: {  	_ =	shalt  }
0x42: {  	_ =	shalt  }
0x43: {  	_ =	shalt  }
0x44: {  	_ =	shalt  }
0x45: {  	_ =	shalt  }
0x46: {  	_ =	shalt  }
0x47: {  	_ =	shalt  }
0x48: {  	_ =	shalt  }
0x49: {  	_ =	shalt  }
0x4a: {  	_ =	shalt  }
0x4b: {  	_ =	shalt  }
0x4c: {  	_ =	shalt  }
0x4d: {  	_ =	shalt  }
0x4e: {  	_ =	shalt  }
0x4f: {  	_ =	shalt  }
0x50: {  	_ =	shalt  }
0x51: {  	_ =	shalt  }
0x52: {  	_ =	shalt  }
0x53: {  	_ =	shalt  }
0x54: {  	_ =	shalt  }
0x55: {  	_ =	shalt  }
0x56: {  	_ =	shalt  }
0x57: {  	_ =	shalt  }
0x58: {  	_ =	shalt  }
0x59: {  	_ =	shalt  }
0x5a: {  	_ =	shalt  }
0x5b: {  	_ =	shalt  }
0x5c: {  	_ =	shalt  }
0x5d: {  	_ =	shalt  }
0x5e: {  	_ =	shalt  }
0x5f: {  	_ =	shalt  }
0x60: {  	_ =	shalt  }
0x61: {  	_ =	shalt  }
0x62: {  	_ =	shalt  }
0x63: {  	_ =	shalt  }
0x64: {  	_ =	shalt  }
0x65: {  	_ =	shalt  }
0x66: {  	_ =	shalt  }
0x67: {  	_ =	shalt  }
0x68: {  	_ =	shalt  }
0x69: {  	_ =	shalt  }
0x6a: {  	_ =	shalt  }
0x6b: {  	_ =	shalt  }
0x6c: {  	_ =	shalt  }
0x6d: {  	_ =	shalt  }
0x6e: {  	_ =	shalt  }
0x6f: {  	_ =	shalt  }
0x70: {  	_ =	shalt  }
0x71: {  	_ =	shalt  }
0x72: {  	_ =	shalt  }
0x73: {  	_ =	shalt  }
0x74: {  	_ =	shalt  }
0x75: {  	_ =	shalt  }
0x76: {  	_ =	shalt  }
0x77: {  	_ =	shalt  }
0x78: {  	_ =	shalt  }
0x79: {  	_ =	shalt  }
0x7a: {  	_ =	shalt  }
0x7b: {  	_ =	shalt  }
0x7c: {  	_ =	shalt  }
0x7d: {  	_ =	shalt  }
0x7e: {  	_ =	shalt  }
0x7f: {  	_ =	shalt  }
0x80: {  	_ =	shalt  }
0x81: {  	_ =	shalt  }
0x82: {  	_ =	shalt  }
0x83: {  	_ =	shalt  }
0x84: {  	_ =	shalt  }
0x85: {  	_ =	shalt  }
0x86: {  	_ =	shalt  }
0x87: {  	_ =	shalt  }
.Lfunc_end0:
.L_simem_size_0:
called_computation_lowered:
.L_overlay_start_0:
0x88: {  	s2 =	sld [smem:$0x3FD9]  }
0x89: {  	s3 =	sld [smem:$0x3FFE];
	_ =	sdelay $0x1  }
0x8a: {  	s1 =	srdreg.scid  }
0x8b: {  	s0 =	sand.u32 $0x1, s1  }
0x8c: {  	s14 =	sshll.u32 s0, $0xA;
	s2 =	sadd.s32 s3, s2  }
0x8d: {  	s2 =	sadd.s32 s2, s14  }
0x8e: {  	[smem:$0x3FBD] =	sst s2  }
0x8f: {  	_ = 	snop  }
0x90: {  	s2 =	sld [smem:$0x3FD0];
	_ =	sdelay $0x2  }
0x91: {  	s15 =	simm.s32 $0xA;
	s4 =	simm.s32 $0x10  }
0x92: {  	[smem:s4], [sflag:s15] =	dma.local [hbm:s2], $0x1  }
0x93: {  	_ =	swait.eq [sflag:s15], $0x1  }
0x94: {  	[sflag:s15] =	ssyncset.done $0x0  }
0x95: {  	s16 =	sld [smem:$0x10];
	[sflag:s15] =	ssyncadd.s32 $0xFFFFFFFF  }
0x96: {  	s17 =	sld [smem:$0x11];
	(tm) =	ssettm $0x1  }
0x97: {  	s18 =	sld [smem:$0x3FFB];
	_ =	sdelay $0x3  }
0x98: {  	_ =	strace s18  }
0x99: {  	s4 =	sld [smem:$0x3FFC];
	_ =	sdelay $0x3  }
0x9a: {  	_ =	strace s4  }
0x9b: {  	s4 =	sld [smem:$0x3FFD];
	_ =	sdelay $0x3  }
0x9c: {  	_ =	strace s4  }
0x9d: {  	_ =	strace $0x8FFFFFFF  }
0x9e: {  	s19 =	sld [smem:$0x3FDB];
	_ =	sdelay $0x1  }
0x9f: {  	s5 =	simm.s32 $_scs_section_size  }
0xa0: {  	s6 =	simm.s32 $_size__tile_overlayer_lowered;
	s7 =	simm.s32 $_tile_overlayer_lowered  }
0xa1: {  	s22 =	simm.s32 $0x1BFF;
	s21 =	sshll.u32 s7, $0x1;
	s4 =	sadd.s32 s5, s19  }
0xa2: {  	s8 =	simm.s32 $0x0;
	s20 =	sshll.u32 s6, $0x1;
	s6 =	sadd.s32 s21, s4  }
0xa3: {  	[timem:s8], [sflag:s22] =	dma.local [hbm:s6], s20  }
0xa4: {  	_ =	swait.ge [sflag:s22], s20  }
0xa5: {  	s5 =	ssub.s32 $0x0, s20;
	[sflag:s22] =	ssyncset.done $0x0  }
0xa6: {  	[sflag:s22] =	ssyncadd.s32 s5;
	_ =	sdelay $0x1  }
0xa7: {  	s23 =	simm.s32 $0x1B8B  }
0xa8: {  	_ =	swait.ge [sflag:s23], $0x1  }
0xa9: {  	[sflag:s23] =	ssyncset.done $0x0  }
0xaa: {  	s25 =	simm.s32 $0x1B8E;
	s24 =	sld [smem:$0x3FFE];
	[sflag:s23] =	ssyncadd.s32 $0xFFFFFFFF  }
0xab: {  	s26 =	simm.s32 $execute0_lowered;
	[smem:$0x3FD2] =	sst s25  }
0xac: {  	s6 =	sshll.u32 s26, $0x1;
	_ =	strace $0x80000046;
	[dreg:$0x1] =	wrdreg $0xFFFFFFFF  }
0xad: {  	s28 =	simm.s32 $_size_execute0_lowered;
	s4 =	sadd.s32 s4, s6;
	[dreg:$0x0] =	wrdreg $0x0  }
0xae: {  	s6 =	sshll.u32 s28, $0x1;
	[dreg:$0x2] =	wrdreg s4  }
0xaf: {  	[dreg:$0x3] =	wrdreg s6  }
0xb0: {  	[dreg:$0x4] =	wrdreg $0xC0  }
0xb1: {  	_ =	task [dreg:s8], $0x5FFFF  }
0xb2: {  	[dreg:$0x1] =	wrdreg $0xFFFFFFFF  }
0xb3: {  	[dreg:$0x0] =	wrdreg $0x60  }
0xb4: {  	[dreg:$0x2] =	wrdreg s17  }
0xb5: {  	[dreg:$0x3] =	wrdreg s16  }
0xb6: {  	[dreg:$0x4] =	wrdreg s24  }
0xb7: {  	[dreg:$0x5] =	wrdreg $0x0  }
0xb8: {  	[dreg:$0x6] =	wrdreg $0x9  }
0xb9: {  	_ =	task.clear_ibuf [dreg:s8], $0x7FFFF;
	_ =	strace $0x90000046  }
0xba: {  	s29 =	simm.s32 $0x9;
	_ =	strace $0x80000048  }
0xbb: {  	_ =	swait.ge [sflag:s29], $0x1  }
0xbc: {  	[sflag:s29] =	ssyncadd.s32 $0xFFFFFFFF  }
0xbd: {  	_ =	strace $0x90000048  }
0xbe: {  	_ =	sfence  }
0xbf: {  	s30 =	sld [smem:$0x0];
	_ =	sdelay $0x2  }
0xc0: {  	s31 =	sshll.u32 s1, $0xD;
	s1 =	sshrl.u32 s1, $0x2  }
0xc1: {  	s3 =	sand.u32 $0x4000, s31;
	s1 =	sadd.s32 s1, s30  }
0xc2: {  	s0 =	sor.u32 s3, s0;
	s1 =	sshll.u32 s1, $0x11  }
0xc3: {  	s0 =	sor.u32 s1, s0  }
0xc4: {  	s0 =	sadd.s32 $0x8F2B, s0  }
0xc5: {  	[sflag:s0] =	ssyncadd.remote.s32 $0x1  }
0xc6: {  	_ =	sfence.sel $0xFFFF  }
0xc7: {  	[dreg:$0x0] =	wrdreg $0xFFFFFFFF;
	(pc) =	sbr.abs _section_cstart, $3  }
0xc8: {  	[dreg:$0x1] =	wrdreg $0xFFFFFFFF  }
0xc9: {  	_ =	task.clear_ibuf [dreg:s8], $0x2FFFF;
	_ =	strace $0x9FFFFFFF  }
0xca: {  	(tm) =	ssettm $0x7FFFFFFF  }
0xcb: {  	_ =	shalt  }
tec
execute0_lowered:
.L_overlay_start_1:
0x0: {  	(tag) =	ssettag $0x1  }
0x1: {  	s0 =	rddreg [dreg:$0x0]  }
0x2: {  	s3 =	rddreg [dreg:$0x1]  }
0x3: {  	s5 =	rddreg [dreg:$0x2]  }
0x4: {  	s1 =	rddreg [dreg:$0x3];
	s2 =	simm.s32 $0x0  }
0x5: {  	s4 =	srdreg.scid;
	s18 =	stileid.u32;
	s28 =	simm.s32 $0x1DD80  }
0x6: {  	s29 =	simm.s32 $0x1B700;
	s31 =	simm.s32 $0x1;
	[smem:$0x7FF] =	sst s2  }
0x7: {  	s6 =	sadd.s32 $0x5C00, s5;
	s7 =	sadd.s32 $0xC00, s5;
	s9 =	sadd.s32 $0xFC00, s5  }
0x8: {  	s10 =	sadd.s32 $0xAC00, s5;
	s11 =	sand.u32 $0x1, s4;
	s14 =	smul.u32 $0x500, s18  }
0x9: {  	s12 =	sadd.s32 $0x19C00, s5;
	s15 =	sadd.s32 $0x14C00, s5;
	s16 =	smul.u32 $0x2800, s18  }
0xa: {  	s4 =	sadd.s32 $0x1EC00, s5;
	p0 =	seq.s32 s18, $0xF;
	_ =	strace $0x80000047  }
0xb: {  	s8 =	ssub.s32 $0x2, s11;
	s23 =	sshll.u32 s11, $0x4;
	s26 =	smul.u32 $0x138800, s11  }
0xc: {  	s13 =	sshrl.u32 s8, $0x1;
	s20 =	sadd.s32 s6, s14;
	s21 =	sshrl.u32 s16, $0x3  }
0xd: {  	s22 =	sadd.s32 s7, s14;
	s30 =	sadd.s32 s9, s14;
	[dreg:$0x6] =	wrdreg s20  }
0xe: {  	s17 =	ssub.s32 s8, s13;
	[dreg:$0x7] =	wrdreg s22;
	s16 =	sadd.s32 $0x280, s21  }
0xf: {  	s8 =	sadd.s32 s0, s23;
	[dreg:$0xa] =	wrdreg s30;
	s13 =	sadd.s32 s3, s23  }
0x10: {  	s20 =	sadd.s32 s12, s14;
	s21 =	sadd.s32 s15, s14;
	s22 =	smul.u32 $0x50000, s18  }
0x11: {  	s24 =	sadd.s32 s6, s16;
	s25 =	sadd.s32 s7, s16;
	s7 =	sadd.s32 s10, s14  }
0x12: {  	s11 =	sadd.s32 s9, s16;
	s19 =	sadd.s32 s10, s16;
	[dreg:$0xe] =	wrdreg s20  }
0x13: {  	[dreg:$0xf] =	wrdreg s21;
	s23 =	sadd.s32 s12, s16;
	s20 =	sadd.s32 $0x6CE00, s5  }
0x14: {  	s21 =	sadd.s32 $0xBB000, s5;
	s9 =	simm.s32 $0x5;
	[dreg:$0x8] =	wrdreg s24  }
0x15: {  	s30 =	smax.u32 s17, $0x1;
	s12 =	simm.s32 $0x17880;
	[dreg:$0x9] =	wrdreg s25  }
0x16: {  	s17 =	simm.s32 $0x19080;
	s14 =	simm.s32 $0x19F00;
	[dreg:$0xb] =	wrdreg s7  }
0x17: {  	s10 =	simm.s32 $0x1BF00;
	s5 =	simm.s32 $0x2;
	[dreg:$0xc] =	wrdreg s11  }
0x18: {  	s6 =	simm.s32 $0x0;
	[dreg:$0xd] =	wrdreg s19;
	s7 =	simm.s32 $0xA  }
0x19: {  	[dreg:$0x10] =	wrdreg s23;
	s24 =	sadd.s32 s15, s16;
	s25 =	smul.u32 $0x14000, s18  }
0x1a: {  	s9 =	simm.s32 @!p0 $0x8;
	[dreg:$0x14] =	wrdreg s30;
	s11 =	simm.s32 $0x17080  }
0x1b: {  	s15 =	simm.s32 $0x18080;
	s16 =	simm.s32 $0x18880;
	s18 =	simm.s32 $0x19880  }
0x1c: {  	s19 =	simm.s32 $0x1A700;
	s23 =	simm.s32 $0x3;
	[dreg:$0x11] =	wrdreg s24  }
0x1d: {  	s7 =	simm.s32 @!p0 $0x10;
	s24 =	simm.s32 $0x1AF00;
	[dreg:$0x13] =	wrdreg s9  }
0x1e: {  	s0 =	sadd.s32 s25, s26;
	s26 =	sshrl.u32 s22, $0x2;
	[dreg:$0x5] =	wrdreg s7  }
0x1f: {  	v0 =	vimm.f32 $0.0e+00;
	s22 =	simm.s32 $0x7D;
	[dreg:$0x12] =	wrdreg s0;
	s0 =	sadd.s32 s26, s1  }
0x20: {  	v1 =	vlaneseq.u32;
	vm0 =	vmmov $0xffff;
	vm1 =	vmmov $0x1fff;
	s26 =	simm.s32 $0x5;
	[dreg:$0x15] =	wrdreg s0;
	s0 =	simm.s32 $0x16080  }
.LBB2_1:
0x21: {  	[dreg:$0x16] =	wrdreg s6;
	s3 =	simm.s32 $0x70;
	s6 =	simm.s32 $0x3C0  }
.LBB2_2:
0x22: {  	p0 =	sne.s32 s6, $0x4FC0;
	[tilespmem:s3+$0x1DD80] =	vst v0  }
0x23: {  	[tilespmem:s3+$0x1DD10] =	vst v0  }
0x24: {  	[tilespmem:s3+$0x1DD20] =	vst v0  }
.Ltmp0:
0x25: {  	[tilespmem:s3+$0x1DD30] =	vst v0;
	(pc) =	sbr.rel @p0 .LBB2_2-.Ltmp0, $4  }
0x26: {  	[tilespmem:s3+$0x1DD40] =	vst v0  }
0x27: {  	[tilespmem:s3+$0x1DD50] =	vst v0  }
0x28: {  	[tilespmem:s3+$0x1DD60] =	vst v0  }
0x29: {  	[tilespmem:s3+$0x1DD70] =	vst v0;
	s3 =	sshra.s32 s6, $0x2;
	s6 =	sadd.s32 $0x200, s6  }
0x2a: {  	[tilespmem:s3+$0x1DD80] =	vst v0  }
0x2b: {  	[tilespmem:s3+$0x1DD10] =	vst v0  }
0x2c: {  	[tilespmem:s3+$0x1DD20] =	vst v0  }
0x2d: {  	[tilespmem:s3+$0x1DD30] =	vst v0;
	p1 =	sne.s32 s7, $0x1  }
.Ltmp1:
0x2e: {  	[tilespmem:s3+$0x1DD40] =	vst v0;
	(pc) =	sbr.rel @!p1 .LBB2_5-.Ltmp1, $4  }
0x2f: {  	[tilespmem:s3+$0x1DD50] =	vst v0  }
0x30: {  	[tilespmem:s3+$0x1DD60] =	vst v0  }
0x31: {  	[tilespmem:s3+$0x1DD70] =	vst v0;
	s6 =	rddreg [dreg:$0x15];
	s3 =	sadd.s32 $0xFFFFFFFF, s7  }
0x32: {  	[spmem:s6] =	stream.linear.scatter [tilespmem:s28], [sflag:$0x5], $0x1400, $0x38;
	[tilespmem:$0x1F180] =	vst v63  }
.LBB2_4:
0x33: {  	p0 =	sne.s32 s3, $0x1  }
.Ltmp2:
0x34: {  	_ = 	snop;
	(pc) =	sbr.rel @p0 .LBB2_4-.Ltmp2, $3  }
0x35: {  	_ = 	snop  }
0x36: {  	s3 =	sadd.s32 $0xFFFFFFFF, s3;
	s6 =	sadd.s32 $0x1400, s6;
	_ =	sdelay $0x1  }
0x37: {  	[spmem:s6] =	stream.linear.scatter [tilespmem:s28], [sflag:$0x5], $0x1400, $0x38;
	[tilespmem:$0x1F180] =	vst v63  }
.LBB2_5:
.Ltmp3:
0x38: {  	(pc) =	sbr.rel @!p1 .LBB2_7-.Ltmp3, $3  }
0x39: {  	_ =	sdelay $0x1  }
0x3a: {  	_ =	swait.ge [sflag:s26], $0x1400  }
0x3b: {  	s3 =	sadd.s32 $0xFFFFFFFF, s7;
	[sflag:s26] =	ssyncset.done $0x0  }
.LBB2_6:
0x3c: {  	p0 =	sne.s32 s3, $0x1;
	s3 =	sadd.s32 $0xFFFFFFFF, s3;
	[sflag:s26] =	ssyncadd.s32 $0xFFFFEC00  }
.Ltmp4:
0x3d: {  	(pc) =	sbr.rel @p0 .LBB2_6-.Ltmp4, $3  }
0x3e: {  	_ =	sdelay $0x1  }
0x3f: {  	_ =	swait.ge [sflag:s26], $0x1400  }
0x40: {  	[sflag:s26] =	ssyncset.done $0x0  }
.LBB2_7:
0x41: {  	[sflag:s26] =	ssyncadd.s32 $0xFFFFEC00  }
0x42: {  	[bflag:$0x0] =	sbarrier.arrive $0xFFFF  }
0x43: {  	s25 =	simm.s32 $0x0;
	s6 =	simm.s32 $0x13880;
	s3 =	rddreg [dreg:$0x6]  }
0x44: {  	[tilespmem:s6], [sflag:$0x6] =	stream.linear.gather [hbm4b:s3+s25], $0x1400, $0x38;
	[tilespmem:$0x1F180] =	vst v63  }
0x45: {  	s6 =	simm.s32 $0x6  }
0x46: {  	_ =	swait.ge [sflag:s6], $0x1400  }
0x47: {  	[sflag:s6] =	ssyncset.done $0x0  }
0x48: {  	s7 =	simm.s32 $0x14C80;
	s30 =	rddreg [dreg:$0x7];
	[sflag:s6] =	ssyncadd.s32 $0xFFFFEC00  }
0x49: {  	[tilespmem:s7], [sflag:$0x6] =	stream.linear.gather [hbm4b:s30+s25], $0x1400, $0x38;
	[tilespmem:$0x1F180] =	vst v63  }
0x4a: {  	_ =	swait.ge [sflag:s6], $0x1400  }
0x4b: {  	[sflag:s6] =	ssyncset.done $0x0  }
0x4c: {  	[sflag:s6] =	ssyncadd.s32 $0xFFFFEC00  }
0x4d: {  	v2 =	vld [tilespmem:$0x13880];
	_ =	sdelay $0x4  }
0x4e: {  	v2 =	vshll.u32 v2, $0x8  }
0x4f: {  	v2 =	vperm.xlane v2, v1;
	_ =	sdelay $0x5  }
0x50: {  	[tilespmem:s0], [sflag:$0x1] =	stream.indirect_vreg.gather [hbm4b:s8+s25], $0x80, v2, vm0, $0x38;
	[tilespmem:$0x1F180] =	vst v63  }
0x51: {  	v2 =	vld [tilespmem:$0x13890];
	_ =	sdelay $0x4  }
0x52: {  	v2 =	vshll.u32 v2, $0x8  }
0x53: {  	v2 =	vperm.xlane v2, v1;
	_ =	sdelay $0x4  }
0x54: {  	s30 =	simm.s32 $0x16880  }
0x55: {  	[tilespmem:s30], [sflag:$0x1] =	stream.indirect_vreg.gather [hbm4b:s8+s25], $0x80, v2, vm0, $0x38;
	[tilespmem:$0x1F180] =	vst v63  }
0x56: {  	v2 =	vld [tilespmem:$0x138A0];
	_ =	sdelay $0x4  }
0x57: {  	v2 =	vshll.u32 v2, $0x8  }
0x58: {  	v2 =	vperm.xlane v2, v1;
	_ =	sdelay $0x5  }
0x59: {  	[tilespmem:s11], [sflag:$0x1] =	stream.indirect_vreg.gather [hbm4b:s8+s25], $0x80, v2, vm0, $0x38;
	[tilespmem:$0x1F180] =	vst v63  }
0x5a: {  	v2 =	vld [tilespmem:$0x138B0];
	_ =	sdelay $0x4  }
0x5b: {  	v2 =	vshll.u32 v2, $0x8  }
0x5c: {  	v2 =	vperm.xlane v2, v1;
	_ =	sdelay $0x5  }
0x5d: {  	[tilespmem:s12], [sflag:$0x1] =	stream.indirect_vreg.gather [hbm4b:s8+s25], $0x80, v2, vm0, $0x38;
	[tilespmem:$0x1F180] =	vst v63  }
0x5e: {  	v2 =	vld [tilespmem:$0x138C0];
	_ =	sdelay $0x4  }
0x5f: {  	v2 =	vshll.u32 v2, $0x8  }
0x60: {  	v2 =	vperm.xlane v2, v1;
	_ =	sdelay $0x5  }
0x61: {  	[tilespmem:s15], [sflag:$0x1] =	stream.indirect_vreg.gather [hbm4b:s8+s25], $0x80, v2, vm0, $0x38;
	[tilespmem:$0x1F180] =	vst v63  }
0x62: {  	v2 =	vld [tilespmem:$0x138D0];
	_ =	sdelay $0x4  }
0x63: {  	v2 =	vshll.u32 v2, $0x8  }
0x64: {  	v2 =	vperm.xlane v2, v1;
	_ =	sdelay $0x5  }
0x65: {  	[tilespmem:s16], [sflag:$0x1] =	stream.indirect_vreg.gather [hbm4b:s8+s25], $0x80, v2, vm0, $0x38;
	[tilespmem:$0x1F180] =	vst v63  }
0x66: {  	v2 =	vld [tilespmem:$0x138E0];
	_ =	sdelay $0x4  }
0x67: {  	v2 =	vshll.u32 v2, $0x8  }
0x68: {  	v2 =	vperm.xlane v2, v1;
	_ =	sdelay $0x5  }
0x69: {  	[tilespmem:s17], [sflag:$0x1] =	stream.indirect_vreg.gather [hbm4b:s8+s25], $0x80, v2, vm0, $0x38;
	[tilespmem:$0x1F180] =	vst v63  }
0x6a: {  	v2 =	vld.msk [tilespmem:$0x138F0], $0x1fff;
	_ =	sdelay $0x4  }
0x6b: {  	v2 =	vshll.u32 v2, $0x8  }
0x6c: {  	v2 =	vperm.xlane v2, v1;
	_ =	sdelay $0x5  }
0x6d: {  	[tilespmem:s18], [sflag:$0x1] =	stream.indirect_vreg.gather [hbm4b:s8+s25], $0x80, v2, vm1, $0x38;
	[tilespmem:$0x1F180] =	vst v63  }
.LBB2_8:
0x6e: {  	p0 =	seq.s32 s25, $0x0  }
0x6f: {  	s3 =	simm.s32 @!p0 $0x4  }
0x70: {  	_ =	swait.ge @!p0 [sflag:s3], $0x3E80  }
0x71: {  	[sflag:s3] =	ssyncset.done @!p0 $0x0  }
0x72: {  	s30 =	sshra.s32 s25, $0x2;
	[sflag:s3] =	ssyncadd.s32 @!p0 $0xFFFFC180  }
0x73: {  	v2 =	vld [tilespmem:s30+$0x13900];
	_ =	sdelay $0x4  }
0x74: {  	v2 =	vshll.u32 v2, $0x8  }
0x75: {  	v2 =	vperm.xlane v2, v1;
	_ =	sdelay $0x5  }
0x76: {  	[tilespmem:s14], [sflag:$0x2] =	stream.indirect_vreg.gather [hbm4b:s8+s2], $0x80, v2, vm0, $0x38;
	[tilespmem:$0x1F180] =	vst v63  }
0x77: {  	v2 =	vld [tilespmem:s30+$0x13910];
	_ =	sdelay $0x4  }
0x78: {  	v2 =	vshll.u32 v2, $0x8  }
0x79: {  	v2 =	vperm.xlane v2, v1;
	_ =	sdelay $0x5  }
0x7a: {  	[tilespmem:s19], [sflag:$0x2] =	stream.indirect_vreg.gather [hbm4b:s8+s2], $0x80, v2, vm0, $0x38;
	[tilespmem:$0x1F180] =	vst v63  }
0x7b: {  	v2 =	vld [tilespmem:s30+$0x13920];
	_ =	sdelay $0x4  }
0x7c: {  	v2 =	vshll.u32 v2, $0x8  }
0x7d: {  	v2 =	vperm.xlane v2, v1;
	_ =	sdelay $0x5  }
0x7e: {  	[tilespmem:s24], [sflag:$0x2] =	stream.indirect_vreg.gather [hbm4b:s8+s2], $0x80, v2, vm0, $0x38;
	[tilespmem:$0x1F180] =	vst v63  }
0x7f: {  	v2 =	vld [tilespmem:s30+$0x13930];
	_ =	sdelay $0x4  }
0x80: {  	v2 =	vshll.u32 v2, $0x8  }
0x81: {  	v2 =	vperm.xlane v2, v1;
	_ =	sdelay $0x5  }
0x82: {  	[tilespmem:s29], [sflag:$0x2] =	stream.indirect_vreg.gather [hbm4b:s8+s2], $0x80, v2, vm0, $0x38;
	[tilespmem:$0x1F180] =	vst v63  }
0x83: {  	v2 =	vld [tilespmem:s30+$0x13940];
	_ =	sdelay $0x4  }
0x84: {  	v2 =	vshll.u32 v2, $0x8  }
0x85: {  	v2 =	vperm.xlane v2, v1;
	_ =	sdelay $0x5  }
0x86: {  	[tilespmem:s10], [sflag:$0x2] =	stream.indirect_vreg.gather [hbm4b:s8+s2], $0x80, v2, vm0, $0x38;
	[tilespmem:$0x1F180] =	vst v63  }
0x87: {  	v2 =	vld [tilespmem:s30+$0x13950];
	_ =	sdelay $0x4  }
0x88: {  	v2 =	vshll.u32 v2, $0x8  }
0x89: {  	v2 =	vperm.xlane v2, v1;
	_ =	sdelay $0x4  }
0x8a: {  	s6 =	simm.s32 $0x1C700  }
0x8b: {  	[tilespmem:s6], [sflag:$0x2] =	stream.indirect_vreg.gather [hbm4b:s8+s2], $0x80, v2, vm0, $0x38;
	[tilespmem:$0x1F180] =	vst v63  }
0x8c: {  	v2 =	vld [tilespmem:s30+$0x13960];
	_ =	sdelay $0x4  }
0x8d: {  	v2 =	vshll.u32 v2, $0x8  }
0x8e: {  	v2 =	vperm.xlane v2, v1;
	_ =	sdelay $0x4  }
0x8f: {  	s7 =	simm.s32 $0x1CF00  }
0x90: {  	[tilespmem:s7], [sflag:$0x2] =	stream.indirect_vreg.gather [hbm4b:s8+s2], $0x80, v2, vm0, $0x38;
	[tilespmem:$0x1F180] =	vst v63  }
0x91: {  	v2 =	vld.msk [tilespmem:s30+$0x13970], $0x1fff;
	_ =	sdelay $0x4  }
0x92: {  	v2 =	vshll.u32 v2, $0x8  }
0x93: {  	v2 =	vperm.xlane v2, v1;
	_ =	sdelay $0x4  }
0x94: {  	s6 =	simm.s32 $0x1D700  }
0x95: {  	[tilespmem:s6], [sflag:$0x2] =	stream.indirect_vreg.gather [hbm4b:s8+s2], $0x80, v2, vm1, $0x38;
	[tilespmem:$0x1F180] =	vst v63  }
0x96: {  	_ =	swait.ge [sflag:s31], $0x3E80  }
0x97: {  	[sflag:s31] =	ssyncset.done $0x0  }
0x98: {  	s7 =	sadd.s32 $0x14C80, s30;
	[sflag:s31] =	ssyncadd.s32 $0xFFFFC180  }
0x99: {  	[spmem:s1] =	stream.indirect.scatter.add.f32 [tilespmem:s0], [sflag:$0x3], $0x80, s7, s22, $0xb8;
	[tilespmem:$0x1F180] =	vst v63  }
0x9a: {  	p0 =	seq.s32 s25, $0x4C00;
	_ =	swait.ge [sflag:s5], $0x3E80  }
.Ltmp5:
0x9b: {  	[sflag:s5] =	ssyncset.done $0x0;
	(pc) =	sbr.rel @p0 .LBB2_10-.Ltmp5, $4  }
0x9c: {  	[sflag:s5] =	ssyncadd.s32 $0xFFFFC180  }
0x9d: {  	_ =	swait.ge [sflag:s23], $0x3E80  }
0x9e: {  	[sflag:s23] =	ssyncset.done $0x0  }
0x9f: {  	s3 =	sadd.s32 $0x14D00, s30;
	[sflag:s23] =	ssyncadd.s32 $0xFFFFC180  }
0xa0: {  	v2 =	vld [tilespmem:s30+$0x13980];
	_ =	sdelay $0x4  }
0xa1: {  	v2 =	vshll.u32 v2, $0x8  }
0xa2: {  	v2 =	vperm.xlane v2, v1;
	_ =	sdelay $0x5  }
0xa3: {  	[tilespmem:s0], [sflag:$0x1] =	stream.indirect_vreg.gather [hbm4b:s8+s2], $0x80, v2, vm0, $0x38;
	[tilespmem:$0x1F180] =	vst v63  }
0xa4: {  	v2 =	vld [tilespmem:s30+$0x13990];
	_ =	sdelay $0x4  }
0xa5: {  	v2 =	vshll.u32 v2, $0x8  }
0xa6: {  	v2 =	vperm.xlane v2, v1;
	_ =	sdelay $0x4  }
0xa7: {  	s6 =	simm.s32 $0x16880  }
0xa8: {  	[tilespmem:s6], [sflag:$0x1] =	stream.indirect_vreg.gather [hbm4b:s8+s2], $0x80, v2, vm0, $0x38;
	[tilespmem:$0x1F180] =	vst v63  }
0xa9: {  	v2 =	vld [tilespmem:s30+$0x139A0];
	_ =	sdelay $0x4  }
0xaa: {  	v2 =	vshll.u32 v2, $0x8  }
0xab: {  	v2 =	vperm.xlane v2, v1;
	_ =	sdelay $0x5  }
0xac: {  	[tilespmem:s11], [sflag:$0x1] =	stream.indirect_vreg.gather [hbm4b:s8+s2], $0x80, v2, vm0, $0x38;
	[tilespmem:$0x1F180] =	vst v63  }
0xad: {  	v2 =	vld [tilespmem:s30+$0x139B0];
	_ =	sdelay $0x4  }
0xae: {  	v2 =	vshll.u32 v2, $0x8  }
0xaf: {  	v2 =	vperm.xlane v2, v1;
	_ =	sdelay $0x5  }
0xb0: {  	[tilespmem:s12], [sflag:$0x1] =	stream.indirect_vreg.gather [hbm4b:s8+s2], $0x80, v2, vm0, $0x38;
	[tilespmem:$0x1F180] =	vst v63  }
0xb1: {  	v2 =	vld [tilespmem:s30+$0x139C0];
	_ =	sdelay $0x4  }
0xb2: {  	v2 =	vshll.u32 v2, $0x8  }
0xb3: {  	v2 =	vperm.xlane v2, v1;
	_ =	sdelay $0x5  }
0xb4: {  	[tilespmem:s15], [sflag:$0x1] =	stream.indirect_vreg.gather [hbm4b:s8+s2], $0x80, v2, vm0, $0x38;
	[tilespmem:$0x1F180] =	vst v63  }
0xb5: {  	v2 =	vld [tilespmem:s30+$0x139D0];
	_ =	sdelay $0x4  }
0xb6: {  	v2 =	vshll.u32 v2, $0x8  }
0xb7: {  	v2 =	vperm.xlane v2, v1;
	_ =	sdelay $0x5  }
0xb8: {  	[tilespmem:s16], [sflag:$0x1] =	stream.indirect_vreg.gather [hbm4b:s8+s2], $0x80, v2, vm0, $0x38;
	[tilespmem:$0x1F180] =	vst v63  }
0xb9: {  	v2 =	vld [tilespmem:s30+$0x139E0];
	_ =	sdelay $0x4  }
0xba: {  	v2 =	vshll.u32 v2, $0x8  }
0xbb: {  	v2 =	vperm.xlane v2, v1;
	_ =	sdelay $0x5  }
0xbc: {  	[tilespmem:s17], [sflag:$0x1] =	stream.indirect_vreg.gather [hbm4b:s8+s2], $0x80, v2, vm0, $0x38;
	[tilespmem:$0x1F180] =	vst v63  }
0xbd: {  	v2 =	vld.msk [tilespmem:s30+$0x139F0], $0x1fff;
	_ =	sdelay $0x4  }
0xbe: {  	v2 =	vshll.u32 v2, $0x8  }
0xbf: {  	v2 =	vperm.xlane v2, v1;
	_ =	sdelay $0x3  }
.Ltmp6:
0xc0: {  	_ = 	snop;
	(pc) =	sbr.rel .LBB2_8-.Ltmp6, $4  }
0xc1: {  	_ = 	snop  }
0xc2: {  	[tilespmem:s18], [sflag:$0x1] =	stream.indirect_vreg.gather [hbm4b:s8+s2], $0x80, v2, vm1, $0x38;
	[tilespmem:$0x1F180] =	vst v63  }
0xc3: {  	s25 =	sadd.s32 $0x400, s25  }
0xc4: {  	[spmem:s1] =	stream.indirect.scatter.add.f32 [tilespmem:s14], [sflag:$0x4], $0x80, s3, s22, $0xb8;
	[tilespmem:$0x1F180] =	vst v63  }
.LBB2_10:
0xc5: {  	[spmem:s1] =	stream.indirect.scatter.add.f32 [tilespmem:s14], [sflag:$0x4], $0x80, s3, s22, $0xb8;
	[tilespmem:$0x1F180] =	vst v63  }
0xc6: {  	s6 =	simm.s32 $0x4  }
0xc7: {  	_ =	swait.ge [sflag:s6], $0x3E80  }
0xc8: {  	s25 =	simm.s32 $0x0;
	[sflag:s6] =	ssyncset.done $0x0  }
0xc9: {  	s7 =	rddreg [dreg:$0x8];
	[sflag:s6] =	ssyncadd.s32 $0xFFFFC180;
	s6 =	simm.s32 $0x13880  }
0xca: {  	[tilespmem:s6], [sflag:$0x6] =	stream.linear.gather [hbm4b:s7+s25], $0x1400, $0x38;
	[tilespmem:$0x1F180] =	vst v63  }
0xcb: {  	s6 =	simm.s32 $0x6  }
0xcc: {  	_ =	swait.ge [sflag:s6], $0x1400  }
0xcd: {  	[sflag:s6] =	ssyncset.done $0x0  }
0xce: {  	s7 =	simm.s32 $0x14C80;
	s30 =	rddreg [dreg:$0x9];
	[sflag:s6] =	ssyncadd.s32 $0xFFFFEC00  }
0xcf: {  	[tilespmem:s7], [sflag:$0x6] =	stream.linear.gather [hbm4b:s30+s25], $0x1400, $0x38;
	[tilespmem:$0x1F180] =	vst v63  }
0xd0: {  	_ =	swait.ge [sflag:s6], $0x1400  }
0xd1: {  	[sflag:s6] =	ssyncset.done $0x0  }
0xd2: {  	[sflag:s6] =	ssyncadd.s32 $0xFFFFEC00  }
0xd3: {  	v2 =	vld [tilespmem:$0x13880];
	_ =	sdelay $0x4  }
0xd4: {  	v2 =	vshll.u32 v2, $0x8  }
0xd5: {  	v2 =	vperm.xlane v2, v1;
	_ =	sdelay $0x5  }
0xd6: {  	[tilespmem:s0], [sflag:$0x1] =	stream.indirect_vreg.gather [hbm4b:s8+s25], $0x80, v2, vm0, $0x38;
	[tilespmem:$0x1F180] =	vst v63  }
0xd7: {  	v2 =	vld [tilespmem:$0x13890];
	_ =	sdelay $0x4  }
0xd8: {  	v2 =	vshll.u32 v2, $0x8  }
0xd9: {  	v2 =	vperm.xlane v2, v1;
	_ =	sdelay $0x4  }
0xda: {  	s30 =	simm.s32 $0x16880  }
0xdb: {  	[tilespmem:s30], [sflag:$0x1] =	stream.indirect_vreg.gather [hbm4b:s8+s25], $0x80, v2, vm0, $0x38;
	[tilespmem:$0x1F180] =	vst v63  }
0xdc: {  	v2 =	vld [tilespmem:$0x138A0];
	_ =	sdelay $0x4  }
0xdd: {  	v2 =	vshll.u32 v2, $0x8  }
0xde: {  	v2 =	vperm.xlane v2, v1;
	_ =	sdelay $0x5  }
0xdf: {  	[tilespmem:s11], [sflag:$0x1] =	stream.indirect_vreg.gather [hbm4b:s8+s25], $0x80, v2, vm0, $0x38;
	[tilespmem:$0x1F180] =	vst v63  }
0xe0: {  	v2 =	vld [tilespmem:$0x138B0];
	_ =	sdelay $0x4  }
0xe1: {  	v2 =	vshll.u32 v2, $0x8  }
0xe2: {  	v2 =	vperm.xlane v2, v1;
	_ =	sdelay $0x5  }
0xe3: {  	[tilespmem:s12], [sflag:$0x1] =	stream.indirect_vreg.gather [hbm4b:s8+s25], $0x80, v2, vm0, $0x38;
	[tilespmem:$0x1F180] =	vst v63  }
0xe4: {  	v2 =	vld [tilespmem:$0x138C0];
	_ =	sdelay $0x4  }
0xe5: {  	v2 =	vshll.u32 v2, $0x8  }
0xe6: {  	v2 =	vperm.xlane v2, v1;
	_ =	sdelay $0x5  }
0xe7: {  	[tilespmem:s15], [sflag:$0x1] =	stream.indirect_vreg.gather [hbm4b:s8+s25], $0x80, v2, vm0, $0x38;
	[tilespmem:$0x1F180] =	vst v63  }
0xe8: {  	v2 =	vld [tilespmem:$0x138D0];
	_ =	sdelay $0x4  }
0xe9: {  	v2 =	vshll.u32 v2, $0x8  }
0xea: {  	v2 =	vperm.xlane v2, v1;
	_ =	sdelay $0x5  }
0xeb: {  	[tilespmem:s16], [sflag:$0x1] =	stream.indirect_vreg.gather [hbm4b:s8+s25], $0x80, v2, vm0, $0x38;
	[tilespmem:$0x1F180] =	vst v63  }
0xec: {  	v2 =	vld [tilespmem:$0x138E0];
	_ =	sdelay $0x4  }
0xed: {  	v2 =	vshll.u32 v2, $0x8  }
0xee: {  	v2 =	vperm.xlane v2, v1;
	_ =	sdelay $0x5  }
0xef: {  	[tilespmem:s17], [sflag:$0x1] =	stream.indirect_vreg.gather [hbm4b:s8+s25], $0x80, v2, vm0, $0x38;
	[tilespmem:$0x1F180] =	vst v63  }
0xf0: {  	v2 =	vld.msk [tilespmem:$0x138F0], $0x1fff;
	_ =	sdelay $0x4  }
0xf1: {  	v2 =	vshll.u32 v2, $0x8  }
0xf2: {  	v2 =	vperm.xlane v2, v1;
	_ =	sdelay $0x5  }
0xf3: {  	[tilespmem:s18], [sflag:$0x1] =	stream.indirect_vreg.gather [hbm4b:s8+s25], $0x80, v2, vm1, $0x38;
	[tilespmem:$0x1F180] =	vst v63  }
.LBB2_11:
0xf4: {  	p0 =	seq.s32 s25, $0x0  }
0xf5: {  	s3 =	simm.s32 @!p0 $0x4  }
0xf6: {  	_ =	swait.ge @!p0 [sflag:s3], $0x3E80  }
0xf7: {  	[sflag:s3] =	ssyncset.done @!p0 $0x0  }
0xf8: {  	s30 =	sshra.s32 s25, $0x2;
	[sflag:s3] =	ssyncadd.s32 @!p0 $0xFFFFC180  }
0xf9: {  	v2 =	vld [tilespmem:s30+$0x13900];
	_ =	sdelay $0x4  }
0xfa: {  	v2 =	vshll.u32 v2, $0x8  }
0xfb: {  	v2 =	vperm.xlane v2, v1;
	_ =	sdelay $0x5  }
0xfc: {  	[tilespmem:s14], [sflag:$0x2] =	stream.indirect_vreg.gather [hbm4b:s8+s2], $0x80, v2, vm0, $0x38;
	[tilespmem:$0x1F180] =	vst v63  }
0xfd: {  	v2 =	vld [tilespmem:s30+$0x13910];
	_ =	sdelay $0x4  }
0xfe: {  	v2 =	vshll.u32 v2, $0x8  }
0xff: {  	v2 =	vperm.xlane v2, v1;
	_ =	sdelay $0x5  }
0x100: {  	[tilespmem:s19], [sflag:$0x2] =	stream.indirect_vreg.gather [hbm4b:s8+s2], $0x80, v2, vm0, $0x38;
	[tilespmem:$0x1F180] =	vst v63  }
0x101: {  	v2 =	vld [tilespmem:s30+$0x13920];
	_ =	sdelay $0x4  }
0x102: {  	v2 =	vshll.u32 v2, $0x8  }
0x103: {  	v2 =	vperm.xlane v2, v1;
	_ =	sdelay $0x5  }
0x104: {  	[tilespmem:s24], [sflag:$0x2] =	stream.indirect_vreg.gather [hbm4b:s8+s2], $0x80, v2, vm0, $0x38;
	[tilespmem:$0x1F180] =	vst v63  }
0x105: {  	v2 =	vld [tilespmem:s30+$0x13930];
	_ =	sdelay $0x4  }
0x106: {  	v2 =	vshll.u32 v2, $0x8  }
0x107: {  	v2 =	vperm.xlane v2, v1;
	_ =	sdelay $0x5  }
0x108: {  	[tilespmem:s29], [sflag:$0x2] =	stream.indirect_vreg.gather [hbm4b:s8+s2], $0x80, v2, vm0, $0x38;
	[tilespmem:$0x1F180] =	vst v63  }
0x109: {  	v2 =	vld [tilespmem:s30+$0x13940];
	_ =	sdelay $0x4  }
0x10a: {  	v2 =	vshll.u32 v2, $0x8  }
0x10b: {  	v2 =	vperm.xlane v2, v1;
	_ =	sdelay $0x5  }
0x10c: {  	[tilespmem:s10], [sflag:$0x2] =	stream.indirect_vreg.gather [hbm4b:s8+s2], $0x80, v2, vm0, $0x38;
	[tilespmem:$0x1F180] =	vst v63  }
0x10d: {  	v2 =	vld [tilespmem:s30+$0x13950];
	_ =	sdelay $0x4  }
0x10e: {  	v2 =	vshll.u32 v2, $0x8  }
0x10f: {  	v2 =	vperm.xlane v2, v1;
	_ =	sdelay $0x4  }
0x110: {  	s6 =	simm.s32 $0x1C700  }
0x111: {  	[tilespmem:s6], [sflag:$0x2] =	stream.indirect_vreg.gather [hbm4b:s8+s2], $0x80, v2, vm0, $0x38;
	[tilespmem:$0x1F180] =	vst v63  }
0x112: {  	v2 =	vld [tilespmem:s30+$0x13960];
	_ =	sdelay $0x4  }
0x113: {  	v2 =	vshll.u32 v2, $0x8  }
0x114: {  	v2 =	vperm.xlane v2, v1;
	_ =	sdelay $0x4  }
0x115: {  	s7 =	simm.s32 $0x1CF00  }
0x116: {  	[tilespmem:s7], [sflag:$0x2] =	stream.indirect_vreg.gather [hbm4b:s8+s2], $0x80, v2, vm0, $0x38;
	[tilespmem:$0x1F180] =	vst v63  }
0x117: {  	v2 =	vld.msk [tilespmem:s30+$0x13970], $0x1fff;
	_ =	sdelay $0x4  }
0x118: {  	v2 =	vshll.u32 v2, $0x8  }
0x119: {  	v2 =	vperm.xlane v2, v1;
	_ =	sdelay $0x4  }
0x11a: {  	s6 =	simm.s32 $0x1D700  }
0x11b: {  	[tilespmem:s6], [sflag:$0x2] =	stream.indirect_vreg.gather [hbm4b:s8+s2], $0x80, v2, vm1, $0x38;
	[tilespmem:$0x1F180] =	vst v63  }
0x11c: {  	_ =	swait.ge [sflag:s31], $0x3E80  }
0x11d: {  	[sflag:s31] =	ssyncset.done $0x0  }
0x11e: {  	s7 =	sadd.s32 $0x14C80, s30;
	[sflag:s31] =	ssyncadd.s32 $0xFFFFC180  }
0x11f: {  	[spmem:s1] =	stream.indirect.scatter.add.f32 [tilespmem:s0], [sflag:$0x3], $0x80, s7, s22, $0xb8;
	[tilespmem:$0x1F180] =	vst v63  }
0x120: {  	p0 =	seq.s32 s25, $0x4C00;
	_ =	swait.ge [sflag:s5], $0x3E80  }
.Ltmp7:
0x121: {  	[sflag:s5] =	ssyncset.done $0x0;
	(pc) =	sbr.rel @p0 .LBB2_13-.Ltmp7, $4  }
0x122: {  	[sflag:s5] =	ssyncadd.s32 $0xFFFFC180  }
0x123: {  	_ =	swait.ge [sflag:s23], $0x3E80  }
0x124: {  	[sflag:s23] =	ssyncset.done $0x0  }
0x125: {  	s3 =	sadd.s32 $0x14D00, s30;
	[sflag:s23] =	ssyncadd.s32 $0xFFFFC180  }
0x126: {  	v2 =	vld [tilespmem:s30+$0x13980];
	_ =	sdelay $0x4  }
0x127: {  	v2 =	vshll.u32 v2, $0x8  }
0x128: {  	v2 =	vperm.xlane v2, v1;
	_ =	sdelay $0x5  }
0x129: {  	[tilespmem:s0], [sflag:$0x1] =	stream.indirect_vreg.gather [hbm4b:s8+s2], $0x80, v2, vm0, $0x38;
	[tilespmem:$0x1F180] =	vst v63  }
0x12a: {  	v2 =	vld [tilespmem:s30+$0x13990];
	_ =	sdelay $0x4  }
0x12b: {  	v2 =	vshll.u32 v2, $0x8  }
0x12c: {  	v2 =	vperm.xlane v2, v1;
	_ =	sdelay $0x4  }
0x12d: {  	s6 =	simm.s32 $0x16880  }
0x12e: {  	[tilespmem:s6], [sflag:$0x1] =	stream.indirect_vreg.gather [hbm4b:s8+s2], $0x80, v2, vm0, $0x38;
	[tilespmem:$0x1F180] =	vst v63  }
0x12f: {  	v2 =	vld [tilespmem:s30+$0x139A0];
	_ =	sdelay $0x4  }
0x130: {  	v2 =	vshll.u32 v2, $0x8  }
0x131: {  	v2 =	vperm.xlane v2, v1;
	_ =	sdelay $0x5  }
0x132: {  	[tilespmem:s11], [sflag:$0x1] =	stream.indirect_vreg.gather [hbm4b:s8+s2], $0x80, v2, vm0, $0x38;
	[tilespmem:$0x1F180] =	vst v63  }
0x133: {  	v2 =	vld [tilespmem:s30+$0x139B0];
	_ =	sdelay $0x4  }
0x134: {  	v2 =	vshll.u32 v2, $0x8  }
0x135: {  	v2 =	vperm.xlane v2, v1;
	_ =	sdelay $0x5  }
0x136: {  	[tilespmem:s12], [sflag:$0x1] =	stream.indirect_vreg.gather [hbm4b:s8+s2], $0x80, v2, vm0, $0x38;
	[tilespmem:$0x1F180] =	vst v63  }
0x137: {  	v2 =	vld [tilespmem:s30+$0x139C0];
	_ =	sdelay $0x4  }
0x138: {  	v2 =	vshll.u32 v2, $0x8  }
0x139: {  	v2 =	vperm.xlane v2, v1;
	_ =	sdelay $0x5  }
0x13a: {  	[tilespmem:s15], [sflag:$0x1] =	stream.indirect_vreg.gather [hbm4b:s8+s2], $0x80, v2, vm0, $0x38;
	[tilespmem:$0x1F180] =	vst v63  }
0x13b: {  	v2 =	vld [tilespmem:s30+$0x139D0];
	_ =	sdelay $0x4  }
0x13c: {  	v2 =	vshll.u32 v2, $0x8  }
0x13d: {  	v2 =	vperm.xlane v2, v1;
	_ =	sdelay $0x5  }
0x13e: {  	[tilespmem:s16], [sflag:$0x1] =	stream.indirect_vreg.gather [hbm4b:s8+s2], $0x80, v2, vm0, $0x38;
	[tilespmem:$0x1F180] =	vst v63  }
0x13f: {  	v2 =	vld [tilespmem:s30+$0x139E0];
	_ =	sdelay $0x4  }
0x140: {  	v2 =	vshll.u32 v2, $0x8  }
0x141: {  	v2 =	vperm.xlane v2, v1;
	_ =	sdelay $0x5  }
0x142: {  	[tilespmem:s17], [sflag:$0x1] =	stream.indirect_vreg.gather [hbm4b:s8+s2], $0x80, v2, vm0, $0x38;
	[tilespmem:$0x1F180] =	vst v63  }
0x143: {  	v2 =	vld.msk [tilespmem:s30+$0x139F0], $0x1fff;
	_ =	sdelay $0x4  }
0x144: {  	v2 =	vshll.u32 v2, $0x8  }
0x145: {  	v2 =	vperm.xlane v2, v1;
	_ =	sdelay $0x3  }
.Ltmp8:
0x146: {  	_ = 	snop;
	(pc) =	sbr.rel .LBB2_11-.Ltmp8, $4  }
0x147: {  	_ = 	snop  }
0x148: {  	[tilespmem:s18], [sflag:$0x1] =	stream.indirect_vreg.gather [hbm4b:s8+s2], $0x80, v2, vm1, $0x38;
	[tilespmem:$0x1F180] =	vst v63  }
0x149: {  	s25 =	sadd.s32 $0x400, s25  }
0x14a: {  	[spmem:s1] =	stream.indirect.scatter.add.f32 [tilespmem:s14], [sflag:$0x4], $0x80, s3, s22, $0xb8;
	[tilespmem:$0x1F180] =	vst v63  }
.LBB2_13:
0x14b: {  	[spmem:s1] =	stream.indirect.scatter.add.f32 [tilespmem:s14], [sflag:$0x4], $0x80, s3, s22, $0xb8;
	[tilespmem:$0x1F180] =	vst v63  }
0x14c: {  	s25 =	simm.s32 $0x4  }
0x14d: {  	_ =	swait.ge [sflag:s25], $0x3E80  }
0x14e: {  	[sflag:s25] =	ssyncset.done $0x0  }
0x14f: {  	[sflag:s25] =	ssyncadd.s32 $0xFFFFC180  }
0x150: {  	s29 =	stileid.u32;
	p0 =	sne.s32 s9, $0x1;
	[bflag:$0x0] =	sbarrier.arrive $0xFFFF  }
.Ltmp9:
0x151: {  	s3 =	sshll.u32 s29, $0x6;
	s30 =	rddreg [dreg:$0x12];
	(pc) =	sbr.rel @!p0 .LBB2_15-.Ltmp9, $4  }
0x152: {  	s25 =	sor.u32 $0x1C05, s3;
	s10 =	rddreg [dreg:$0x15];
	s6 =	sshrl.u32 s30, $0x3  }
0x153: {  	s7 =	sshrl.u32 s10, $0x3;
	[dreg:$0x17] =	wrdreg s6;
	s6 =	sadd.s32 s4, s6  }
0x154: {  	[hbm:s6], [sflag:s25] =	dma.local [spmem:s7], $0x500  }
0x155: {  	s6 =	sadd.s32 $0xFFFFFFFF, s9;
	s7 =	smov.u32 s10  }
.LBB2_14:
0x156: {  	p2 =	sne.s32 s6, $0x1  }
.Ltmp10:
0x157: {  	_ = 	snop;
	(pc) =	sbr.rel @p2 .LBB2_14-.Ltmp10, $4  }
0x158: {  	s30 =	sadd.s32 $0x2800, s30  }
0x159: {  	s7 =	sadd.s32 $0x2800, s7;
	s6 =	sadd.s32 $0xFFFFFFFF, s6;
	s9 =	sshrl.u32 s30, $0x3  }
0x15a: {  	s25 =	sor.u32 $0x1C05, s3;
	s10 =	sshrl.u32 s7, $0x3;
	s9 =	sadd.s32 s4, s9  }
0x15b: {  	[hbm:s9], [sflag:s25] =	dma.local [spmem:s10], $0x500  }
.LBB2_15:
.Ltmp11:
0x15c: {  	_ =	swait.ge [sflag:s26], $0x500;
	(pc) =	sbr.rel @!p0 .LBB2_17-.Ltmp11, $4  }
0x15d: {  	s11 =	simm.s32 $0x17880;
	s12 =	simm.s32 $0x18080;
	s15 =	simm.s32 $0x18880  }
0x15e: {  	s16 =	simm.s32 $0x19080;
	s17 =	simm.s32 $0x19880;
	s18 =	simm.s32 $0x1A700  }
0x15f: {  	s19 =	simm.s32 $0x1AF00;
	s24 =	simm.s32 $0x1B700;
	s7 =	rddreg [dreg:$0x13]  }
0x160: {  	s29 =	simm.s32 $0x1BF00;
	[sflag:s26] =	ssyncset.done $0x0;
	s3 =	sadd.s32 $0xFFFFFFFF, s7  }
.LBB2_16:
0x161: {  	p2 =	sne.s32 s3, $0x1;
	s3 =	sadd.s32 $0xFFFFFFFF, s3;
	[sflag:s26] =	ssyncadd.s32 $0xFFFFFB00  }
.Ltmp12:
0x162: {  	(pc) =	sbr.rel @p2 .LBB2_16-.Ltmp12, $3  }
0x163: {  	_ =	sdelay $0x1  }
0x164: {  	_ =	swait.ge [sflag:s26], $0x500  }
0x165: {  	[sflag:s26] =	ssyncset.done $0x0  }
.LBB2_17:
0x166: {  	[sflag:s26] =	ssyncadd.s32 $0xFFFFFB00  }
.Ltmp13:
0x167: {  	[bflag:$0x0] =	sbarrier.arrive $0xFFFF;
	(pc) =	sbr.rel @!p1 .LBB2_19-.Ltmp13, $4  }
0x168: {  	s6 =	rddreg [dreg:$0x15]  }
0x169: {  	s9 =	rddreg [dreg:$0x5]  }
0x16a: {  	[spmem:s6] =	stream.linear.scatter [tilespmem:s28], [sflag:$0x5], $0x1400, $0x38;
	[tilespmem:$0x1F180] =	vst v63  }
0x16b: {  	s10 =	simm.s32 $0x17080;
	s3 =	sadd.s32 $0xFFFFFFFF, s9  }
.LBB2_18:
0x16c: {  	p2 =	sne.s32 s3, $0x1  }
.Ltmp14:
0x16d: {  	_ = 	snop;
	(pc) =	sbr.rel @p2 .LBB2_18-.Ltmp14, $3  }
0x16e: {  	_ = 	snop  }
0x16f: {  	s3 =	sadd.s32 $0xFFFFFFFF, s3;
	s6 =	sadd.s32 $0x1400, s6;
	_ =	sdelay $0x1  }
0x170: {  	[spmem:s6] =	stream.linear.scatter [tilespmem:s28], [sflag:$0x5], $0x1400, $0x38;
	[tilespmem:$0x1F180] =	vst v63  }
.LBB2_19:
.Ltmp15:
0x171: {  	(pc) =	sbr.rel @!p1 .LBB2_21-.Ltmp15, $3  }
0x172: {  	_ =	sdelay $0x1  }
0x173: {  	_ =	swait.ge [sflag:s26], $0x1400  }
0x174: {  	s3 =	sadd.s32 $0xFFFFFFFF, s9;
	[sflag:s26] =	ssyncset.done $0x0  }
.LBB2_20:
0x175: {  	p2 =	sne.s32 s3, $0x1;
	s3 =	sadd.s32 $0xFFFFFFFF, s3;
	[sflag:s26] =	ssyncadd.s32 $0xFFFFEC00  }
.Ltmp16:
0x176: {  	(pc) =	sbr.rel @p2 .LBB2_20-.Ltmp16, $3  }
0x177: {  	_ =	sdelay $0x1  }
0x178: {  	_ =	swait.ge [sflag:s26], $0x1400  }
0x179: {  	[sflag:s26] =	ssyncset.done $0x0  }
.LBB2_21:
0x17a: {  	[sflag:s26] =	ssyncadd.s32 $0xFFFFEC00  }
0x17b: {  	[bflag:$0x0] =	sbarrier.arrive $0xFFFF  }
0x17c: {  	s30 =	simm.s32 $0x0;
	s6 =	simm.s32 $0x13880;
	s3 =	rddreg [dreg:$0xa]  }
0x17d: {  	[tilespmem:s6], [sflag:$0x6] =	stream.linear.gather [hbm4b:s3+s30], $0x1400, $0x38;
	[tilespmem:$0x1F180] =	vst v63  }
0x17e: {  	s6 =	simm.s32 $0x6  }
0x17f: {  	_ =	swait.ge [sflag:s6], $0x1400  }
0x180: {  	[sflag:s6] =	ssyncset.done $0x0  }
0x181: {  	s9 =	simm.s32 $0x14C80;
	s3 =	rddreg [dreg:$0xb];
	[sflag:s6] =	ssyncadd.s32 $0xFFFFEC00  }
0x182: {  	[tilespmem:s9], [sflag:$0x6] =	stream.linear.gather [hbm4b:s3+s30], $0x1400, $0x38;
	[tilespmem:$0x1F180] =	vst v63  }
0x183: {  	_ =	swait.ge [sflag:s6], $0x1400  }
0x184: {  	[sflag:s6] =	ssyncset.done $0x0  }
0x185: {  	[sflag:s6] =	ssyncadd.s32 $0xFFFFEC00  }
0x186: {  	v2 =	vld [tilespmem:$0x13880];
	_ =	sdelay $0x4  }
0x187: {  	v2 =	vshll.u32 v2, $0x8  }
0x188: {  	v2 =	vperm.xlane v2, v1;
	_ =	sdelay $0x5  }
0x189: {  	[tilespmem:s0], [sflag:$0x1] =	stream.indirect_vreg.gather [hbm4b:s13+s30], $0x80, v2, vm0, $0x38;
	[tilespmem:$0x1F180] =	vst v63  }
0x18a: {  	v2 =	vld [tilespmem:$0x13890];
	_ =	sdelay $0x4  }
0x18b: {  	v2 =	vshll.u32 v2, $0x8  }
0x18c: {  	v2 =	vperm.xlane v2, v1;
	_ =	sdelay $0x4  }
0x18d: {  	s9 =	simm.s32 $0x16880  }
0x18e: {  	[tilespmem:s9], [sflag:$0x1] =	stream.indirect_vreg.gather [hbm4b:s13+s30], $0x80, v2, vm0, $0x38;
	[tilespmem:$0x1F180] =	vst v63  }
0x18f: {  	v2 =	vld [tilespmem:$0x138A0];
	_ =	sdelay $0x4  }
0x190: {  	v2 =	vshll.u32 v2, $0x8  }
0x191: {  	v2 =	vperm.xlane v2, v1;
	_ =	sdelay $0x5  }
0x192: {  	[tilespmem:s10], [sflag:$0x1] =	stream.indirect_vreg.gather [hbm4b:s13+s30], $0x80, v2, vm0, $0x38;
	[tilespmem:$0x1F180] =	vst v63  }
0x193: {  	v2 =	vld [tilespmem:$0x138B0];
	_ =	sdelay $0x4  }
0x194: {  	v2 =	vshll.u32 v2, $0x8  }
0x195: {  	v2 =	vperm.xlane v2, v1;
	_ =	sdelay $0x5  }
0x196: {  	[tilespmem:s11], [sflag:$0x1] =	stream.indirect_vreg.gather [hbm4b:s13+s30], $0x80, v2, vm0, $0x38;
	[tilespmem:$0x1F180] =	vst v63  }
0x197: {  	v2 =	vld [tilespmem:$0x138C0];
	_ =	sdelay $0x4  }
0x198: {  	v2 =	vshll.u32 v2, $0x8  }
0x199: {  	v2 =	vperm.xlane v2, v1;
	_ =	sdelay $0x5  }
0x19a: {  	[tilespmem:s12], [sflag:$0x1] =	stream.indirect_vreg.gather [hbm4b:s13+s30], $0x80, v2, vm0, $0x38;
	[tilespmem:$0x1F180] =	vst v63  }
0x19b: {  	v2 =	vld [tilespmem:$0x138D0];
	_ =	sdelay $0x4  }
0x19c: {  	v2 =	vshll.u32 v2, $0x8  }
0x19d: {  	v2 =	vperm.xlane v2, v1;
	_ =	sdelay $0x5  }
0x19e: {  	[tilespmem:s15], [sflag:$0x1] =	stream.indirect_vreg.gather [hbm4b:s13+s30], $0x80, v2, vm0, $0x38;
	[tilespmem:$0x1F180] =	vst v63  }
0x19f: {  	v2 =	vld [tilespmem:$0x138E0];
	_ =	sdelay $0x4  }
0x1a0: {  	v2 =	vshll.u32 v2, $0x8  }
0x1a1: {  	v2 =	vperm.xlane v2, v1;
	_ =	sdelay $0x5  }
0x1a2: {  	[tilespmem:s16], [sflag:$0x1] =	stream.indirect_vreg.gather [hbm4b:s13+s30], $0x80, v2, vm0, $0x38;
	[tilespmem:$0x1F180] =	vst v63  }
0x1a3: {  	v2 =	vld.msk [tilespmem:$0x138F0], $0x1fff;
	_ =	sdelay $0x4  }
0x1a4: {  	v2 =	vshll.u32 v2, $0x8  }
0x1a5: {  	v2 =	vperm.xlane v2, v1;
	_ =	sdelay $0x5  }
0x1a6: {  	[tilespmem:s17], [sflag:$0x1] =	stream.indirect_vreg.gather [hbm4b:s13+s30], $0x80, v2, vm1, $0x38;
	[tilespmem:$0x1F180] =	vst v63  }
.LBB2_22:
0x1a7: {  	p2 =	seq.s32 s30, $0x0  }
0x1a8: {  	s3 =	simm.s32 @!p2 $0x4  }
0x1a9: {  	_ =	swait.ge @!p2 [sflag:s3], $0x3E80  }
0x1aa: {  	[sflag:s3] =	ssyncset.done @!p2 $0x0  }
0x1ab: {  	[sflag:s3] =	ssyncadd.s32 @!p2 $0xFFFFC180;
	s3 =	sshra.s32 s30, $0x2  }
0x1ac: {  	v2 =	vld [tilespmem:s3+$0x13900];
	_ =	sdelay $0x4  }
0x1ad: {  	v2 =	vshll.u32 v2, $0x8  }
0x1ae: {  	v2 =	vperm.xlane v2, v1;
	_ =	sdelay $0x5  }
0x1af: {  	[tilespmem:s14], [sflag:$0x2] =	stream.indirect_vreg.gather [hbm4b:s13+s2], $0x80, v2, vm0, $0x38;
	[tilespmem:$0x1F180] =	vst v63  }
0x1b0: {  	v2 =	vld [tilespmem:s3+$0x13910];
	_ =	sdelay $0x4  }
0x1b1: {  	v2 =	vshll.u32 v2, $0x8  }
0x1b2: {  	v2 =	vperm.xlane v2, v1;
	_ =	sdelay $0x5  }
0x1b3: {  	[tilespmem:s18], [sflag:$0x2] =	stream.indirect_vreg.gather [hbm4b:s13+s2], $0x80, v2, vm0, $0x38;
	[tilespmem:$0x1F180] =	vst v63  }
0x1b4: {  	v2 =	vld [tilespmem:s3+$0x13920];
	_ =	sdelay $0x4  }
0x1b5: {  	v2 =	vshll.u32 v2, $0x8  }
0x1b6: {  	v2 =	vperm.xlane v2, v1;
	_ =	sdelay $0x5  }
0x1b7: {  	[tilespmem:s19], [sflag:$0x2] =	stream.indirect_vreg.gather [hbm4b:s13+s2], $0x80, v2, vm0, $0x38;
	[tilespmem:$0x1F180] =	vst v63  }
0x1b8: {  	v2 =	vld [tilespmem:s3+$0x13930];
	_ =	sdelay $0x4  }
0x1b9: {  	v2 =	vshll.u32 v2, $0x8  }
0x1ba: {  	v2 =	vperm.xlane v2, v1;
	_ =	sdelay $0x5  }
0x1bb: {  	[tilespmem:s24], [sflag:$0x2] =	stream.indirect_vreg.gather [hbm4b:s13+s2], $0x80, v2, vm0, $0x38;
	[tilespmem:$0x1F180] =	vst v63  }
0x1bc: {  	v2 =	vld [tilespmem:s3+$0x13940];
	_ =	sdelay $0x4  }
0x1bd: {  	v2 =	vshll.u32 v2, $0x8  }
0x1be: {  	v2 =	vperm.xlane v2, v1;
	_ =	sdelay $0x5  }
0x1bf: {  	[tilespmem:s29], [sflag:$0x2] =	stream.indirect_vreg.gather [hbm4b:s13+s2], $0x80, v2, vm0, $0x38;
	[tilespmem:$0x1F180] =	vst v63  }
0x1c0: {  	v2 =	vld [tilespmem:s3+$0x13950];
	_ =	sdelay $0x4  }
0x1c1: {  	v2 =	vshll.u32 v2, $0x8  }
0x1c2: {  	v2 =	vperm.xlane v2, v1;
	_ =	sdelay $0x4  }
0x1c3: {  	s6 =	simm.s32 $0x1C700  }
0x1c4: {  	[tilespmem:s6], [sflag:$0x2] =	stream.indirect_vreg.gather [hbm4b:s13+s2], $0x80, v2, vm0, $0x38;
	[tilespmem:$0x1F180] =	vst v63  }
0x1c5: {  	v2 =	vld [tilespmem:s3+$0x13960];
	_ =	sdelay $0x4  }
0x1c6: {  	v2 =	vshll.u32 v2, $0x8  }
0x1c7: {  	v2 =	vperm.xlane v2, v1;
	_ =	sdelay $0x4  }
0x1c8: {  	s6 =	simm.s32 $0x1CF00  }
0x1c9: {  	[tilespmem:s6], [sflag:$0x2] =	stream.indirect_vreg.gather [hbm4b:s13+s2], $0x80, v2, vm0, $0x38;
	[tilespmem:$0x1F180] =	vst v63  }
0x1ca: {  	v2 =	vld.msk [tilespmem:s3+$0x13970], $0x1fff;
	_ =	sdelay $0x4  }
0x1cb: {  	v2 =	vshll.u32 v2, $0x8  }
0x1cc: {  	v2 =	vperm.xlane v2, v1;
	_ =	sdelay $0x4  }
0x1cd: {  	s6 =	simm.s32 $0x1D700  }
0x1ce: {  	[tilespmem:s6], [sflag:$0x2] =	stream.indirect_vreg.gather [hbm4b:s13+s2], $0x80, v2, vm1, $0x38;
	[tilespmem:$0x1F180] =	vst v63  }
0x1cf: {  	_ =	swait.ge [sflag:s31], $0x3E80  }
0x1d0: {  	[sflag:s31] =	ssyncset.done $0x0  }
0x1d1: {  	s6 =	sadd.s32 $0x14C80, s3;
	[sflag:s31] =	ssyncadd.s32 $0xFFFFC180  }
0x1d2: {  	[spmem:s1] =	stream.indirect.scatter.add.f32 [tilespmem:s0], [sflag:$0x3], $0x80, s6, s22, $0xb8;
	[tilespmem:$0x1F180] =	vst v63  }
0x1d3: {  	p2 =	seq.s32 s30, $0x4C00;
	_ =	swait.ge [sflag:s5], $0x3E80  }
.Ltmp17:
0x1d4: {  	[sflag:s5] =	ssyncset.done $0x0;
	(pc) =	sbr.rel @p2 .LBB2_24-.Ltmp17, $4  }
0x1d5: {  	[sflag:s5] =	ssyncadd.s32 $0xFFFFC180  }
0x1d6: {  	_ =	swait.ge [sflag:s23], $0x3E80  }
0x1d7: {  	[sflag:s23] =	ssyncset.done $0x0  }
0x1d8: {  	s6 =	sadd.s32 $0x14D00, s3;
	[sflag:s23] =	ssyncadd.s32 $0xFFFFC180  }
0x1d9: {  	v2 =	vld [tilespmem:s3+$0x13980];
	_ =	sdelay $0x4  }
0x1da: {  	v2 =	vshll.u32 v2, $0x8  }
0x1db: {  	v2 =	vperm.xlane v2, v1;
	_ =	sdelay $0x5  }
0x1dc: {  	[tilespmem:s0], [sflag:$0x1] =	stream.indirect_vreg.gather [hbm4b:s13+s2], $0x80, v2, vm0, $0x38;
	[tilespmem:$0x1F180] =	vst v63  }
0x1dd: {  	v2 =	vld [tilespmem:s3+$0x13990];
	_ =	sdelay $0x4  }
0x1de: {  	v2 =	vshll.u32 v2, $0x8  }
0x1df: {  	v2 =	vperm.xlane v2, v1;
	_ =	sdelay $0x5  }
0x1e0: {  	[tilespmem:s9], [sflag:$0x1] =	stream.indirect_vreg.gather [hbm4b:s13+s2], $0x80, v2, vm0, $0x38;
	[tilespmem:$0x1F180] =	vst v63  }
0x1e1: {  	v2 =	vld [tilespmem:s3+$0x139A0];
	_ =	sdelay $0x4  }
0x1e2: {  	v2 =	vshll.u32 v2, $0x8  }
0x1e3: {  	v2 =	vperm.xlane v2, v1;
	_ =	sdelay $0x5  }
0x1e4: {  	[tilespmem:s10], [sflag:$0x1] =	stream.indirect_vreg.gather [hbm4b:s13+s2], $0x80, v2, vm0, $0x38;
	[tilespmem:$0x1F180] =	vst v63  }
0x1e5: {  	v2 =	vld [tilespmem:s3+$0x139B0];
	_ =	sdelay $0x4  }
0x1e6: {  	v2 =	vshll.u32 v2, $0x8  }
0x1e7: {  	v2 =	vperm.xlane v2, v1;
	_ =	sdelay $0x5  }
0x1e8: {  	[tilespmem:s11], [sflag:$0x1] =	stream.indirect_vreg.gather [hbm4b:s13+s2], $0x80, v2, vm0, $0x38;
	[tilespmem:$0x1F180] =	vst v63  }
0x1e9: {  	v2 =	vld [tilespmem:s3+$0x139C0];
	_ =	sdelay $0x4  }
0x1ea: {  	v2 =	vshll.u32 v2, $0x8  }
0x1eb: {  	v2 =	vperm.xlane v2, v1;
	_ =	sdelay $0x5  }
0x1ec: {  	[tilespmem:s12], [sflag:$0x1] =	stream.indirect_vreg.gather [hbm4b:s13+s2], $0x80, v2, vm0, $0x38;
	[tilespmem:$0x1F180] =	vst v63  }
0x1ed: {  	v2 =	vld [tilespmem:s3+$0x139D0];
	_ =	sdelay $0x4  }
0x1ee: {  	v2 =	vshll.u32 v2, $0x8  }
0x1ef: {  	v2 =	vperm.xlane v2, v1;
	_ =	sdelay $0x5  }
0x1f0: {  	[tilespmem:s15], [sflag:$0x1] =	stream.indirect_vreg.gather [hbm4b:s13+s2], $0x80, v2, vm0, $0x38;
	[tilespmem:$0x1F180] =	vst v63  }
0x1f1: {  	v2 =	vld [tilespmem:s3+$0x139E0];
	_ =	sdelay $0x4  }
0x1f2: {  	v2 =	vshll.u32 v2, $0x8  }
0x1f3: {  	v2 =	vperm.xlane v2, v1;
	_ =	sdelay $0x5  }
0x1f4: {  	[tilespmem:s16], [sflag:$0x1] =	stream.indirect_vreg.gather [hbm4b:s13+s2], $0x80, v2, vm0, $0x38;
	[tilespmem:$0x1F180] =	vst v63  }
0x1f5: {  	v2 =	vld.msk [tilespmem:s3+$0x139F0], $0x1fff;
	_ =	sdelay $0x4  }
0x1f6: {  	v2 =	vshll.u32 v2, $0x8  }
0x1f7: {  	v2 =	vperm.xlane v2, v1;
	_ =	sdelay $0x3  }
.Ltmp18:
0x1f8: {  	_ = 	snop;
	(pc) =	sbr.rel .LBB2_22-.Ltmp18, $4  }
0x1f9: {  	_ = 	snop  }
0x1fa: {  	[tilespmem:s17], [sflag:$0x1] =	stream.indirect_vreg.gather [hbm4b:s13+s2], $0x80, v2, vm1, $0x38;
	[tilespmem:$0x1F180] =	vst v63  }
0x1fb: {  	s30 =	sadd.s32 $0x400, s30  }
0x1fc: {  	[spmem:s1] =	stream.indirect.scatter.add.f32 [tilespmem:s14], [sflag:$0x4], $0x80, s6, s22, $0xb8;
	[tilespmem:$0x1F180] =	vst v63  }
.LBB2_24:
0x1fd: {  	[spmem:s1] =	stream.indirect.scatter.add.f32 [tilespmem:s14], [sflag:$0x4], $0x80, s6, s22, $0xb8;
	[tilespmem:$0x1F180] =	vst v63  }
0x1fe: {  	s3 =	simm.s32 $0x4  }
0x1ff: {  	_ =	swait.ge [sflag:s3], $0x3E80  }
0x200: {  	s30 =	simm.s32 $0x0;
	[sflag:s3] =	ssyncset.done $0x0  }
0x201: {  	s9 =	simm.s32 $0x13880;
	s6 =	rddreg [dreg:$0xc];
	[sflag:s3] =	ssyncadd.s32 $0xFFFFC180  }
0x202: {  	[tilespmem:s9], [sflag:$0x6] =	stream.linear.gather [hbm4b:s6+s30], $0x1400, $0x38;
	[tilespmem:$0x1F180] =	vst v63  }
0x203: {  	s6 =	simm.s32 $0x6  }
0x204: {  	_ =	swait.ge [sflag:s6], $0x1400  }
0x205: {  	[sflag:s6] =	ssyncset.done $0x0  }
0x206: {  	s9 =	simm.s32 $0x14C80;
	s3 =	rddreg [dreg:$0xd];
	[sflag:s6] =	ssyncadd.s32 $0xFFFFEC00  }
0x207: {  	[tilespmem:s9], [sflag:$0x6] =	stream.linear.gather [hbm4b:s3+s30], $0x1400, $0x38;
	[tilespmem:$0x1F180] =	vst v63  }
0x208: {  	_ =	swait.ge [sflag:s6], $0x1400  }
0x209: {  	[sflag:s6] =	ssyncset.done $0x0  }
0x20a: {  	[sflag:s6] =	ssyncadd.s32 $0xFFFFEC00  }
0x20b: {  	v2 =	vld [tilespmem:$0x13880];
	_ =	sdelay $0x4  }
0x20c: {  	v2 =	vshll.u32 v2, $0x8  }
0x20d: {  	v2 =	vperm.xlane v2, v1;
	_ =	sdelay $0x5  }
0x20e: {  	[tilespmem:s0], [sflag:$0x1] =	stream.indirect_vreg.gather [hbm4b:s13+s30], $0x80, v2, vm0, $0x38;
	[tilespmem:$0x1F180] =	vst v63  }
0x20f: {  	v2 =	vld [tilespmem:$0x13890];
	_ =	sdelay $0x4  }
0x210: {  	v2 =	vshll.u32 v2, $0x8  }
0x211: {  	v2 =	vperm.xlane v2, v1;
	_ =	sdelay $0x4  }
0x212: {  	s9 =	simm.s32 $0x16880  }
0x213: {  	[tilespmem:s9], [sflag:$0x1] =	stream.indirect_vreg.gather [hbm4b:s13+s30], $0x80, v2, vm0, $0x38;
	[tilespmem:$0x1F180] =	vst v63  }
0x214: {  	v2 =	vld [tilespmem:$0x138A0];
	_ =	sdelay $0x4  }
0x215: {  	v2 =	vshll.u32 v2, $0x8  }
0x216: {  	v2 =	vperm.xlane v2, v1;
	_ =	sdelay $0x5  }
0x217: {  	[tilespmem:s10], [sflag:$0x1] =	stream.indirect_vreg.gather [hbm4b:s13+s30], $0x80, v2, vm0, $0x38;
	[tilespmem:$0x1F180] =	vst v63  }
0x218: {  	v2 =	vld [tilespmem:$0x138B0];
	_ =	sdelay $0x4  }
0x219: {  	v2 =	vshll.u32 v2, $0x8  }
0x21a: {  	v2 =	vperm.xlane v2, v1;
	_ =	sdelay $0x5  }
0x21b: {  	[tilespmem:s11], [sflag:$0x1] =	stream.indirect_vreg.gather [hbm4b:s13+s30], $0x80, v2, vm0, $0x38;
	[tilespmem:$0x1F180] =	vst v63  }
0x21c: {  	v2 =	vld [tilespmem:$0x138C0];
	_ =	sdelay $0x4  }
0x21d: {  	v2 =	vshll.u32 v2, $0x8  }
0x21e: {  	v2 =	vperm.xlane v2, v1;
	_ =	sdelay $0x5  }
0x21f: {  	[tilespmem:s12], [sflag:$0x1] =	stream.indirect_vreg.gather [hbm4b:s13+s30], $0x80, v2, vm0, $0x38;
	[tilespmem:$0x1F180] =	vst v63  }
0x220: {  	v2 =	vld [tilespmem:$0x138D0];
	_ =	sdelay $0x4  }
0x221: {  	v2 =	vshll.u32 v2, $0x8  }
0x222: {  	v2 =	vperm.xlane v2, v1;
	_ =	sdelay $0x5  }
0x223: {  	[tilespmem:s15], [sflag:$0x1] =	stream.indirect_vreg.gather [hbm4b:s13+s30], $0x80, v2, vm0, $0x38;
	[tilespmem:$0x1F180] =	vst v63  }
0x224: {  	v2 =	vld [tilespmem:$0x138E0];
	_ =	sdelay $0x4  }
0x225: {  	v2 =	vshll.u32 v2, $0x8  }
0x226: {  	v2 =	vperm.xlane v2, v1;
	_ =	sdelay $0x5  }
0x227: {  	[tilespmem:s16], [sflag:$0x1] =	stream.indirect_vreg.gather [hbm4b:s13+s30], $0x80, v2, vm0, $0x38;
	[tilespmem:$0x1F180] =	vst v63  }
0x228: {  	v2 =	vld.msk [tilespmem:$0x138F0], $0x1fff;
	_ =	sdelay $0x4  }
0x229: {  	v2 =	vshll.u32 v2, $0x8  }
0x22a: {  	v2 =	vperm.xlane v2, v1;
	_ =	sdelay $0x5  }
0x22b: {  	[tilespmem:s17], [sflag:$0x1] =	stream.indirect_vreg.gather [hbm4b:s13+s30], $0x80, v2, vm1, $0x38;
	[tilespmem:$0x1F180] =	vst v63  }
.LBB2_25:
0x22c: {  	p2 =	seq.s32 s30, $0x0  }
0x22d: {  	s3 =	simm.s32 @!p2 $0x4  }
0x22e: {  	_ =	swait.ge @!p2 [sflag:s3], $0x3E80  }
0x22f: {  	[sflag:s3] =	ssyncset.done @!p2 $0x0  }
0x230: {  	[sflag:s3] =	ssyncadd.s32 @!p2 $0xFFFFC180;
	s3 =	sshra.s32 s30, $0x2  }
0x231: {  	v2 =	vld [tilespmem:s3+$0x13900];
	_ =	sdelay $0x4  }
0x232: {  	v2 =	vshll.u32 v2, $0x8  }
0x233: {  	v2 =	vperm.xlane v2, v1;
	_ =	sdelay $0x5  }
0x234: {  	[tilespmem:s14], [sflag:$0x2] =	stream.indirect_vreg.gather [hbm4b:s13+s2], $0x80, v2, vm0, $0x38;
	[tilespmem:$0x1F180] =	vst v63  }
0x235: {  	v2 =	vld [tilespmem:s3+$0x13910];
	_ =	sdelay $0x4  }
0x236: {  	v2 =	vshll.u32 v2, $0x8  }
0x237: {  	v2 =	vperm.xlane v2, v1;
	_ =	sdelay $0x5  }
0x238: {  	[tilespmem:s18], [sflag:$0x2] =	stream.indirect_vreg.gather [hbm4b:s13+s2], $0x80, v2, vm0, $0x38;
	[tilespmem:$0x1F180] =	vst v63  }
0x239: {  	v2 =	vld [tilespmem:s3+$0x13920];
	_ =	sdelay $0x4  }
0x23a: {  	v2 =	vshll.u32 v2, $0x8  }
0x23b: {  	v2 =	vperm.xlane v2, v1;
	_ =	sdelay $0x5  }
0x23c: {  	[tilespmem:s19], [sflag:$0x2] =	stream.indirect_vreg.gather [hbm4b:s13+s2], $0x80, v2, vm0, $0x38;
	[tilespmem:$0x1F180] =	vst v63  }
0x23d: {  	v2 =	vld [tilespmem:s3+$0x13930];
	_ =	sdelay $0x4  }
0x23e: {  	v2 =	vshll.u32 v2, $0x8  }
0x23f: {  	v2 =	vperm.xlane v2, v1;
	_ =	sdelay $0x5  }
0x240: {  	[tilespmem:s24], [sflag:$0x2] =	stream.indirect_vreg.gather [hbm4b:s13+s2], $0x80, v2, vm0, $0x38;
	[tilespmem:$0x1F180] =	vst v63  }
0x241: {  	v2 =	vld [tilespmem:s3+$0x13940];
	_ =	sdelay $0x4  }
0x242: {  	v2 =	vshll.u32 v2, $0x8  }
0x243: {  	v2 =	vperm.xlane v2, v1;
	_ =	sdelay $0x5  }
0x244: {  	[tilespmem:s29], [sflag:$0x2] =	stream.indirect_vreg.gather [hbm4b:s13+s2], $0x80, v2, vm0, $0x38;
	[tilespmem:$0x1F180] =	vst v63  }
0x245: {  	v2 =	vld [tilespmem:s3+$0x13950];
	_ =	sdelay $0x4  }
0x246: {  	v2 =	vshll.u32 v2, $0x8  }
0x247: {  	v2 =	vperm.xlane v2, v1;
	_ =	sdelay $0x4  }
0x248: {  	s6 =	simm.s32 $0x1C700  }
0x249: {  	[tilespmem:s6], [sflag:$0x2] =	stream.indirect_vreg.gather [hbm4b:s13+s2], $0x80, v2, vm0, $0x38;
	[tilespmem:$0x1F180] =	vst v63  }
0x24a: {  	v2 =	vld [tilespmem:s3+$0x13960];
	_ =	sdelay $0x4  }
0x24b: {  	v2 =	vshll.u32 v2, $0x8  }
0x24c: {  	v2 =	vperm.xlane v2, v1;
	_ =	sdelay $0x4  }
0x24d: {  	s6 =	simm.s32 $0x1CF00  }
0x24e: {  	[tilespmem:s6], [sflag:$0x2] =	stream.indirect_vreg.gather [hbm4b:s13+s2], $0x80, v2, vm0, $0x38;
	[tilespmem:$0x1F180] =	vst v63  }
0x24f: {  	v2 =	vld.msk [tilespmem:s3+$0x13970], $0x1fff;
	_ =	sdelay $0x4  }
0x250: {  	v2 =	vshll.u32 v2, $0x8  }
0x251: {  	v2 =	vperm.xlane v2, v1;
	_ =	sdelay $0x4  }
0x252: {  	s6 =	simm.s32 $0x1D700  }
0x253: {  	[tilespmem:s6], [sflag:$0x2] =	stream.indirect_vreg.gather [hbm4b:s13+s2], $0x80, v2, vm1, $0x38;
	[tilespmem:$0x1F180] =	vst v63  }
0x254: {  	_ =	swait.ge [sflag:s31], $0x3E80  }
0x255: {  	[sflag:s31] =	ssyncset.done $0x0  }
0x256: {  	s6 =	sadd.s32 $0x14C80, s3;
	[sflag:s31] =	ssyncadd.s32 $0xFFFFC180  }
0x257: {  	[spmem:s1] =	stream.indirect.scatter.add.f32 [tilespmem:s0], [sflag:$0x3], $0x80, s6, s22, $0xb8;
	[tilespmem:$0x1F180] =	vst v63  }
0x258: {  	p2 =	seq.s32 s30, $0x4C00;
	_ =	swait.ge [sflag:s5], $0x3E80  }
.Ltmp19:
0x259: {  	[sflag:s5] =	ssyncset.done $0x0;
	(pc) =	sbr.rel @p2 .LBB2_27-.Ltmp19, $4  }
0x25a: {  	[sflag:s5] =	ssyncadd.s32 $0xFFFFC180  }
0x25b: {  	_ =	swait.ge [sflag:s23], $0x3E80  }
0x25c: {  	[sflag:s23] =	ssyncset.done $0x0  }
0x25d: {  	s6 =	sadd.s32 $0x14D00, s3;
	[sflag:s23] =	ssyncadd.s32 $0xFFFFC180  }
0x25e: {  	v2 =	vld [tilespmem:s3+$0x13980];
	_ =	sdelay $0x4  }
0x25f: {  	v2 =	vshll.u32 v2, $0x8  }
0x260: {  	v2 =	vperm.xlane v2, v1;
	_ =	sdelay $0x5  }
0x261: {  	[tilespmem:s0], [sflag:$0x1] =	stream.indirect_vreg.gather [hbm4b:s13+s2], $0x80, v2, vm0, $0x38;
	[tilespmem:$0x1F180] =	vst v63  }
0x262: {  	v2 =	vld [tilespmem:s3+$0x13990];
	_ =	sdelay $0x4  }
0x263: {  	v2 =	vshll.u32 v2, $0x8  }
0x264: {  	v2 =	vperm.xlane v2, v1;
	_ =	sdelay $0x5  }
0x265: {  	[tilespmem:s9], [sflag:$0x1] =	stream.indirect_vreg.gather [hbm4b:s13+s2], $0x80, v2, vm0, $0x38;
	[tilespmem:$0x1F180] =	vst v63  }
0x266: {  	v2 =	vld [tilespmem:s3+$0x139A0];
	_ =	sdelay $0x4  }
0x267: {  	v2 =	vshll.u32 v2, $0x8  }
0x268: {  	v2 =	vperm.xlane v2, v1;
	_ =	sdelay $0x5  }
0x269: {  	[tilespmem:s10], [sflag:$0x1] =	stream.indirect_vreg.gather [hbm4b:s13+s2], $0x80, v2, vm0, $0x38;
	[tilespmem:$0x1F180] =	vst v63  }
0x26a: {  	v2 =	vld [tilespmem:s3+$0x139B0];
	_ =	sdelay $0x4  }
0x26b: {  	v2 =	vshll.u32 v2, $0x8  }
0x26c: {  	v2 =	vperm.xlane v2, v1;
	_ =	sdelay $0x5  }
0x26d: {  	[tilespmem:s11], [sflag:$0x1] =	stream.indirect_vreg.gather [hbm4b:s13+s2], $0x80, v2, vm0, $0x38;
	[tilespmem:$0x1F180] =	vst v63  }
0x26e: {  	v2 =	vld [tilespmem:s3+$0x139C0];
	_ =	sdelay $0x4  }
0x26f: {  	v2 =	vshll.u32 v2, $0x8  }
0x270: {  	v2 =	vperm.xlane v2, v1;
	_ =	sdelay $0x5  }
0x271: {  	[tilespmem:s12], [sflag:$0x1] =	stream.indirect_vreg.gather [hbm4b:s13+s2], $0x80, v2, vm0, $0x38;
	[tilespmem:$0x1F180] =	vst v63  }
0x272: {  	v2 =	vld [tilespmem:s3+$0x139D0];
	_ =	sdelay $0x4  }
0x273: {  	v2 =	vshll.u32 v2, $0x8  }
0x274: {  	v2 =	vperm.xlane v2, v1;
	_ =	sdelay $0x5  }
0x275: {  	[tilespmem:s15], [sflag:$0x1] =	stream.indirect_vreg.gather [hbm4b:s13+s2], $0x80, v2, vm0, $0x38;
	[tilespmem:$0x1F180] =	vst v63  }
0x276: {  	v2 =	vld [tilespmem:s3+$0x139E0];
	_ =	sdelay $0x4  }
0x277: {  	v2 =	vshll.u32 v2, $0x8  }
0x278: {  	v2 =	vperm.xlane v2, v1;
	_ =	sdelay $0x5  }
0x279: {  	[tilespmem:s16], [sflag:$0x1] =	stream.indirect_vreg.gather [hbm4b:s13+s2], $0x80, v2, vm0, $0x38;
	[tilespmem:$0x1F180] =	vst v63  }
0x27a: {  	v2 =	vld.msk [tilespmem:s3+$0x139F0], $0x1fff;
	_ =	sdelay $0x4  }
0x27b: {  	v2 =	vshll.u32 v2, $0x8  }
0x27c: {  	v2 =	vperm.xlane v2, v1;
	_ =	sdelay $0x3  }
.Ltmp20:
0x27d: {  	_ = 	snop;
	(pc) =	sbr.rel .LBB2_25-.Ltmp20, $4  }
0x27e: {  	_ = 	snop  }
0x27f: {  	[tilespmem:s17], [sflag:$0x1] =	stream.indirect_vreg.gather [hbm4b:s13+s2], $0x80, v2, vm1, $0x38;
	[tilespmem:$0x1F180] =	vst v63  }
0x280: {  	s30 =	sadd.s32 $0x400, s30  }
0x281: {  	[spmem:s1] =	stream.indirect.scatter.add.f32 [tilespmem:s14], [sflag:$0x4], $0x80, s6, s22, $0xb8;
	[tilespmem:$0x1F180] =	vst v63  }
.LBB2_27:
0x282: {  	[spmem:s1] =	stream.indirect.scatter.add.f32 [tilespmem:s14], [sflag:$0x4], $0x80, s6, s22, $0xb8;
	[tilespmem:$0x1F180] =	vst v63  }
0x283: {  	s3 =	simm.s32 $0x4  }
0x284: {  	_ =	swait.ge [sflag:s3], $0x3E80  }
0x285: {  	[sflag:s3] =	ssyncset.done $0x0  }
0x286: {  	[sflag:s3] =	ssyncadd.s32 $0xFFFFC180  }
.Ltmp21:
0x287: {  	[bflag:$0x0] =	sbarrier.arrive $0xFFFF;
	(pc) =	sbr.rel @!p0 .LBB2_29-.Ltmp21, $4  }
0x288: {  	s9 =	rddreg [dreg:$0x15]  }
0x289: {  	s3 =	sadd.s32 $0xFFFFFFFF, s7;
	s7 =	rddreg [dreg:$0x17]  }
0x28a: {  	s30 =	rddreg [dreg:$0x12];
	s6 =	sadd.s32 $0x2800, s9  }
0x28b: {  	s7 =	sadd.s32 s20, s7;
	s9 =	sshrl.u32 s9, $0x3;
	s30 =	sadd.s32 $0x2800, s30  }
.LBB2_28:
0x28c: {  	[hbm:s7], [sflag:s25] =	dma.local [spmem:s9], $0x500  }
0x28d: {  	p2 =	sne.s32 s3, $0x1  }
.Ltmp22:
0x28e: {  	s3 =	sadd.s32 $0xFFFFFFFF, s3;
	(pc) =	sbr.rel @p2 .LBB2_28-.Ltmp22, $3  }
0x28f: {  	s9 =	smov.u32 s6;
	_ =	sdelay $0x1  }
0x290: {  	s7 =	sshrl.u32 s30, $0x3;
	s6 =	sadd.s32 $0x2800, s6  }
0x291: {  	s30 =	sadd.s32 $0x2800, s30;
	s7 =	sadd.s32 s20, s7;
	s9 =	sshrl.u32 s9, $0x3  }
.LBB2_29:
.Ltmp23:
0x292: {  	(pc) =	sbr.rel @!p0 .LBB2_31-.Ltmp23, $4  }
0x293: {  	[hbm:s7], [sflag:s25] =	dma.local [spmem:s9], $0x500  }
0x294: {  	_ =	swait.ge [sflag:s26], $0x500  }
0x295: {  	s7 =	rddreg [dreg:$0x13]  }
0x296: {  	[sflag:s26] =	ssyncset.done $0x0;
	s3 =	sadd.s32 $0xFFFFFFFF, s7  }
.LBB2_30:
0x297: {  	p2 =	sne.s32 s3, $0x1;
	s3 =	sadd.s32 $0xFFFFFFFF, s3;
	[sflag:s26] =	ssyncadd.s32 $0xFFFFFB00  }
.Ltmp24:
0x298: {  	(pc) =	sbr.rel @p2 .LBB2_30-.Ltmp24, $3  }
0x299: {  	_ =	sdelay $0x1  }
0x29a: {  	_ =	swait.ge [sflag:s26], $0x500  }
0x29b: {  	[sflag:s26] =	ssyncset.done $0x0  }
.LBB2_31:
0x29c: {  	[sflag:s26] =	ssyncadd.s32 $0xFFFFFB00  }
.Ltmp25:
0x29d: {  	[bflag:$0x0] =	sbarrier.arrive $0xFFFF;
	(pc) =	sbr.rel @!p1 .LBB2_33-.Ltmp25, $4  }
0x29e: {  	s6 =	rddreg [dreg:$0x15]  }
0x29f: {  	s9 =	rddreg [dreg:$0x5]  }
0x2a0: {  	[spmem:s6] =	stream.linear.scatter [tilespmem:s28], [sflag:$0x5], $0x1400, $0x38;
	[tilespmem:$0x1F180] =	vst v63  }
0x2a1: {  	s3 =	sadd.s32 $0xFFFFFFFF, s9  }
.LBB2_32:
0x2a2: {  	p2 =	sne.s32 s3, $0x1  }
.Ltmp26:
0x2a3: {  	_ = 	snop;
	(pc) =	sbr.rel @p2 .LBB2_32-.Ltmp26, $3  }
0x2a4: {  	_ = 	snop  }
0x2a5: {  	s3 =	sadd.s32 $0xFFFFFFFF, s3;
	s6 =	sadd.s32 $0x1400, s6;
	_ =	sdelay $0x1  }
0x2a6: {  	[spmem:s6] =	stream.linear.scatter [tilespmem:s28], [sflag:$0x5], $0x1400, $0x38;
	[tilespmem:$0x1F180] =	vst v63  }
.LBB2_33:
.Ltmp27:
0x2a7: {  	(pc) =	sbr.rel @!p1 .LBB2_35-.Ltmp27, $3  }
0x2a8: {  	_ =	sdelay $0x1  }
0x2a9: {  	_ =	swait.ge [sflag:s26], $0x1400  }
0x2aa: {  	s3 =	sadd.s32 $0xFFFFFFFF, s9;
	[sflag:s26] =	ssyncset.done $0x0  }
.LBB2_34:
0x2ab: {  	p1 =	sne.s32 s3, $0x1;
	s3 =	sadd.s32 $0xFFFFFFFF, s3;
	[sflag:s26] =	ssyncadd.s32 $0xFFFFEC00  }
.Ltmp28:
0x2ac: {  	(pc) =	sbr.rel @p1 .LBB2_34-.Ltmp28, $3  }
0x2ad: {  	_ =	sdelay $0x1  }
0x2ae: {  	_ =	swait.ge [sflag:s26], $0x1400  }
0x2af: {  	[sflag:s26] =	ssyncset.done $0x0  }
.LBB2_35:
0x2b0: {  	[sflag:s26] =	ssyncadd.s32 $0xFFFFEC00  }
0x2b1: {  	[bflag:$0x0] =	sbarrier.arrive $0xFFFF  }
0x2b2: {  	s30 =	simm.s32 $0x0;
	s6 =	simm.s32 $0x13880;
	s3 =	rddreg [dreg:$0xe]  }
0x2b3: {  	[tilespmem:s6], [sflag:$0x6] =	stream.linear.gather [hbm4b:s3+s30], $0x1400, $0x38;
	[tilespmem:$0x1F180] =	vst v63  }
0x2b4: {  	s6 =	simm.s32 $0x6  }
0x2b5: {  	_ =	swait.ge [sflag:s6], $0x1400  }
0x2b6: {  	[sflag:s6] =	ssyncset.done $0x0  }
0x2b7: {  	s9 =	simm.s32 $0x14C80;
	s3 =	rddreg [dreg:$0xf];
	[sflag:s6] =	ssyncadd.s32 $0xFFFFEC00  }
0x2b8: {  	[tilespmem:s9], [sflag:$0x6] =	stream.linear.gather [hbm4b:s3+s30], $0x1400, $0x38;
	[tilespmem:$0x1F180] =	vst v63  }
0x2b9: {  	_ =	swait.ge [sflag:s6], $0x1400  }
0x2ba: {  	[sflag:s6] =	ssyncset.done $0x0  }
0x2bb: {  	[sflag:s6] =	ssyncadd.s32 $0xFFFFEC00  }
0x2bc: {  	v2 =	vld [tilespmem:$0x13880];
	_ =	sdelay $0x4  }
0x2bd: {  	v2 =	vshll.u32 v2, $0x8  }
0x2be: {  	v2 =	vperm.xlane v2, v1;
	_ =	sdelay $0x5  }
0x2bf: {  	[tilespmem:s0], [sflag:$0x1] =	stream.indirect_vreg.gather [hbm4b:s13+s30], $0x80, v2, vm0, $0x38;
	[tilespmem:$0x1F180] =	vst v63  }
0x2c0: {  	v2 =	vld [tilespmem:$0x13890];
	_ =	sdelay $0x4  }
0x2c1: {  	v2 =	vshll.u32 v2, $0x8  }
0x2c2: {  	v2 =	vperm.xlane v2, v1;
	_ =	sdelay $0x4  }
0x2c3: {  	s9 =	simm.s32 $0x16880  }
0x2c4: {  	[tilespmem:s9], [sflag:$0x1] =	stream.indirect_vreg.gather [hbm4b:s13+s30], $0x80, v2, vm0, $0x38;
	[tilespmem:$0x1F180] =	vst v63  }
0x2c5: {  	v2 =	vld [tilespmem:$0x138A0];
	_ =	sdelay $0x4  }
0x2c6: {  	v2 =	vshll.u32 v2, $0x8  }
0x2c7: {  	v2 =	vperm.xlane v2, v1;
	_ =	sdelay $0x5  }
0x2c8: {  	[tilespmem:s10], [sflag:$0x1] =	stream.indirect_vreg.gather [hbm4b:s13+s30], $0x80, v2, vm0, $0x38;
	[tilespmem:$0x1F180] =	vst v63  }
0x2c9: {  	v2 =	vld [tilespmem:$0x138B0];
	_ =	sdelay $0x4  }
0x2ca: {  	v2 =	vshll.u32 v2, $0x8  }
0x2cb: {  	v2 =	vperm.xlane v2, v1;
	_ =	sdelay $0x5  }
0x2cc: {  	[tilespmem:s11], [sflag:$0x1] =	stream.indirect_vreg.gather [hbm4b:s13+s30], $0x80, v2, vm0, $0x38;
	[tilespmem:$0x1F180] =	vst v63  }
0x2cd: {  	v2 =	vld [tilespmem:$0x138C0];
	_ =	sdelay $0x4  }
0x2ce: {  	v2 =	vshll.u32 v2, $0x8  }
0x2cf: {  	v2 =	vperm.xlane v2, v1;
	_ =	sdelay $0x5  }
0x2d0: {  	[tilespmem:s12], [sflag:$0x1] =	stream.indirect_vreg.gather [hbm4b:s13+s30], $0x80, v2, vm0, $0x38;
	[tilespmem:$0x1F180] =	vst v63  }
0x2d1: {  	v2 =	vld [tilespmem:$0x138D0];
	_ =	sdelay $0x4  }
0x2d2: {  	v2 =	vshll.u32 v2, $0x8  }
0x2d3: {  	v2 =	vperm.xlane v2, v1;
	_ =	sdelay $0x5  }
0x2d4: {  	[tilespmem:s15], [sflag:$0x1] =	stream.indirect_vreg.gather [hbm4b:s13+s30], $0x80, v2, vm0, $0x38;
	[tilespmem:$0x1F180] =	vst v63  }
0x2d5: {  	v2 =	vld [tilespmem:$0x138E0];
	_ =	sdelay $0x4  }
0x2d6: {  	v2 =	vshll.u32 v2, $0x8  }
0x2d7: {  	v2 =	vperm.xlane v2, v1;
	_ =	sdelay $0x5  }
0x2d8: {  	[tilespmem:s16], [sflag:$0x1] =	stream.indirect_vreg.gather [hbm4b:s13+s30], $0x80, v2, vm0, $0x38;
	[tilespmem:$0x1F180] =	vst v63  }
0x2d9: {  	v2 =	vld.msk [tilespmem:$0x138F0], $0x1fff;
	_ =	sdelay $0x4  }
0x2da: {  	v2 =	vshll.u32 v2, $0x8  }
0x2db: {  	v2 =	vperm.xlane v2, v1;
	_ =	sdelay $0x5  }
0x2dc: {  	[tilespmem:s17], [sflag:$0x1] =	stream.indirect_vreg.gather [hbm4b:s13+s30], $0x80, v2, vm1, $0x38;
	[tilespmem:$0x1F180] =	vst v63  }
.LBB2_36:
0x2dd: {  	p1 =	seq.s32 s30, $0x0  }
0x2de: {  	s3 =	simm.s32 @!p1 $0x4  }
0x2df: {  	_ =	swait.ge @!p1 [sflag:s3], $0x3E80  }
0x2e0: {  	[sflag:s3] =	ssyncset.done @!p1 $0x0  }
0x2e1: {  	[sflag:s3] =	ssyncadd.s32 @!p1 $0xFFFFC180;
	s3 =	sshra.s32 s30, $0x2  }
0x2e2: {  	v2 =	vld [tilespmem:s3+$0x13900];
	_ =	sdelay $0x4  }
0x2e3: {  	v2 =	vshll.u32 v2, $0x8  }
0x2e4: {  	v2 =	vperm.xlane v2, v1;
	_ =	sdelay $0x5  }
0x2e5: {  	[tilespmem:s14], [sflag:$0x2] =	stream.indirect_vreg.gather [hbm4b:s13+s2], $0x80, v2, vm0, $0x38;
	[tilespmem:$0x1F180] =	vst v63  }
0x2e6: {  	v2 =	vld [tilespmem:s3+$0x13910];
	_ =	sdelay $0x4  }
0x2e7: {  	v2 =	vshll.u32 v2, $0x8  }
0x2e8: {  	v2 =	vperm.xlane v2, v1;
	_ =	sdelay $0x5  }
0x2e9: {  	[tilespmem:s18], [sflag:$0x2] =	stream.indirect_vreg.gather [hbm4b:s13+s2], $0x80, v2, vm0, $0x38;
	[tilespmem:$0x1F180] =	vst v63  }
0x2ea: {  	v2 =	vld [tilespmem:s3+$0x13920];
	_ =	sdelay $0x4  }
0x2eb: {  	v2 =	vshll.u32 v2, $0x8  }
0x2ec: {  	v2 =	vperm.xlane v2, v1;
	_ =	sdelay $0x5  }
0x2ed: {  	[tilespmem:s19], [sflag:$0x2] =	stream.indirect_vreg.gather [hbm4b:s13+s2], $0x80, v2, vm0, $0x38;
	[tilespmem:$0x1F180] =	vst v63  }
0x2ee: {  	v2 =	vld [tilespmem:s3+$0x13930];
	_ =	sdelay $0x4  }
0x2ef: {  	v2 =	vshll.u32 v2, $0x8  }
0x2f0: {  	v2 =	vperm.xlane v2, v1;
	_ =	sdelay $0x5  }
0x2f1: {  	[tilespmem:s24], [sflag:$0x2] =	stream.indirect_vreg.gather [hbm4b:s13+s2], $0x80, v2, vm0, $0x38;
	[tilespmem:$0x1F180] =	vst v63  }
0x2f2: {  	v2 =	vld [tilespmem:s3+$0x13940];
	_ =	sdelay $0x4  }
0x2f3: {  	v2 =	vshll.u32 v2, $0x8  }
0x2f4: {  	v2 =	vperm.xlane v2, v1;
	_ =	sdelay $0x5  }
0x2f5: {  	[tilespmem:s29], [sflag:$0x2] =	stream.indirect_vreg.gather [hbm4b:s13+s2], $0x80, v2, vm0, $0x38;
	[tilespmem:$0x1F180] =	vst v63  }
0x2f6: {  	v2 =	vld [tilespmem:s3+$0x13950];
	_ =	sdelay $0x4  }
0x2f7: {  	v2 =	vshll.u32 v2, $0x8  }
0x2f8: {  	v2 =	vperm.xlane v2, v1;
	_ =	sdelay $0x4  }
0x2f9: {  	s6 =	simm.s32 $0x1C700  }
0x2fa: {  	[tilespmem:s6], [sflag:$0x2] =	stream.indirect_vreg.gather [hbm4b:s13+s2], $0x80, v2, vm0, $0x38;
	[tilespmem:$0x1F180] =	vst v63  }
0x2fb: {  	v2 =	vld [tilespmem:s3+$0x13960];
	_ =	sdelay $0x4  }
0x2fc: {  	v2 =	vshll.u32 v2, $0x8  }
0x2fd: {  	v2 =	vperm.xlane v2, v1;
	_ =	sdelay $0x4  }
0x2fe: {  	s6 =	simm.s32 $0x1CF00  }
0x2ff: {  	[tilespmem:s6], [sflag:$0x2] =	stream.indirect_vreg.gather [hbm4b:s13+s2], $0x80, v2, vm0, $0x38;
	[tilespmem:$0x1F180] =	vst v63  }
0x300: {  	v2 =	vld.msk [tilespmem:s3+$0x13970], $0x1fff;
	_ =	sdelay $0x4  }
0x301: {  	v2 =	vshll.u32 v2, $0x8  }
0x302: {  	v2 =	vperm.xlane v2, v1;
	_ =	sdelay $0x4  }
0x303: {  	s6 =	simm.s32 $0x1D700  }
0x304: {  	[tilespmem:s6], [sflag:$0x2] =	stream.indirect_vreg.gather [hbm4b:s13+s2], $0x80, v2, vm1, $0x38;
	[tilespmem:$0x1F180] =	vst v63  }
0x305: {  	_ =	swait.ge [sflag:s31], $0x3E80  }
0x306: {  	[sflag:s31] =	ssyncset.done $0x0  }
0x307: {  	s6 =	sadd.s32 $0x14C80, s3;
	[sflag:s31] =	ssyncadd.s32 $0xFFFFC180  }
0x308: {  	[spmem:s1] =	stream.indirect.scatter.add.f32 [tilespmem:s0], [sflag:$0x3], $0x80, s6, s22, $0xb8;
	[tilespmem:$0x1F180] =	vst v63  }
0x309: {  	p1 =	seq.s32 s30, $0x4C00;
	_ =	swait.ge [sflag:s5], $0x3E80  }
.Ltmp29:
0x30a: {  	[sflag:s5] =	ssyncset.done $0x0;
	(pc) =	sbr.rel @p1 .LBB2_38-.Ltmp29, $4  }
0x30b: {  	[sflag:s5] =	ssyncadd.s32 $0xFFFFC180  }
0x30c: {  	_ =	swait.ge [sflag:s23], $0x3E80  }
0x30d: {  	[sflag:s23] =	ssyncset.done $0x0  }
0x30e: {  	s6 =	sadd.s32 $0x14D00, s3;
	[sflag:s23] =	ssyncadd.s32 $0xFFFFC180  }
0x30f: {  	v2 =	vld [tilespmem:s3+$0x13980];
	_ =	sdelay $0x4  }
0x310: {  	v2 =	vshll.u32 v2, $0x8  }
0x311: {  	v2 =	vperm.xlane v2, v1;
	_ =	sdelay $0x5  }
0x312: {  	[tilespmem:s0], [sflag:$0x1] =	stream.indirect_vreg.gather [hbm4b:s13+s2], $0x80, v2, vm0, $0x38;
	[tilespmem:$0x1F180] =	vst v63  }
0x313: {  	v2 =	vld [tilespmem:s3+$0x13990];
	_ =	sdelay $0x4  }
0x314: {  	v2 =	vshll.u32 v2, $0x8  }
0x315: {  	v2 =	vperm.xlane v2, v1;
	_ =	sdelay $0x5  }
0x316: {  	[tilespmem:s9], [sflag:$0x1] =	stream.indirect_vreg.gather [hbm4b:s13+s2], $0x80, v2, vm0, $0x38;
	[tilespmem:$0x1F180] =	vst v63  }
0x317: {  	v2 =	vld [tilespmem:s3+$0x139A0];
	_ =	sdelay $0x4  }
0x318: {  	v2 =	vshll.u32 v2, $0x8  }
0x319: {  	v2 =	vperm.xlane v2, v1;
	_ =	sdelay $0x5  }
0x31a: {  	[tilespmem:s10], [sflag:$0x1] =	stream.indirect_vreg.gather [hbm4b:s13+s2], $0x80, v2, vm0, $0x38;
	[tilespmem:$0x1F180] =	vst v63  }
0x31b: {  	v2 =	vld [tilespmem:s3+$0x139B0];
	_ =	sdelay $0x4  }
0x31c: {  	v2 =	vshll.u32 v2, $0x8  }
0x31d: {  	v2 =	vperm.xlane v2, v1;
	_ =	sdelay $0x5  }
0x31e: {  	[tilespmem:s11], [sflag:$0x1] =	stream.indirect_vreg.gather [hbm4b:s13+s2], $0x80, v2, vm0, $0x38;
	[tilespmem:$0x1F180] =	vst v63  }
0x31f: {  	v2 =	vld [tilespmem:s3+$0x139C0];
	_ =	sdelay $0x4  }
0x320: {  	v2 =	vshll.u32 v2, $0x8  }
0x321: {  	v2 =	vperm.xlane v2, v1;
	_ =	sdelay $0x5  }
0x322: {  	[tilespmem:s12], [sflag:$0x1] =	stream.indirect_vreg.gather [hbm4b:s13+s2], $0x80, v2, vm0, $0x38;
	[tilespmem:$0x1F180] =	vst v63  }
0x323: {  	v2 =	vld [tilespmem:s3+$0x139D0];
	_ =	sdelay $0x4  }
0x324: {  	v2 =	vshll.u32 v2, $0x8  }
0x325: {  	v2 =	vperm.xlane v2, v1;
	_ =	sdelay $0x5  }
0x326: {  	[tilespmem:s15], [sflag:$0x1] =	stream.indirect_vreg.gather [hbm4b:s13+s2], $0x80, v2, vm0, $0x38;
	[tilespmem:$0x1F180] =	vst v63  }
0x327: {  	v2 =	vld [tilespmem:s3+$0x139E0];
	_ =	sdelay $0x4  }
0x328: {  	v2 =	vshll.u32 v2, $0x8  }
0x329: {  	v2 =	vperm.xlane v2, v1;
	_ =	sdelay $0x5  }
0x32a: {  	[tilespmem:s16], [sflag:$0x1] =	stream.indirect_vreg.gather [hbm4b:s13+s2], $0x80, v2, vm0, $0x38;
	[tilespmem:$0x1F180] =	vst v63  }
0x32b: {  	v2 =	vld.msk [tilespmem:s3+$0x139F0], $0x1fff;
	_ =	sdelay $0x4  }
0x32c: {  	v2 =	vshll.u32 v2, $0x8  }
0x32d: {  	v2 =	vperm.xlane v2, v1;
	_ =	sdelay $0x3  }
.Ltmp30:
0x32e: {  	_ = 	snop;
	(pc) =	sbr.rel .LBB2_36-.Ltmp30, $4  }
0x32f: {  	_ = 	snop  }
0x330: {  	[tilespmem:s17], [sflag:$0x1] =	stream.indirect_vreg.gather [hbm4b:s13+s2], $0x80, v2, vm1, $0x38;
	[tilespmem:$0x1F180] =	vst v63  }
0x331: {  	s30 =	sadd.s32 $0x400, s30  }
0x332: {  	[spmem:s1] =	stream.indirect.scatter.add.f32 [tilespmem:s14], [sflag:$0x4], $0x80, s6, s22, $0xb8;
	[tilespmem:$0x1F180] =	vst v63  }
.LBB2_38:
0x333: {  	[spmem:s1] =	stream.indirect.scatter.add.f32 [tilespmem:s14], [sflag:$0x4], $0x80, s6, s22, $0xb8;
	[tilespmem:$0x1F180] =	vst v63  }
0x334: {  	s3 =	simm.s32 $0x4  }
0x335: {  	_ =	swait.ge [sflag:s3], $0x3E80  }
0x336: {  	s30 =	simm.s32 $0x0;
	[sflag:s3] =	ssyncset.done $0x0  }
0x337: {  	s9 =	simm.s32 $0x13880;
	s6 =	rddreg [dreg:$0x10];
	[sflag:s3] =	ssyncadd.s32 $0xFFFFC180  }
0x338: {  	[tilespmem:s9], [sflag:$0x6] =	stream.linear.gather [hbm4b:s6+s30], $0x1400, $0x38;
	[tilespmem:$0x1F180] =	vst v63  }
0x339: {  	s6 =	simm.s32 $0x6  }
0x33a: {  	_ =	swait.ge [sflag:s6], $0x1400  }
0x33b: {  	[sflag:s6] =	ssyncset.done $0x0  }
0x33c: {  	s9 =	simm.s32 $0x14C80;
	s3 =	rddreg [dreg:$0x11];
	[sflag:s6] =	ssyncadd.s32 $0xFFFFEC00  }
0x33d: {  	[tilespmem:s9], [sflag:$0x6] =	stream.linear.gather [hbm4b:s3+s30], $0x1400, $0x38;
	[tilespmem:$0x1F180] =	vst v63  }
0x33e: {  	_ =	swait.ge [sflag:s6], $0x1400  }
0x33f: {  	[sflag:s6] =	ssyncset.done $0x0  }
0x340: {  	[sflag:s6] =	ssyncadd.s32 $0xFFFFEC00  }
0x341: {  	v2 =	vld [tilespmem:$0x13880];
	_ =	sdelay $0x4  }
0x342: {  	v2 =	vshll.u32 v2, $0x8  }
0x343: {  	v2 =	vperm.xlane v2, v1;
	_ =	sdelay $0x5  }
0x344: {  	[tilespmem:s0], [sflag:$0x1] =	stream.indirect_vreg.gather [hbm4b:s13+s30], $0x80, v2, vm0, $0x38;
	[tilespmem:$0x1F180] =	vst v63  }
0x345: {  	v2 =	vld [tilespmem:$0x13890];
	_ =	sdelay $0x4  }
0x346: {  	v2 =	vshll.u32 v2, $0x8  }
0x347: {  	v2 =	vperm.xlane v2, v1;
	_ =	sdelay $0x4  }
0x348: {  	s9 =	simm.s32 $0x16880  }
0x349: {  	[tilespmem:s9], [sflag:$0x1] =	stream.indirect_vreg.gather [hbm4b:s13+s30], $0x80, v2, vm0, $0x38;
	[tilespmem:$0x1F180] =	vst v63  }
0x34a: {  	v2 =	vld [tilespmem:$0x138A0];
	_ =	sdelay $0x4  }
0x34b: {  	v2 =	vshll.u32 v2, $0x8  }
0x34c: {  	v2 =	vperm.xlane v2, v1;
	_ =	sdelay $0x5  }
0x34d: {  	[tilespmem:s10], [sflag:$0x1] =	stream.indirect_vreg.gather [hbm4b:s13+s30], $0x80, v2, vm0, $0x38;
	[tilespmem:$0x1F180] =	vst v63  }
0x34e: {  	v2 =	vld [tilespmem:$0x138B0];
	_ =	sdelay $0x4  }
0x34f: {  	v2 =	vshll.u32 v2, $0x8  }
0x350: {  	v2 =	vperm.xlane v2, v1;
	_ =	sdelay $0x5  }
0x351: {  	[tilespmem:s11], [sflag:$0x1] =	stream.indirect_vreg.gather [hbm4b:s13+s30], $0x80, v2, vm0, $0x38;
	[tilespmem:$0x1F180] =	vst v63  }
0x352: {  	v2 =	vld [tilespmem:$0x138C0];
	_ =	sdelay $0x4  }
0x353: {  	v2 =	vshll.u32 v2, $0x8  }
0x354: {  	v2 =	vperm.xlane v2, v1;
	_ =	sdelay $0x5  }
0x355: {  	[tilespmem:s12], [sflag:$0x1] =	stream.indirect_vreg.gather [hbm4b:s13+s30], $0x80, v2, vm0, $0x38;
	[tilespmem:$0x1F180] =	vst v63  }
0x356: {  	v2 =	vld [tilespmem:$0x138D0];
	_ =	sdelay $0x4  }
0x357: {  	v2 =	vshll.u32 v2, $0x8  }
0x358: {  	v2 =	vperm.xlane v2, v1;
	_ =	sdelay $0x5  }
0x359: {  	[tilespmem:s15], [sflag:$0x1] =	stream.indirect_vreg.gather [hbm4b:s13+s30], $0x80, v2, vm0, $0x38;
	[tilespmem:$0x1F180] =	vst v63  }
0x35a: {  	v2 =	vld [tilespmem:$0x138E0];
	_ =	sdelay $0x4  }
0x35b: {  	v2 =	vshll.u32 v2, $0x8  }
0x35c: {  	v2 =	vperm.xlane v2, v1;
	_ =	sdelay $0x5  }
0x35d: {  	[tilespmem:s16], [sflag:$0x1] =	stream.indirect_vreg.gather [hbm4b:s13+s30], $0x80, v2, vm0, $0x38;
	[tilespmem:$0x1F180] =	vst v63  }
0x35e: {  	v2 =	vld.msk [tilespmem:$0x138F0], $0x1fff;
	_ =	sdelay $0x4  }
0x35f: {  	v2 =	vshll.u32 v2, $0x8  }
0x360: {  	v2 =	vperm.xlane v2, v1;
	_ =	sdelay $0x5  }
0x361: {  	[tilespmem:s17], [sflag:$0x1] =	stream.indirect_vreg.gather [hbm4b:s13+s30], $0x80, v2, vm1, $0x38;
	[tilespmem:$0x1F180] =	vst v63  }
.LBB2_39:
0x362: {  	p1 =	seq.s32 s30, $0x0  }
0x363: {  	s3 =	simm.s32 @!p1 $0x4  }
0x364: {  	_ =	swait.ge @!p1 [sflag:s3], $0x3E80  }
0x365: {  	[sflag:s3] =	ssyncset.done @!p1 $0x0  }
0x366: {  	[sflag:s3] =	ssyncadd.s32 @!p1 $0xFFFFC180;
	s3 =	sshra.s32 s30, $0x2  }
0x367: {  	v2 =	vld [tilespmem:s3+$0x13900];
	_ =	sdelay $0x4  }
0x368: {  	v2 =	vshll.u32 v2, $0x8  }
0x369: {  	v2 =	vperm.xlane v2, v1;
	_ =	sdelay $0x5  }
0x36a: {  	[tilespmem:s14], [sflag:$0x2] =	stream.indirect_vreg.gather [hbm4b:s13+s2], $0x80, v2, vm0, $0x38;
	[tilespmem:$0x1F180] =	vst v63  }
0x36b: {  	v2 =	vld [tilespmem:s3+$0x13910];
	_ =	sdelay $0x4  }
0x36c: {  	v2 =	vshll.u32 v2, $0x8  }
0x36d: {  	v2 =	vperm.xlane v2, v1;
	_ =	sdelay $0x5  }
0x36e: {  	[tilespmem:s18], [sflag:$0x2] =	stream.indirect_vreg.gather [hbm4b:s13+s2], $0x80, v2, vm0, $0x38;
	[tilespmem:$0x1F180] =	vst v63  }
0x36f: {  	v2 =	vld [tilespmem:s3+$0x13920];
	_ =	sdelay $0x4  }
0x370: {  	v2 =	vshll.u32 v2, $0x8  }
0x371: {  	v2 =	vperm.xlane v2, v1;
	_ =	sdelay $0x5  }
0x372: {  	[tilespmem:s19], [sflag:$0x2] =	stream.indirect_vreg.gather [hbm4b:s13+s2], $0x80, v2, vm0, $0x38;
	[tilespmem:$0x1F180] =	vst v63  }
0x373: {  	v2 =	vld [tilespmem:s3+$0x13930];
	_ =	sdelay $0x4  }
0x374: {  	v2 =	vshll.u32 v2, $0x8  }
0x375: {  	v2 =	vperm.xlane v2, v1;
	_ =	sdelay $0x5  }
0x376: {  	[tilespmem:s24], [sflag:$0x2] =	stream.indirect_vreg.gather [hbm4b:s13+s2], $0x80, v2, vm0, $0x38;
	[tilespmem:$0x1F180] =	vst v63  }
0x377: {  	v2 =	vld [tilespmem:s3+$0x13940];
	_ =	sdelay $0x4  }
0x378: {  	v2 =	vshll.u32 v2, $0x8  }
0x379: {  	v2 =	vperm.xlane v2, v1;
	_ =	sdelay $0x5  }
0x37a: {  	[tilespmem:s29], [sflag:$0x2] =	stream.indirect_vreg.gather [hbm4b:s13+s2], $0x80, v2, vm0, $0x38;
	[tilespmem:$0x1F180] =	vst v63  }
0x37b: {  	v2 =	vld [tilespmem:s3+$0x13950];
	_ =	sdelay $0x4  }
0x37c: {  	v2 =	vshll.u32 v2, $0x8  }
0x37d: {  	v2 =	vperm.xlane v2, v1;
	_ =	sdelay $0x4  }
0x37e: {  	s6 =	simm.s32 $0x1C700  }
0x37f: {  	[tilespmem:s6], [sflag:$0x2] =	stream.indirect_vreg.gather [hbm4b:s13+s2], $0x80, v2, vm0, $0x38;
	[tilespmem:$0x1F180] =	vst v63  }
0x380: {  	v2 =	vld [tilespmem:s3+$0x13960];
	_ =	sdelay $0x4  }
0x381: {  	v2 =	vshll.u32 v2, $0x8  }
0x382: {  	v2 =	vperm.xlane v2, v1;
	_ =	sdelay $0x4  }
0x383: {  	s6 =	simm.s32 $0x1CF00  }
0x384: {  	[tilespmem:s6], [sflag:$0x2] =	stream.indirect_vreg.gather [hbm4b:s13+s2], $0x80, v2, vm0, $0x38;
	[tilespmem:$0x1F180] =	vst v63  }
0x385: {  	v2 =	vld.msk [tilespmem:s3+$0x13970], $0x1fff;
	_ =	sdelay $0x4  }
0x386: {  	v2 =	vshll.u32 v2, $0x8  }
0x387: {  	v2 =	vperm.xlane v2, v1;
	_ =	sdelay $0x4  }
0x388: {  	s6 =	simm.s32 $0x1D700  }
0x389: {  	[tilespmem:s6], [sflag:$0x2] =	stream.indirect_vreg.gather [hbm4b:s13+s2], $0x80, v2, vm1, $0x38;
	[tilespmem:$0x1F180] =	vst v63  }
0x38a: {  	_ =	swait.ge [sflag:s31], $0x3E80  }
0x38b: {  	[sflag:s31] =	ssyncset.done $0x0  }
0x38c: {  	s6 =	sadd.s32 $0x14C80, s3;
	[sflag:s31] =	ssyncadd.s32 $0xFFFFC180  }
0x38d: {  	[spmem:s1] =	stream.indirect.scatter.add.f32 [tilespmem:s0], [sflag:$0x3], $0x80, s6, s22, $0xb8;
	[tilespmem:$0x1F180] =	vst v63  }
0x38e: {  	p1 =	seq.s32 s30, $0x4C00;
	_ =	swait.ge [sflag:s5], $0x3E80  }
.Ltmp31:
0x38f: {  	[sflag:s5] =	ssyncset.done $0x0;
	(pc) =	sbr.rel @p1 .LBB2_41-.Ltmp31, $4  }
0x390: {  	[sflag:s5] =	ssyncadd.s32 $0xFFFFC180  }
0x391: {  	_ =	swait.ge [sflag:s23], $0x3E80  }
0x392: {  	[sflag:s23] =	ssyncset.done $0x0  }
0x393: {  	s6 =	sadd.s32 $0x14D00, s3;
	[sflag:s23] =	ssyncadd.s32 $0xFFFFC180  }
0x394: {  	v2 =	vld [tilespmem:s3+$0x13980];
	_ =	sdelay $0x4  }
0x395: {  	v2 =	vshll.u32 v2, $0x8  }
0x396: {  	v2 =	vperm.xlane v2, v1;
	_ =	sdelay $0x5  }
0x397: {  	[tilespmem:s0], [sflag:$0x1] =	stream.indirect_vreg.gather [hbm4b:s13+s2], $0x80, v2, vm0, $0x38;
	[tilespmem:$0x1F180] =	vst v63  }
0x398: {  	v2 =	vld [tilespmem:s3+$0x13990];
	_ =	sdelay $0x4  }
0x399: {  	v2 =	vshll.u32 v2, $0x8  }
0x39a: {  	v2 =	vperm.xlane v2, v1;
	_ =	sdelay $0x5  }
0x39b: {  	[tilespmem:s9], [sflag:$0x1] =	stream.indirect_vreg.gather [hbm4b:s13+s2], $0x80, v2, vm0, $0x38;
	[tilespmem:$0x1F180] =	vst v63  }
0x39c: {  	v2 =	vld [tilespmem:s3+$0x139A0];
	_ =	sdelay $0x4  }
0x39d: {  	v2 =	vshll.u32 v2, $0x8  }
0x39e: {  	v2 =	vperm.xlane v2, v1;
	_ =	sdelay $0x5  }
0x39f: {  	[tilespmem:s10], [sflag:$0x1] =	stream.indirect_vreg.gather [hbm4b:s13+s2], $0x80, v2, vm0, $0x38;
	[tilespmem:$0x1F180] =	vst v63  }
0x3a0: {  	v2 =	vld [tilespmem:s3+$0x139B0];
	_ =	sdelay $0x4  }
0x3a1: {  	v2 =	vshll.u32 v2, $0x8  }
0x3a2: {  	v2 =	vperm.xlane v2, v1;
	_ =	sdelay $0x5  }
0x3a3: {  	[tilespmem:s11], [sflag:$0x1] =	stream.indirect_vreg.gather [hbm4b:s13+s2], $0x80, v2, vm0, $0x38;
	[tilespmem:$0x1F180] =	vst v63  }
0x3a4: {  	v2 =	vld [tilespmem:s3+$0x139C0];
	_ =	sdelay $0x4  }
0x3a5: {  	v2 =	vshll.u32 v2, $0x8  }
0x3a6: {  	v2 =	vperm.xlane v2, v1;
	_ =	sdelay $0x5  }
0x3a7: {  	[tilespmem:s12], [sflag:$0x1] =	stream.indirect_vreg.gather [hbm4b:s13+s2], $0x80, v2, vm0, $0x38;
	[tilespmem:$0x1F180] =	vst v63  }
0x3a8: {  	v2 =	vld [tilespmem:s3+$0x139D0];
	_ =	sdelay $0x4  }
0x3a9: {  	v2 =	vshll.u32 v2, $0x8  }
0x3aa: {  	v2 =	vperm.xlane v2, v1;
	_ =	sdelay $0x5  }
0x3ab: {  	[tilespmem:s15], [sflag:$0x1] =	stream.indirect_vreg.gather [hbm4b:s13+s2], $0x80, v2, vm0, $0x38;
	[tilespmem:$0x1F180] =	vst v63  }
0x3ac: {  	v2 =	vld [tilespmem:s3+$0x139E0];
	_ =	sdelay $0x4  }
0x3ad: {  	v2 =	vshll.u32 v2, $0x8  }
0x3ae: {  	v2 =	vperm.xlane v2, v1;
	_ =	sdelay $0x5  }
0x3af: {  	[tilespmem:s16], [sflag:$0x1] =	stream.indirect_vreg.gather [hbm4b:s13+s2], $0x80, v2, vm0, $0x38;
	[tilespmem:$0x1F180] =	vst v63  }
0x3b0: {  	v2 =	vld.msk [tilespmem:s3+$0x139F0], $0x1fff;
	_ =	sdelay $0x4  }
0x3b1: {  	v2 =	vshll.u32 v2, $0x8  }
0x3b2: {  	v2 =	vperm.xlane v2, v1;
	_ =	sdelay $0x3  }
.Ltmp32:
0x3b3: {  	_ = 	snop;
	(pc) =	sbr.rel .LBB2_39-.Ltmp32, $4  }
0x3b4: {  	_ = 	snop  }
0x3b5: {  	[tilespmem:s17], [sflag:$0x1] =	stream.indirect_vreg.gather [hbm4b:s13+s2], $0x80, v2, vm1, $0x38;
	[tilespmem:$0x1F180] =	vst v63  }
0x3b6: {  	s30 =	sadd.s32 $0x400, s30  }
0x3b7: {  	[spmem:s1] =	stream.indirect.scatter.add.f32 [tilespmem:s14], [sflag:$0x4], $0x80, s6, s22, $0xb8;
	[tilespmem:$0x1F180] =	vst v63  }
.LBB2_41:
0x3b8: {  	[spmem:s1] =	stream.indirect.scatter.add.f32 [tilespmem:s14], [sflag:$0x4], $0x80, s6, s22, $0xb8;
	[tilespmem:$0x1F180] =	vst v63  }
0x3b9: {  	s3 =	simm.s32 $0x4  }
0x3ba: {  	s10 =	simm.s32 $0x1BF00;
	_ =	swait.ge [sflag:s3], $0x3E80  }
0x3bb: {  	s29 =	simm.s32 $0x1B700;
	s24 =	simm.s32 $0x1AF00;
	[sflag:s3] =	ssyncset.done $0x0  }
0x3bc: {  	s19 =	simm.s32 $0x1A700;
	s18 =	simm.s32 $0x19880;
	[sflag:s3] =	ssyncadd.s32 $0xFFFFC180  }
.Ltmp33:
0x3bd: {  	s17 =	simm.s32 $0x19080;
	[bflag:$0x0] =	sbarrier.arrive $0xFFFF;
	(pc) =	sbr.rel @!p0 .LBB2_43-.Ltmp33, $4  }
0x3be: {  	s16 =	simm.s32 $0x18880;
	s15 =	simm.s32 $0x18080;
	s9 =	rddreg [dreg:$0x15]  }
0x3bf: {  	s12 =	simm.s32 $0x17880;
	s3 =	sadd.s32 $0xFFFFFFFF, s7;
	s7 =	rddreg [dreg:$0x17]  }
0x3c0: {  	s11 =	simm.s32 $0x17080;
	s30 =	rddreg [dreg:$0x12];
	s6 =	sadd.s32 $0x2800, s9  }
0x3c1: {  	s7 =	sadd.s32 s21, s7;
	s9 =	sshrl.u32 s9, $0x3;
	s30 =	sadd.s32 $0x2800, s30  }
.LBB2_42:
0x3c2: {  	[hbm:s7], [sflag:s25] =	dma.local [spmem:s9], $0x500  }
0x3c3: {  	p1 =	sne.s32 s3, $0x1  }
.Ltmp34:
0x3c4: {  	s3 =	sadd.s32 $0xFFFFFFFF, s3;
	(pc) =	sbr.rel @p1 .LBB2_42-.Ltmp34, $3  }
0x3c5: {  	s9 =	smov.u32 s6;
	_ =	sdelay $0x1  }
0x3c6: {  	s7 =	sshrl.u32 s30, $0x3;
	s6 =	sadd.s32 $0x2800, s6  }
0x3c7: {  	s30 =	sadd.s32 $0x2800, s30;
	s7 =	sadd.s32 s21, s7;
	s9 =	sshrl.u32 s9, $0x3  }
.LBB2_43:
.Ltmp35:
0x3c8: {  	(pc) =	sbr.rel @!p0 .LBB2_45-.Ltmp35, $4  }
0x3c9: {  	[hbm:s7], [sflag:s25] =	dma.local [spmem:s9], $0x500  }
0x3ca: {  	_ =	swait.ge [sflag:s26], $0x500  }
0x3cb: {  	s9 =	rddreg [dreg:$0x13]  }
0x3cc: {  	[sflag:s26] =	ssyncset.done $0x0;
	s3 =	sadd.s32 $0xFFFFFFFF, s9  }
.LBB2_44:
0x3cd: {  	p0 =	sne.s32 s3, $0x1;
	s3 =	sadd.s32 $0xFFFFFFFF, s3;
	[sflag:s26] =	ssyncadd.s32 $0xFFFFFB00  }
.Ltmp36:
0x3ce: {  	(pc) =	sbr.rel @p0 .LBB2_44-.Ltmp36, $3  }
0x3cf: {  	_ =	sdelay $0x1  }
0x3d0: {  	_ =	swait.ge [sflag:s26], $0x500  }
0x3d1: {  	[sflag:s26] =	ssyncset.done $0x0  }
.LBB2_45:
0x3d2: {  	s6 =	rddreg [dreg:$0x16]  }
0x3d3: {  	s3 =	rddreg [dreg:$0x14];
	s6 =	sadd.s32 $0x1, s6  }
0x3d4: {  	p0 =	sne.s32 s6, s3  }
.Ltmp37:
0x3d5: {  	_ = 	snop;
	(pc) =	sbr.rel @p0 .LBB2_1-.Ltmp37, $4  }
0x3d6: {  	_ = 	snop  }
0x3d7: {  	[sflag:s26] =	ssyncadd.s32 $0xFFFFFB00  }
0x3d8: {  	[bflag:$0x0] =	sbarrier.arrive $0xFFFF  }
0x3d9: {  	s7 =	rddreg [dreg:$0x5]  }
0x3da: {  	_ =	sfence.sel $0x180000  }
0x3db: {  	[bflag:$0x0] =	sbarrier.arrive $0xFFFF  }
0x3dc: {  	_ =	strace $0x90000047  }
0x3dd: {  	s0 =	stileid.u32;
	[bflag:$0x2] =	sbarrier.arrive $0xFFFF  }
0x3de: {  	p0 =	sne.s32 s0, $0x0;
	s0 =	rddreg [dreg:$0x4]  }
0x3df: {  	s0 =	sadd.s32 @!p0 $0x100000, s0  }
0x3e0: {  	[sflag:s0] =	ssyncadd.tile.s32 @!p0 $0x1;
	_ =	shalt  }
.Lfunc_end2:
_tile_overlayer_lowered:
.L_overlay_start_2:
0x3e1: {  	(tag) =	ssettag $0x2  }
0x3e2: {  	s0 =	rddreg [dreg:$0x0];
	s2 =	stileid.u32  }
0x3e3: {  	s1 =	rddreg [dreg:$0x1];
	p0 =	sne.s32 s2, $0x0  }
0x3e4: {  	s3 =	rddreg [dreg:$0x2];
	[bflag:$0x3] =	sbarrier.arrive $0xFFFF;
	s2 =	simm.s32 @!p0 $0x1C06  }
0x3e5: {  	[timem:s3], [sflag:s2] =	dma.local @!p0 [hbm:s0], s1  }
0x3e6: {  	s0 =	simm.s32 @!p0 $0x6  }
0x3e7: {  	_ =	swait.ge @!p0 [sflag:s0], s1  }
0x3e8: {  	s1 =	ssub.s32 @!p0 $0x0, s1;
	[sflag:s0] =	ssyncset.done @!p0 $0x0  }
0x3e9: {  	[sflag:s0] =	ssyncadd.s32 @!p0 s1  }
0x3ea: {  	[bflag:$0x3] =	sbarrier.arrive $0xFFFF  }
0x3eb: {  	_ =	shalt  }

</sc_bundles>
